<compile_context>
chip_gen: v7x
topology: tpu7x:2x2x1
jax: 0.10.2.dev20260603
libtpu: 0.0.44.dev20260713+nightly
codegen_flags: <defaults>
</compile_context>

<pallas_src>
import functools

import jax
import jax.numpy as jnp
from jax import lax
from jax.experimental import pallas as pl
from jax.experimental.pallas import tpu as pltpu
from jax.experimental.pallas import tpu_sc as plsc

N = 10000
NP = 10240
D = 256
HALF = 128
K = 128
G = 80
GA = G + 4
TILES = 16
E = 160000
EPAD = TILES * G * K
TRASH = N
RPT = NP // TILES
MB = 1024


def _sc_agg_body(h_hbm, src_hbm, dst_hbm, z_hbm, out_hbm,
                 acc, dstv, rb0, rb1, sb0, sb1, sb2, sb3,
                 semG0, semG1, semS0, semS1, semS2, semS3):
    c = lax.axis_index("c")
    s = lax.axis_index("s")
    pltpu.sync_copy(dst_hbm.at[s], dstv)
    pltpu.sync_copy(z_hbm, acc.at[pl.ds(s * RPT, RPT)])
    plsc.subcore_barrier()

    def idx_load(g, sb, semS):
        pltpu.async_copy(src_hbm.at[c, s, g], sb, semS)

    def idx_wait(sb, semS):
        pltpu.make_async_copy(src_hbm.at[c, s, 0], sb, semS).wait()

    def gather(sb, rb, semG):
        pltpu.async_copy(h_hbm.at[sb], rb, semG)

    def gather_wait(sb, rb, semG):
        pltpu.make_async_copy(h_hbm.at[sb], rb, semG).wait()

    def scatter(rb, g):
        pltpu.sync_copy(rb, acc.at[dstv.at[g]], add=True)

    idx_load(0, sb0, semS0)
    idx_load(1, sb1, semS1)
    idx_load(2, sb2, semS2)
    idx_load(3, sb3, semS3)
    idx_wait(sb0, semS0)
    gather(sb0, rb0, semG0)
    idx_wait(sb1, semS1)
    gather(sb1, rb1, semG1)

    def body(i, carry):
        g = 4 * i
        gather_wait(sb0, rb0, semG0)
        scatter(rb0, g)
        idx_wait(sb2, semS2)
        gather(sb2, rb0, semG0)
        idx_load(g + 4, sb0, semS0)

        gather_wait(sb1, rb1, semG1)
        scatter(rb1, g + 1)
        idx_wait(sb3, semS3)
        gather(sb3, rb1, semG1)
        idx_load(g + 5, sb1, semS1)

        gather_wait(sb2, rb0, semG0)
        scatter(rb0, g + 2)
        idx_wait(sb0, semS0)
        gather(sb0, rb0, semG0)
        idx_load(g + 6, sb2, semS2)

        gather_wait(sb3, rb1, semG1)
        scatter(rb1, g + 3)
        idx_wait(sb1, semS1)
        gather(sb1, rb1, semG1)
        idx_load(g + 7, sb3, semS3)
        return carry

    lax.fori_loop(0, G // 4, body, 0)

    gather_wait(sb0, rb0, semG0)
    gather_wait(sb1, rb1, semG1)
    idx_wait(sb2, semS2)
    idx_wait(sb3, semS3)

    plsc.subcore_barrier()
    pltpu.sync_copy(acc.at[pl.ds(s * RPT, RPT)],
                    out_hbm.at[c, pl.ds(s * RPT, RPT)])


@functools.lru_cache(maxsize=1)
def _get_sc_agg():
    return pl.kernel(
        _sc_agg_body,
        out_type=jax.ShapeDtypeStruct((2, NP, HALF), jnp.float32),
        mesh=plsc.VectorSubcoreMesh(core_axis_name="c", subcore_axis_name="s"),
        scratch_types=[
            pltpu.VMEM_SHARED((NP, HALF), jnp.float32),
            pltpu.VMEM((GA, K), jnp.int32),
            pltpu.VMEM((K, HALF), jnp.float32),
            pltpu.VMEM((K, HALF), jnp.float32),
            pltpu.VMEM((K,), jnp.int32),
            pltpu.VMEM((K,), jnp.int32),
            pltpu.VMEM((K,), jnp.int32),
            pltpu.VMEM((K,), jnp.int32),
            pltpu.SemaphoreType.DMA,
            pltpu.SemaphoreType.DMA,
            pltpu.SemaphoreType.DMA,
            pltpu.SemaphoreType.DMA,
            pltpu.SemaphoreType.DMA,
            pltpu.SemaphoreType.DMA,
        ],
    )


def _sc_agg(h_flat, src3, dstp, zslab):
    return _get_sc_agg()(h_flat, src3, dstp, zslab)


def _sc_deg_body(dst_hbm, out_hbm, dstv, ldeg):
    c = lax.axis_index("c")
    s = lax.axis_index("s")

    @pl.when(c == 0)
    def _():
        pltpu.sync_copy(dst_hbm.at[s], dstv)
        zeros16 = jnp.zeros((16,), jnp.float32)
        ones16 = jnp.ones((16,), jnp.float32)

        def zbody(i, carry):
            ldeg[pl.ds(i * 16, 16)] = zeros16
            return carry

        lax.fori_loop(0, NP // 16, zbody, 0)

        def ebody(i, carry):
            idx = dstv[pl.ds(i * 16, 16)]
            plsc.addupdate_scatter(ldeg, [idx], ones16)
            return carry

        lax.fori_loop(0, (G * K) // 16, ebody, 0)
        pltpu.sync_copy(ldeg, out_hbm.at[s])


@functools.lru_cache(maxsize=1)
def _get_sc_deg():
    return pl.kernel(
        _sc_deg_body,
        out_type=jax.ShapeDtypeStruct((TILES, NP), jnp.float32),
        mesh=plsc.VectorSubcoreMesh(core_axis_name="c", subcore_axis_name="s"),
        scratch_types=[
            pltpu.VMEM((G * K,), jnp.int32),
            pltpu.VMEM((NP,), jnp.float32),
        ],
        compiler_params=pltpu.CompilerParams(needs_layout_passes=False),
    )


def _sc_deg(dst_flat):
    return _get_sc_deg()(dst_flat)


def _layer_math(h_ref, a_ref, d_ref, ws_ref, wn_ref, b_ref):
    hs = jnp.concatenate([h_ref[0], h_ref[1]], axis=1)
    deg = jnp.sum(d_ref[...], axis=0)[:, None]
    scale = 1.0 / jnp.maximum(deg, 1.0)
    hn = jnp.concatenate([a_ref[0], a_ref[1]], axis=1) * scale
    return (jnp.dot(hs, ws_ref[...], preferred_element_type=jnp.float32)
            + jnp.dot(hn, wn_ref[...], preferred_element_type=jnp.float32)
            + b_ref[...])


def _tc_layer_body(h_ref, a_ref, d_ref, ws_ref, wn_ref, b_ref, o_ref):
    out = jnp.maximum(
        _layer_math(h_ref, a_ref, d_ref, ws_ref, wn_ref, b_ref), 0.0)
    o_ref[0, :, :] = out[:, :HALF]
    o_ref[1, :, :] = out[:, HALF:]


def _tc_final_body(h_ref, a_ref, d_ref, ws_ref, wn_ref, b_ref, wfc_ref,
                   bfc_ref, h_out_ref, lg_ref):
    out = _layer_math(h_ref, a_ref, d_ref, ws_ref, wn_ref, b_ref)
    h_out_ref[...] = out
    lg_ref[...] = (jnp.dot(out, wfc_ref[...], preferred_element_type=jnp.float32)
                   + bfc_ref[...])


_spec_hw = pl.BlockSpec((2, MB, HALF), lambda i: (0, i, 0))
_spec_dg = pl.BlockSpec((TILES, MB), lambda i: (0, i))
_spec_w = pl.BlockSpec((D, D), lambda i: (0, 0))
_spec_b = pl.BlockSpec((1, D), lambda i: (0, 0))

_tc_layer = pl.pallas_call(
    _tc_layer_body,
    grid=(NP // MB,),
    in_specs=[_spec_hw, _spec_hw, _spec_dg, _spec_w, _spec_w, _spec_b],
    out_specs=_spec_hw,
    out_shape=jax.ShapeDtypeStruct((2, NP, HALF), jnp.float32),
)

_tc_final = pl.pallas_call(
    _tc_final_body,
    grid=(NP // MB,),
    in_specs=[_spec_hw, _spec_hw, _spec_dg, _spec_w, _spec_w, _spec_b,
              pl.BlockSpec((D, HALF), lambda i: (0, 0)),
              pl.BlockSpec((1, HALF), lambda i: (0, 0))],
    out_specs=[pl.BlockSpec((MB, D), lambda i: (i, 0)),
               pl.BlockSpec((MB, HALF), lambda i: (i, 0))],
    out_shape=[jax.ShapeDtypeStruct((NP, D), jnp.float32),
               jax.ShapeDtypeStruct((NP, HALF), jnp.float32)],
)


def kernel(inputs, edge_index, Ws0, Wn0, b0, Ws1, Wn1, b1, Ws2, Wn2, b2,
           Wfc, bfc):
    x = inputs.astype(jnp.float32)
    h = jnp.stack([x[:, :HALF], x[:, HALF:]])
    h = jnp.pad(h, ((0, 0), (0, NP - N), (0, 0)))

    src = edge_index[0].astype(jnp.int32)
    dst = edge_index[1].astype(jnp.int32)
    npad = EPAD - E
    srcp = jnp.concatenate([src, jnp.zeros((npad,), jnp.int32)])
    dstp = jnp.concatenate([dst, jnp.full((npad,), TRASH, jnp.int32)])
    srcp = srcp.reshape(TILES, G, K)
    dstp = dstp.reshape(TILES, G, K)
    srcp = jnp.pad(srcp, ((0, 0), (0, GA - G), (0, 0)))
    dstp = jnp.pad(dstp, ((0, 0), (0, GA - G), (0, 0)),
                   constant_values=TRASH)
    src3 = jnp.stack([srcp, srcp + NP])
    dst_flat = dstp[:, :G, :].reshape(TILES, G * K)
    zslab = jnp.zeros((RPT, HALF), jnp.float32)

    b0r = b0.reshape(1, D)
    b1r = b1.reshape(1, D)
    b2r = b2.reshape(1, D)
    wfc_p = jnp.pad(Wfc, ((0, 0), (0, HALF - Wfc.shape[1])))
    bfc_p = jnp.pad(bfc, (0, HALF - bfc.shape[0])).reshape(1, HALF)

    deg16 = _sc_deg(dst_flat)

    agg = _sc_agg(h.reshape(2 * NP, HALF), src3, dstp, zslab)
    h = _tc_layer(h, agg, deg16, Ws0, Wn0, b0r)
    agg = _sc_agg(h.reshape(2 * NP, HALF), src3, dstp, zslab)
    h = _tc_layer(h, agg, deg16, Ws1, Wn1, b1r)
    agg = _sc_agg(h.reshape(2 * NP, HALF), src3, dstp, zslab)
    h_fin, logits = _tc_final(h, agg, deg16, Ws2, Wn2, b2r, wfc_p, bfc_p)

    return logits[:N, :bfc.shape[0]], h_fin[:N]

# --- scband reference (transcript-rebuilt; emitter-appended) ---
"""Pipeline reference for scband-graph-sage-75660143886499 (READ-ONLY COPY).

The authoritative reference and input builder live on the scoring server;
editing this copy changes nothing except your own understanding.
"""

import jax, jax.numpy as jnp
import numpy as np

N = 10000
E = 160000
D_IN = 256
D_HID = 256
FC_DIM = 256
N_CLASSES = 47


def _init_linear(key, fan_in, fan_out):
    k1, k2 = jax.random.split(key)
    lim = 1.0 / np.sqrt(fan_in)
    W = jax.random.uniform(k1, (fan_in, fan_out), minval=-lim, maxval=lim, dtype=jnp.float32)
    b = jax.random.uniform(k2, (fan_out,), minval=-lim, maxval=lim, dtype=jnp.float32)
    return W, b


def setup_inputs(seed: int = 0) -> dict:
    key = jax.random.key(seed)
    ks = jax.random.split(key, 10)
    x = jax.random.normal(ks[0], (N, D_IN), dtype=jnp.float32)
    edge_index = jax.random.randint(ks[1], (2, E), 0, N, dtype=jnp.int32)
    # SAGEConv layer 0: in_feats -> n_hidden (mean aggregator: fc_self + fc_neigh)
    Ws0, b0 = _init_linear(ks[2], D_IN, D_HID)
    Wn0, _ = _init_linear(ks[3], D_IN, D_HID)
    # SAGEConv layer 1: n_hidden -> n_hidden
    Ws1, b1 = _init_linear(ks[4], D_HID, D_HID)
    Wn1, _ = _init_linear(ks[5], D_HID, D_HID)
    # SAGEConv layer 2: n_hidden -> fc_dim
    Ws2, b2 = _init_linear(ks[6], D_HID, FC_DIM)
    Wn2, _ = _init_linear(ks[7], D_HID, FC_DIM)
    # final fc: fc_dim -> n_classes
    Wfc, bfc = _init_linear(ks[8], FC_DIM, N_CLASSES)
    return {
        "inputs": x, "edge_index": edge_index,
        "Ws0": Ws0, "Wn0": Wn0, "b0": b0,
        "Ws1": Ws1, "Wn1": Wn1, "b1": b1,
        "Ws2": Ws2, "Wn2": Wn2, "b2": b2,
        "Wfc": Wfc, "bfc": bfc,
    }


def _sage_conv(h, edge_index, Wself, Wneigh, b):
    n = h.shape[0]
    src = edge_index[0]
    dst = edge_index[1]
    msg = jnp.take(h, src, axis=0)
    agg = jax.ops.segment_sum(msg, dst, num_segments=n)
    deg = jax.ops.segment_sum(jnp.ones((edge_index.shape[1],), dtype=h.dtype), dst, num_segments=n)
    h_neigh = agg / jnp.clip(deg, 1.0, None)[:, None]
    return h @ Wself + h_neigh @ Wneigh + b


def reference(inputs, edge_index, Ws0, Wn0, b0, Ws1, Wn1, b1, Ws2, Wn2, b2, Wfc, bfc):
    # dropout p=0.0 -> identity
    h = inputs
    h = _sage_conv(h, edge_index, Ws0, Wn0, b0)
    h = jax.nn.relu(h)
    h = _sage_conv(h, edge_index, Ws1, Wn1, b1)
    h = jax.nn.relu(h)
    h = _sage_conv(h, edge_index, Ws2, Wn2, b2)
    logits = h @ Wfc + bfc
    return (logits, h)

if __name__ == "__main__":
    import jax
    _d = setup_inputs()
    print(jax.jit(kernel)(*tuple(_d.values())))

</pallas_src>

<mosaic_0001>
#map = affine_map<(d0, d1) -> (0, 0)>
module attributes {stable_mosaic.version = 14 : i64} {
  func.func @_sc_deg_body(%arg0: i32, %arg1: i32, %arg2: memref<16x10240xi32, #tpu.memory_space<hbm>>, %arg3: memref<16x10240xf32, #tpu.memory_space<hbm>>, %arg4: memref<10240xi32, #tpu.memory_space<vmem>>, %arg5: memref<10240xf32, #tpu.memory_space<vmem>>) attributes {dimension_semantics = [#tpu.dimension_semantics<core_parallel>, #tpu.dimension_semantics<subcore_parallel>], iteration_bounds = array<i64: 2, 16>, scalar_prefetch = 0 : i64, scratch_operands = 2 : i64, tpu.core_type = #tpu.core_type<sc_vector_subcore>, window_params = [{transform_indices = #map}, {transform_indices = #map}]} {
    %eq3A = arith.constant 0 : i32
    %eq3A_0 = arith.cmpi eq, %arg0, %eq3A : i32
    %convert_element_type3A = arith.extui %eq3A_0 : i1 to i32
    %cond3A = arith.constant 0 : i32
    %cond3A_1 = arith.cmpi ne, %convert_element_type3A, %cond3A : i32
    scf.if %cond3A_1 {
      "tpu.region"() ({
        %run_scoped3A = tpu.sem_alloc : memref<!tpu.dma_semaphore, #tpu.memory_space<semaphore_mem>>
        %dma_start3A = arith.constant 0 : i32
        %dma_start3A_16 = tpu.memref_slice %arg2[%arg1, %dma_start3A] : memref<16x10240xi32, #tpu.memory_space<hbm>> -> memref<1x10240xi32, #tpu.memory_space<hbm>>
        %dma_start3A_17 = tpu.memref_squeeze %dma_start3A_16 : memref<1x10240xi32, #tpu.memory_space<hbm>> -> memref<10240xi32, #tpu.memory_space<hbm>>
        %dma_start3A_18 = arith.constant 0 : i32
        %dma_start3A_19 = tpu.memref_slice %arg2[%arg1, %dma_start3A_18] : memref<16x10240xi32, #tpu.memory_space<hbm>> -> memref<1x10240xi32, #tpu.memory_space<hbm>>
        %dma_start3A_20 = tpu.memref_squeeze %dma_start3A_19 : memref<1x10240xi32, #tpu.memory_space<hbm>> -> memref<10240xi32, #tpu.memory_space<hbm>>
        tpu.enqueue_dma source(%dma_start3A_20 : memref<10240xi32, #tpu.memory_space<hbm>>) target(%arg4 : memref<10240xi32, #tpu.memory_space<vmem>>) target_semaphore(%run_scoped3A : memref<!tpu.dma_semaphore, #tpu.memory_space<semaphore_mem>>)
        %dma_wait3A = arith.constant 0 : i32
        %dma_wait3A_21 = tpu.memref_slice %arg2[%arg1, %dma_wait3A] : memref<16x10240xi32, #tpu.memory_space<hbm>> -> memref<1x10240xi32, #tpu.memory_space<hbm>>
        %dma_wait3A_22 = tpu.memref_squeeze %dma_wait3A_21 : memref<1x10240xi32, #tpu.memory_space<hbm>> -> memref<10240xi32, #tpu.memory_space<hbm>>
        %dma_wait3A_23 = arith.constant 0 : i32
        %dma_wait3A_24 = tpu.memref_slice %arg2[%arg1, %dma_wait3A_23] : memref<16x10240xi32, #tpu.memory_space<hbm>> -> memref<1x10240xi32, #tpu.memory_space<hbm>>
        %dma_wait3A_25 = tpu.memref_squeeze %dma_wait3A_24 : memref<1x10240xi32, #tpu.memory_space<hbm>> -> memref<10240xi32, #tpu.memory_space<hbm>>
        tpu.wait_dma2 semaphore(%run_scoped3A : memref<!tpu.dma_semaphore, #tpu.memory_space<semaphore_mem>>) src(%dma_wait3A_25 : memref<10240xi32, #tpu.memory_space<hbm>>) dst(%arg4 : memref<10240xi32, #tpu.memory_space<vmem>>)
        tpu.yield
      }) : () -> ()
      %broadcast_in_dim3A = arith.constant 0.000000e+00 : f32
      %broadcast_in_dim3A_2 = vector.broadcast %broadcast_in_dim3A : f32 to vector<16xf32>
      %broadcast_in_dim3A_3 = arith.constant 1.000000e+00 : f32
      %broadcast_in_dim3A_4 = vector.broadcast %broadcast_in_dim3A_3 : f32 to vector<16xf32>
      %scan3A = arith.constant 0 : i32
      %scan3A_5 = arith.constant 0 : i32
      %scan3A_6 = arith.constant 640 : i32
      %scan3A_7 = arith.addi %scan3A_5, %scan3A_6 : i32
      %scan3A_8 = arith.constant 1 : i32
      scf.for %scan3A_16 = %scan3A_5 to %scan3A_7 step %scan3A_8  : i32 {
        %mul3A = arith.constant 16 : i32
        %mul3A_17 = arith.muli %scan3A_16, %mul3A : i32
        %swap3A = arith.index_cast %mul3A_17 : i32 to index
        %swap3A_18 = tpu.vector_load %arg5[%swap3A] {strides = array<i32>} : memref<10240xf32, #tpu.memory_space<vmem>>, vector<16xf32>,
        tpu.vector_store %arg5[%swap3A], %broadcast_in_dim3A_2 {strides = array<i32>} : memref<10240xf32, #tpu.memory_space<vmem>>, vector<16xf32>,
      }
      %scan3A_9 = arith.constant 640 : i32
      %scan3A_10 = arith.constant 0 : i32
      %scan3A_11 = arith.constant 0 : i32
      %scan3A_12 = arith.constant 640 : i32
      %scan3A_13 = arith.addi %scan3A_11, %scan3A_12 : i32
      %scan3A_14 = arith.constant 1 : i32
      scf.for %scan3A_16 = %scan3A_11 to %scan3A_13 step %scan3A_14  : i32 {
        %mul3A = arith.constant 16 : i32
        %mul3A_17 = arith.muli %scan3A_16, %mul3A : i32
        %get3A = arith.index_cast %mul3A_17 : i32 to index
        %get3A_18 = tpu.vector_load %arg4[%get3A] {strides = array<i32>} : memref<10240xi32, #tpu.memory_space<vmem>>, vector<16xi32>,
        tpu.vector_store_idx %arg5[%get3A_18], %broadcast_in_dim3A_4 {add = true} : memref<10240xf32, #tpu.memory_space<vmem>>[vector<16xi32>], vector<16xf32>,
      }
      %scan3A_15 = arith.constant 640 : i32
      "tpu.region"() ({
        %run_scoped3A = tpu.sem_alloc : memref<!tpu.dma_semaphore, #tpu.memory_space<semaphore_mem>>
        %dma_start3A = arith.constant 0 : i32
        %dma_start3A_16 = tpu.memref_slice %arg3[%arg1, %dma_start3A] : memref<16x10240xf32, #tpu.memory_space<hbm>> -> memref<1x10240xf32, #tpu.memory_space<hbm>>
        %dma_start3A_17 = tpu.memref_squeeze %dma_start3A_16 : memref<1x10240xf32, #tpu.memory_space<hbm>> -> memref<10240xf32, #tpu.memory_space<hbm>>
        %dma_start3A_18 = arith.constant 0 : i32
        %dma_start3A_19 = tpu.memref_slice %arg3[%arg1, %dma_start3A_18] : memref<16x10240xf32, #tpu.memory_space<hbm>> -> memref<1x10240xf32, #tpu.memory_space<hbm>>
        %dma_start3A_20 = tpu.memref_squeeze %dma_start3A_19 : memref<1x10240xf32, #tpu.memory_space<hbm>> -> memref<10240xf32, #tpu.memory_space<hbm>>
        tpu.enqueue_dma source(%arg5 : memref<10240xf32, #tpu.memory_space<vmem>>) target(%dma_start3A_20 : memref<10240xf32, #tpu.memory_space<hbm>>) target_semaphore(%run_scoped3A : memref<!tpu.dma_semaphore, #tpu.memory_space<semaphore_mem>>)
        %dma_wait3A = arith.constant 0 : i32
        %dma_wait3A_21 = tpu.memref_slice %arg3[%arg1, %dma_wait3A] : memref<16x10240xf32, #tpu.memory_space<hbm>> -> memref<1x10240xf32, #tpu.memory_space<hbm>>
        %dma_wait3A_22 = tpu.memref_squeeze %dma_wait3A_21 : memref<1x10240xf32, #tpu.memory_space<hbm>> -> memref<10240xf32, #tpu.memory_space<hbm>>
        %dma_wait3A_23 = arith.constant 0 : i32
        %dma_wait3A_24 = tpu.memref_slice %arg3[%arg1, %dma_wait3A_23] : memref<16x10240xf32, #tpu.memory_space<hbm>> -> memref<1x10240xf32, #tpu.memory_space<hbm>>
        %dma_wait3A_25 = tpu.memref_squeeze %dma_wait3A_24 : memref<1x10240xf32, #tpu.memory_space<hbm>> -> memref<10240xf32, #tpu.memory_space<hbm>>
        tpu.wait_dma2 semaphore(%run_scoped3A : memref<!tpu.dma_semaphore, #tpu.memory_space<semaphore_mem>>) src(%arg5 : memref<10240xf32, #tpu.memory_space<vmem>>) dst(%dma_wait3A_25 : memref<10240xf32, #tpu.memory_space<hbm>>)
        tpu.yield
      }) : () -> ()
    } else {
    }
    return
  }
}

#map = affine_map<(d0, d1) -> (0, 0)>
#map1 = affine_map<(d0, d1) -> (0, 0, 0, 0)>
#map2 = affine_map<(d0, d1) -> (0, 0, 0)>
module attributes {stable_mosaic.version = 14 : i64} {
  func.func @_sc_agg_body(%arg0: i32, %arg1: i32, %arg2: memref<20480x128xf32, #tpu.memory_space<hbm>>, %arg3: memref<2x16x84x128xi32, #tpu.memory_space<hbm>>, %arg4: memref<16x84x128xi32, #tpu.memory_space<hbm>>, %arg5: memref<640x128xf32, #tpu.memory_space<hbm>>, %arg6: memref<2x10240x128xf32, #tpu.memory_space<hbm>>, %arg7: memref<10240x128xf32, #tpu.memory_space<vmem_shared>>, %arg8: memref<84x128xi32, #tpu.memory_space<vmem>>, %arg9: memref<128x128xf32, #tpu.memory_space<vmem>>, %arg10: memref<128x128xf32, #tpu.memory_space<vmem>>, %arg11: memref<128xi32, #tpu.memory_space<vmem>>, %arg12: memref<128xi32, #tpu.memory_space<vmem>>, %arg13: memref<128xi32, #tpu.memory_space<vmem>>, %arg14: memref<128xi32, #tpu.memory_space<vmem>>, %arg15: memref<!tpu.dma_semaphore, #tpu.memory_space<semaphore_mem>>, %arg16: memref<!tpu.dma_semaphore, #tpu.memory_space<semaphore_mem>>, %arg17: memref<!tpu.dma_semaphore, #tpu.memory_space<semaphore_mem>>, %arg18: memref<!tpu.dma_semaphore, #tpu.memory_space<semaphore_mem>>, %arg19: memref<!tpu.dma_semaphore, #tpu.memory_space<semaphore_mem>>, %arg20: memref<!tpu.dma_semaphore, #tpu.memory_space<semaphore_mem>>) attributes {dimension_semantics = [#tpu.dimension_semantics<core_parallel>, #tpu.dimension_semantics<subcore_parallel>], iteration_bounds = array<i64: 2, 16>, scalar_prefetch = 0 : i64, scratch_operands = 14 : i64, tpu.core_type = #tpu.core_type<sc_vector_subcore>, window_params = [{transform_indices = #map}, {transform_indices = #map1}, {transform_indices = #map2}, {transform_indices = #map}, {transform_indices = #map2}]} {
    "tpu.region"() ({
      %run_scoped3A = tpu.sem_alloc : memref<!tpu.dma_semaphore, #tpu.memory_space<semaphore_mem>>
      %dma_start3A_77 = arith.constant 0 : i32
      %dma_start3A_78 = arith.constant 0 : i32
      %dma_start3A_79 = tpu.memref_slice %arg4[%arg1, %dma_start3A_77, %dma_start3A_78] : memref<16x84x128xi32, #tpu.memory_space<hbm>> -> memref<1x84x128xi32, #tpu.memory_space<hbm>>
      %dma_start3A_80 = tpu.memref_squeeze %dma_start3A_79 : memref<1x84x128xi32, #tpu.memory_space<hbm>> -> memref<84x128xi32, #tpu.memory_space<hbm>>
      %dma_start3A_81 = arith.constant 0 : i32
      %dma_start3A_82 = arith.constant 0 : i32
      %dma_start3A_83 = tpu.memref_slice %arg4[%arg1, %dma_start3A_81, %dma_start3A_82] : memref<16x84x128xi32, #tpu.memory_space<hbm>> -> memref<1x84x128xi32, #tpu.memory_space<hbm>>
      %dma_start3A_84 = tpu.memref_squeeze %dma_start3A_83 : memref<1x84x128xi32, #tpu.memory_space<hbm>> -> memref<84x128xi32, #tpu.memory_space<hbm>>
      tpu.enqueue_dma source(%dma_start3A_84 : memref<84x128xi32, #tpu.memory_space<hbm>>) target(%arg8 : memref<84x128xi32, #tpu.memory_space<vmem>>) target_semaphore(%run_scoped3A : memref<!tpu.dma_semaphore, #tpu.memory_space<semaphore_mem>>)
      %dma_wait3A_85 = arith.constant 0 : i32
      %dma_wait3A_86 = arith.constant 0 : i32
      %dma_wait3A_87 = tpu.memref_slice %arg4[%arg1, %dma_wait3A_85, %dma_wait3A_86] : memref<16x84x128xi32, #tpu.memory_space<hbm>> -> memref<1x84x128xi32, #tpu.memory_space<hbm>>
      %dma_wait3A_88 = tpu.memref_squeeze %dma_wait3A_87 : memref<1x84x128xi32, #tpu.memory_space<hbm>> -> memref<84x128xi32, #tpu.memory_space<hbm>>
      %dma_wait3A_89 = arith.constant 0 : i32
      %dma_wait3A_90 = arith.constant 0 : i32
      %dma_wait3A_91 = tpu.memref_slice %arg4[%arg1, %dma_wait3A_89, %dma_wait3A_90] : memref<16x84x128xi32, #tpu.memory_space<hbm>> -> memref<1x84x128xi32, #tpu.memory_space<hbm>>
      %dma_wait3A_92 = tpu.memref_squeeze %dma_wait3A_91 : memref<1x84x128xi32, #tpu.memory_space<hbm>> -> memref<84x128xi32, #tpu.memory_space<hbm>>
      tpu.wait_dma2 semaphore(%run_scoped3A : memref<!tpu.dma_semaphore, #tpu.memory_space<semaphore_mem>>) src(%dma_wait3A_92 : memref<84x128xi32, #tpu.memory_space<hbm>>) dst(%arg8 : memref<84x128xi32, #tpu.memory_space<vmem>>)
      tpu.yield
    }) : () -> ()
    %mul3A = arith.constant 640 : i32
    %mul3A_0 = arith.muli %arg1, %mul3A : i32
    "tpu.region"() ({
      %run_scoped3A = tpu.sem_alloc : memref<!tpu.dma_semaphore, #tpu.memory_space<semaphore_mem>>
      %dma_start3A_77 = arith.constant 0 : i32
      %dma_start3A_78 = tpu.memref_slice %arg7[%mul3A_0, %dma_start3A_77] : memref<10240x128xf32, #tpu.memory_space<vmem_shared>> -> memref<640x128xf32, #tpu.memory_space<vmem_shared>>
      tpu.enqueue_dma source(%arg5 : memref<640x128xf32, #tpu.memory_space<hbm>>) target(%dma_start3A_78 : memref<640x128xf32, #tpu.memory_space<vmem_shared>>) target_semaphore(%run_scoped3A : memref<!tpu.dma_semaphore, #tpu.memory_space<semaphore_mem>>)
      %dma_wait3A_79 = arith.constant 0 : i32
      %dma_wait3A_80 = tpu.memref_slice %arg7[%mul3A_0, %dma_wait3A_79] : memref<10240x128xf32, #tpu.memory_space<vmem_shared>> -> memref<640x128xf32, #tpu.memory_space<vmem_shared>>
      tpu.wait_dma2 semaphore(%run_scoped3A : memref<!tpu.dma_semaphore, #tpu.memory_space<semaphore_mem>>) src(%arg5 : memref<640x128xf32, #tpu.memory_space<hbm>>) dst(%dma_wait3A_80 : memref<640x128xf32, #tpu.memory_space<vmem_shared>>)
      tpu.yield
    }) : () -> ()
    %barrier3A = arith.constant 0 : index
    tpu.barrier barrier_id(%barrier3A)
    %dma_start3A = arith.constant 0 : i32
    %dma_start3A_1 = arith.constant 0 : i32
    %dma_start3A_2 = tpu.memref_slice %arg3[%arg0, %arg1, %dma_start3A, %dma_start3A_1] : memref<2x16x84x128xi32, #tpu.memory_space<hbm>> -> memref<1x1x1x128xi32, #tpu.memory_space<hbm>>
    %dma_start3A_3 = tpu.memref_squeeze %dma_start3A_2 : memref<1x1x1x128xi32, #tpu.memory_space<hbm>> -> memref<128xi32, #tpu.memory_space<hbm>>
    %dma_start3A_4 = arith.constant 0 : i32
    %dma_start3A_5 = tpu.memref_slice %arg3[%arg0, %arg1, %dma_start3A, %dma_start3A_4] : memref<2x16x84x128xi32, #tpu.memory_space<hbm>> -> memref<1x1x1x128xi32, #tpu.memory_space<hbm>>
    %dma_start3A_6 = tpu.memref_squeeze %dma_start3A_5 : memref<1x1x1x128xi32, #tpu.memory_space<hbm>> -> memref<128xi32, #tpu.memory_space<hbm>>
    tpu.enqueue_dma source(%dma_start3A_6 : memref<128xi32, #tpu.memory_space<hbm>>) target(%arg11 : memref<128xi32, #tpu.memory_space<vmem>>) target_semaphore(%arg17 : memref<!tpu.dma_semaphore, #tpu.memory_space<semaphore_mem>>)
    %dma_start3A_7 = arith.constant 1 : i32
    %dma_start3A_8 = arith.constant 0 : i32
    %dma_start3A_9 = tpu.memref_slice %arg3[%arg0, %arg1, %dma_start3A_7, %dma_start3A_8] : memref<2x16x84x128xi32, #tpu.memory_space<hbm>> -> memref<1x1x1x128xi32, #tpu.memory_space<hbm>>
    %dma_start3A_10 = tpu.memref_squeeze %dma_start3A_9 : memref<1x1x1x128xi32, #tpu.memory_space<hbm>> -> memref<128xi32, #tpu.memory_space<hbm>>
    %dma_start3A_11 = arith.constant 0 : i32
    %dma_start3A_12 = tpu.memref_slice %arg3[%arg0, %arg1, %dma_start3A_7, %dma_start3A_11] : memref<2x16x84x128xi32, #tpu.memory_space<hbm>> -> memref<1x1x1x128xi32, #tpu.memory_space<hbm>>
    %dma_start3A_13 = tpu.memref_squeeze %dma_start3A_12 : memref<1x1x1x128xi32, #tpu.memory_space<hbm>> -> memref<128xi32, #tpu.memory_space<hbm>>
    tpu.enqueue_dma source(%dma_start3A_13 : memref<128xi32, #tpu.memory_space<hbm>>) target(%arg12 : memref<128xi32, #tpu.memory_space<vmem>>) target_semaphore(%arg18 : memref<!tpu.dma_semaphore, #tpu.memory_space<semaphore_mem>>)
    %dma_start3A_14 = arith.constant 2 : i32
    %dma_start3A_15 = arith.constant 0 : i32
    %dma_start3A_16 = tpu.memref_slice %arg3[%arg0, %arg1, %dma_start3A_14, %dma_start3A_15] : memref<2x16x84x128xi32, #tpu.memory_space<hbm>> -> memref<1x1x1x128xi32, #tpu.memory_space<hbm>>
    %dma_start3A_17 = tpu.memref_squeeze %dma_start3A_16 : memref<1x1x1x128xi32, #tpu.memory_space<hbm>> -> memref<128xi32, #tpu.memory_space<hbm>>
    %dma_start3A_18 = arith.constant 0 : i32
    %dma_start3A_19 = tpu.memref_slice %arg3[%arg0, %arg1, %dma_start3A_14, %dma_start3A_18] : memref<2x16x84x128xi32, #tpu.memory_space<hbm>> -> memref<1x1x1x128xi32, #tpu.memory_space<hbm>>
    %dma_start3A_20 = tpu.memref_squeeze %dma_start3A_19 : memref<1x1x1x128xi32, #tpu.memory_space<hbm>> -> memref<128xi32, #tpu.memory_space<hbm>>
    tpu.enqueue_dma source(%dma_start3A_20 : memref<128xi32, #tpu.memory_space<hbm>>) target(%arg13 : memref<128xi32, #tpu.memory_space<vmem>>) target_semaphore(%arg19 : memref<!tpu.dma_semaphore, #tpu.memory_space<semaphore_mem>>)
    %dma_start3A_21 = arith.constant 3 : i32
    %dma_start3A_22 = arith.constant 0 : i32
    %dma_start3A_23 = tpu.memref_slice %arg3[%arg0, %arg1, %dma_start3A_21, %dma_start3A_22] : memref<2x16x84x128xi32, #tpu.memory_space<hbm>> -> memref<1x1x1x128xi32, #tpu.memory_space<hbm>>
    %dma_start3A_24 = tpu.memref_squeeze %dma_start3A_23 : memref<1x1x1x128xi32, #tpu.memory_space<hbm>> -> memref<128xi32, #tpu.memory_space<hbm>>
    %dma_start3A_25 = arith.constant 0 : i32
    %dma_start3A_26 = tpu.memref_slice %arg3[%arg0, %arg1, %dma_start3A_21, %dma_start3A_25] : memref<2x16x84x128xi32, #tpu.memory_space<hbm>> -> memref<1x1x1x128xi32, #tpu.memory_space<hbm>>
    %dma_start3A_27 = tpu.memref_squeeze %dma_start3A_26 : memref<1x1x1x128xi32, #tpu.memory_space<hbm>> -> memref<128xi32, #tpu.memory_space<hbm>>
    tpu.enqueue_dma source(%dma_start3A_27 : memref<128xi32, #tpu.memory_space<hbm>>) target(%arg14 : memref<128xi32, #tpu.memory_space<vmem>>) target_semaphore(%arg20 : memref<!tpu.dma_semaphore, #tpu.memory_space<semaphore_mem>>)
    %dma_wait3A = arith.constant 0 : i32
    %dma_wait3A_28 = arith.constant 0 : i32
    %dma_wait3A_29 = tpu.memref_slice %arg3[%arg0, %arg1, %dma_wait3A, %dma_wait3A_28] : memref<2x16x84x128xi32, #tpu.memory_space<hbm>> -> memref<1x1x1x128xi32, #tpu.memory_space<hbm>>
    %dma_wait3A_30 = tpu.memref_squeeze %dma_wait3A_29 : memref<1x1x1x128xi32, #tpu.memory_space<hbm>> -> memref<128xi32, #tpu.memory_space<hbm>>
    %dma_wait3A_31 = arith.constant 0 : i32
    %dma_wait3A_32 = tpu.memref_slice %arg3[%arg0, %arg1, %dma_wait3A, %dma_wait3A_31] : memref<2x16x84x128xi32, #tpu.memory_space<hbm>> -> memref<1x1x1x128xi32, #tpu.memory_space<hbm>>
    %dma_wait3A_33 = tpu.memref_squeeze %dma_wait3A_32 : memref<1x1x1x128xi32, #tpu.memory_space<hbm>> -> memref<128xi32, #tpu.memory_space<hbm>>
    tpu.wait_dma2 semaphore(%arg17 : memref<!tpu.dma_semaphore, #tpu.memory_space<semaphore_mem>>) src(%dma_wait3A_33 : memref<128xi32, #tpu.memory_space<hbm>>) dst(%arg11 : memref<128xi32, #tpu.memory_space<vmem>>)
    %dma_start3A_34 = arith.constant 0 : i32
    %dma_start3A_35 = arith.constant 0 : i32
    %dma_start3A_36 = tpu.memref_slice %arg2[%dma_start3A_34, %dma_start3A_35] : memref<20480x128xf32, #tpu.memory_space<hbm>> -> memref<20480x128xf32, #tpu.memory_space<hbm>>
    tpu.enqueue_indirect_dma source(%dma_start3A_36 : memref<20480x128xf32, #tpu.memory_space<hbm>>) target(%arg9 : memref<128x128xf32, #tpu.memory_space<vmem>>) offsets(%arg11 : memref<128xi32, #tpu.memory_space<vmem>>) semaphore(%arg15 : memref<!tpu.dma_semaphore, #tpu.memory_space<semaphore_mem>>)
    %dma_wait3A_37 = arith.constant 0 : i32
    %dma_wait3A_38 = arith.constant 0 : i32
    %dma_wait3A_39 = tpu.memref_slice %arg3[%arg0, %arg1, %dma_wait3A_37, %dma_wait3A_38] : memref<2x16x84x128xi32, #tpu.memory_space<hbm>> -> memref<1x1x1x128xi32, #tpu.memory_space<hbm>>
    %dma_wait3A_40 = tpu.memref_squeeze %dma_wait3A_39 : memref<1x1x1x128xi32, #tpu.memory_space<hbm>> -> memref<128xi32, #tpu.memory_space<hbm>>
    %dma_wait3A_41 = arith.constant 0 : i32
    %dma_wait3A_42 = tpu.memref_slice %arg3[%arg0, %arg1, %dma_wait3A_37, %dma_wait3A_41] : memref<2x16x84x128xi32, #tpu.memory_space<hbm>> -> memref<1x1x1x128xi32, #tpu.memory_space<hbm>>
    %dma_wait3A_43 = tpu.memref_squeeze %dma_wait3A_42 : memref<1x1x1x128xi32, #tpu.memory_space<hbm>> -> memref<128xi32, #tpu.memory_space<hbm>>
    tpu.wait_dma2 semaphore(%arg18 : memref<!tpu.dma_semaphore, #tpu.memory_space<semaphore_mem>>) src(%dma_wait3A_43 : memref<128xi32, #tpu.memory_space<hbm>>) dst(%arg12 : memref<128xi32, #tpu.memory_space<vmem>>)
    %dma_start3A_44 = arith.constant 0 : i32
    %dma_start3A_45 = arith.constant 0 : i32
    %dma_start3A_46 = tpu.memref_slice %arg2[%dma_start3A_44, %dma_start3A_45] : memref<20480x128xf32, #tpu.memory_space<hbm>> -> memref<20480x128xf32, #tpu.memory_space<hbm>>
    tpu.enqueue_indirect_dma source(%dma_start3A_46 : memref<20480x128xf32, #tpu.memory_space<hbm>>) target(%arg10 : memref<128x128xf32, #tpu.memory_space<vmem>>) offsets(%arg12 : memref<128xi32, #tpu.memory_space<vmem>>) semaphore(%arg16 : memref<!tpu.dma_semaphore, #tpu.memory_space<semaphore_mem>>)
    %scan3A = arith.constant 0 : i32
    %scan3A_47 = arith.constant 0 : i32
    %scan3A_48 = arith.constant 20 : i32
    %scan3A_49 = arith.addi %scan3A_47, %scan3A_48 : i32
    %scan3A_50 = arith.constant 1 : i32
    scf.for %scan3A_77 = %scan3A_47 to %scan3A_49 step %scan3A_50  : i32 {
      %mul3A_78 = arith.constant 4 : i32
      %mul3A_79 = arith.muli %mul3A_78, %scan3A_77 : i32
      %dma_wait3A_80 = arith.constant 0 : i32
      %dma_wait3A_81 = arith.constant 0 : i32
      %dma_wait3A_82 = tpu.memref_slice %arg2[%dma_wait3A_80, %dma_wait3A_81] : memref<20480x128xf32, #tpu.memory_space<hbm>> -> memref<20480x128xf32, #tpu.memory_space<hbm>>
      tpu.wait_indirect_dma semaphore(%arg15 : memref<!tpu.dma_semaphore, #tpu.memory_space<semaphore_mem>>) src(%dma_wait3A_82 : memref<20480x128xf32, #tpu.memory_space<hbm>>) dst(%arg9 : memref<128x128xf32, #tpu.memory_space<vmem>>)
      "tpu.region"() ({
        %run_scoped3A = tpu.sem_alloc : memref<!tpu.dma_semaphore, #tpu.memory_space<semaphore_mem>>
        %dma_start3A_169 = arith.constant 0 : i32
        %dma_start3A_170 = tpu.memref_slice %arg8[%mul3A_79, %dma_start3A_169] : memref<84x128xi32, #tpu.memory_space<vmem>> -> memref<1x128xi32, #tpu.memory_space<vmem>>
        %dma_start3A_171 = tpu.memref_squeeze %dma_start3A_170 : memref<1x128xi32, #tpu.memory_space<vmem>> -> memref<128xi32, #tpu.memory_space<vmem>>
        %dma_start3A_172 = arith.constant 0 : i32
        %dma_start3A_173 = arith.constant 0 : i32
        %dma_start3A_174 = tpu.memref_slice %arg7[%dma_start3A_172, %dma_start3A_173] : memref<10240x128xf32, #tpu.memory_space<vmem_shared>> -> memref<10240x128xf32, #tpu.memory_space<vmem_shared>>
        tpu.enqueue_indirect_dma source(%arg9 : memref<128x128xf32, #tpu.memory_space<vmem>>) target(%dma_start3A_174 : memref<10240x128xf32, #tpu.memory_space<vmem_shared>>) offsets(%dma_start3A_171 : memref<128xi32, #tpu.memory_space<vmem>>) semaphore(%run_scoped3A : memref<!tpu.dma_semaphore, #tpu.memory_space<semaphore_mem>>) {add = true}
        %dma_wait3A_175 = arith.constant 0 : i32
        %dma_wait3A_176 = tpu.memref_slice %arg8[%mul3A_79, %dma_wait3A_175] : memref<84x128xi32, #tpu.memory_space<vmem>> -> memref<1x128xi32, #tpu.memory_space<vmem>>
        %dma_wait3A_177 = tpu.memref_squeeze %dma_wait3A_176 : memref<1x128xi32, #tpu.memory_space<vmem>> -> memref<128xi32, #tpu.memory_space<vmem>>
        %dma_wait3A_178 = arith.constant 0 : i32
        %dma_wait3A_179 = arith.constant 0 : i32
        %dma_wait3A_180 = tpu.memref_slice %arg7[%dma_wait3A_178, %dma_wait3A_179] : memref<10240x128xf32, #tpu.memory_space<vmem_shared>> -> memref<10240x128xf32, #tpu.memory_space<vmem_shared>>
        tpu.wait_indirect_dma semaphore(%run_scoped3A : memref<!tpu.dma_semaphore, #tpu.memory_space<semaphore_mem>>) src(%arg9 : memref<128x128xf32, #tpu.memory_space<vmem>>) dst(%dma_wait3A_180 : memref<10240x128xf32, #tpu.memory_space<vmem_shared>>)
        tpu.yield
      }) : () -> ()
      %dma_wait3A_83 = arith.constant 0 : i32
      %dma_wait3A_84 = arith.constant 0 : i32
      %dma_wait3A_85 = tpu.memref_slice %arg3[%arg0, %arg1, %dma_wait3A_83, %dma_wait3A_84] : memref<2x16x84x128xi32, #tpu.memory_space<hbm>> -> memref<1x1x1x128xi32, #tpu.memory_space<hbm>>
      %dma_wait3A_86 = tpu.memref_squeeze %dma_wait3A_85 : memref<1x1x1x128xi32, #tpu.memory_space<hbm>> -> memref<128xi32, #tpu.memory_space<hbm>>
      %dma_wait3A_87 = arith.constant 0 : i32
      %dma_wait3A_88 = tpu.memref_slice %arg3[%arg0, %arg1, %dma_wait3A_83, %dma_wait3A_87] : memref<2x16x84x128xi32, #tpu.memory_space<hbm>> -> memref<1x1x1x128xi32, #tpu.memory_space<hbm>>
      %dma_wait3A_89 = tpu.memref_squeeze %dma_wait3A_88 : memref<1x1x1x128xi32, #tpu.memory_space<hbm>> -> memref<128xi32, #tpu.memory_space<hbm>>
      tpu.wait_dma2 semaphore(%arg19 : memref<!tpu.dma_semaphore, #tpu.memory_space<semaphore_mem>>) src(%dma_wait3A_89 : memref<128xi32, #tpu.memory_space<hbm>>) dst(%arg13 : memref<128xi32, #tpu.memory_space<vmem>>)
      %dma_start3A_90 = arith.constant 0 : i32
      %dma_start3A_91 = arith.constant 0 : i32
      %dma_start3A_92 = tpu.memref_slice %arg2[%dma_start3A_90, %dma_start3A_91] : memref<20480x128xf32, #tpu.memory_space<hbm>> -> memref<20480x128xf32, #tpu.memory_space<hbm>>
      tpu.enqueue_indirect_dma source(%dma_start3A_92 : memref<20480x128xf32, #tpu.memory_space<hbm>>) target(%arg9 : memref<128x128xf32, #tpu.memory_space<vmem>>) offsets(%arg13 : memref<128xi32, #tpu.memory_space<vmem>>) semaphore(%arg15 : memref<!tpu.dma_semaphore, #tpu.memory_space<semaphore_mem>>)
      %add3A = arith.constant 4 : i32
      %add3A_93 = arith.addi %mul3A_79, %add3A : i32
      %dma_start3A_94 = arith.constant 0 : i32
      %dma_start3A_95 = tpu.memref_slice %arg3[%arg0, %arg1, %add3A_93, %dma_start3A_94] : memref<2x16x84x128xi32, #tpu.memory_space<hbm>> -> memref<1x1x1x128xi32, #tpu.memory_space<hbm>>
      %dma_start3A_96 = tpu.memref_squeeze %dma_start3A_95 : memref<1x1x1x128xi32, #tpu.memory_space<hbm>> -> memref<128xi32, #tpu.memory_space<hbm>>
      %dma_start3A_97 = arith.constant 0 : i32
      %dma_start3A_98 = tpu.memref_slice %arg3[%arg0, %arg1, %add3A_93, %dma_start3A_97] : memref<2x16x84x128xi32, #tpu.memory_space<hbm>> -> memref<1x1x1x128xi32, #tpu.memory_space<hbm>>
      %dma_start3A_99 = tpu.memref_squeeze %dma_start3A_98 : memref<1x1x1x128xi32, #tpu.memory_space<hbm>> -> memref<128xi32, #tpu.memory_space<hbm>>
      tpu.enqueue_dma source(%dma_start3A_99 : memref<128xi32, #tpu.memory_space<hbm>>) target(%arg11 : memref<128xi32, #tpu.memory_space<vmem>>) target_semaphore(%arg17 : memref<!tpu.dma_semaphore, #tpu.memory_space<semaphore_mem>>)
      %dma_wait3A_100 = arith.constant 0 : i32
      %dma_wait3A_101 = arith.constant 0 : i32
      %dma_wait3A_102 = tpu.memref_slice %arg2[%dma_wait3A_100, %dma_wait3A_101] : memref<20480x128xf32, #tpu.memory_space<hbm>> -> memref<20480x128xf32, #tpu.memory_space<hbm>>
      tpu.wait_indirect_dma semaphore(%arg16 : memref<!tpu.dma_semaphore, #tpu.memory_space<semaphore_mem>>) src(%dma_wait3A_102 : memref<20480x128xf32, #tpu.memory_space<hbm>>) dst(%arg10 : memref<128x128xf32, #tpu.memory_space<vmem>>)
      %add3A_103 = arith.constant 1 : i32
      %add3A_104 = arith.addi %mul3A_79, %add3A_103 : i32
      "tpu.region"() ({
        %run_scoped3A = tpu.sem_alloc : memref<!tpu.dma_semaphore, #tpu.memory_space<semaphore_mem>>
        %dma_start3A_169 = arith.constant 0 : i32
        %dma_start3A_170 = tpu.memref_slice %arg8[%add3A_104, %dma_start3A_169] : memref<84x128xi32, #tpu.memory_space<vmem>> -> memref<1x128xi32, #tpu.memory_space<vmem>>
        %dma_start3A_171 = tpu.memref_squeeze %dma_start3A_170 : memref<1x128xi32, #tpu.memory_space<vmem>> -> memref<128xi32, #tpu.memory_space<vmem>>
        %dma_start3A_172 = arith.constant 0 : i32
        %dma_start3A_173 = arith.constant 0 : i32
        %dma_start3A_174 = tpu.memref_slice %arg7[%dma_start3A_172, %dma_start3A_173] : memref<10240x128xf32, #tpu.memory_space<vmem_shared>> -> memref<10240x128xf32, #tpu.memory_space<vmem_shared>>
        tpu.enqueue_indirect_dma source(%arg10 : memref<128x128xf32, #tpu.memory_space<vmem>>) target(%dma_start3A_174 : memref<10240x128xf32, #tpu.memory_space<vmem_shared>>) offsets(%dma_start3A_171 : memref<128xi32, #tpu.memory_space<vmem>>) semaphore(%run_scoped3A : memref<!tpu.dma_semaphore, #tpu.memory_space<semaphore_mem>>) {add = true}
        %dma_wait3A_175 = arith.constant 0 : i32
        %dma_wait3A_176 = tpu.memref_slice %arg8[%add3A_104, %dma_wait3A_175] : memref<84x128xi32, #tpu.memory_space<vmem>> -> memref<1x128xi32, #tpu.memory_space<vmem>>
        %dma_wait3A_177 = tpu.memref_squeeze %dma_wait3A_176 : memref<1x128xi32, #tpu.memory_space<vmem>> -> memref<128xi32, #tpu.memory_space<vmem>>
        %dma_wait3A_178 = arith.constant 0 : i32
        %dma_wait3A_179 = arith.constant 0 : i32
        %dma_wait3A_180 = tpu.memref_slice %arg7[%dma_wait3A_178, %dma_wait3A_179] : memref<10240x128xf32, #tpu.memory_space<vmem_shared>> -> memref<10240x128xf32, #tpu.memory_space<vmem_shared>>
        tpu.wait_indirect_dma semaphore(%run_scoped3A : memref<!tpu.dma_semaphore, #tpu.memory_space<semaphore_mem>>) src(%arg10 : memref<128x128xf32, #tpu.memory_space<vmem>>) dst(%dma_wait3A_180 : memref<10240x128xf32, #tpu.memory_space<vmem_shared>>)
        tpu.yield
      }) : () -> ()
      %dma_wait3A_105 = arith.constant 0 : i32
      %dma_wait3A_106 = arith.constant 0 : i32
      %dma_wait3A_107 = tpu.memref_slice %arg3[%arg0, %arg1, %dma_wait3A_105, %dma_wait3A_106] : memref<2x16x84x128xi32, #tpu.memory_space<hbm>> -> memref<1x1x1x128xi32, #tpu.memory_space<hbm>>
      %dma_wait3A_108 = tpu.memref_squeeze %dma_wait3A_107 : memref<1x1x1x128xi32, #tpu.memory_space<hbm>> -> memref<128xi32, #tpu.memory_space<hbm>>
      %dma_wait3A_109 = arith.constant 0 : i32
      %dma_wait3A_110 = tpu.memref_slice %arg3[%arg0, %arg1, %dma_wait3A_105, %dma_wait3A_109] : memref<2x16x84x128xi32, #tpu.memory_space<hbm>> -> memref<1x1x1x128xi32, #tpu.memory_space<hbm>>
      %dma_wait3A_111 = tpu.memref_squeeze %dma_wait3A_110 : memref<1x1x1x128xi32, #tpu.memory_space<hbm>> -> memref<128xi32, #tpu.memory_space<hbm>>
      tpu.wait_dma2 semaphore(%arg20 : memref<!tpu.dma_semaphore, #tpu.memory_space<semaphore_mem>>) src(%dma_wait3A_111 : memref<128xi32, #tpu.memory_space<hbm>>) dst(%arg14 : memref<128xi32, #tpu.memory_space<vmem>>)
      %dma_start3A_112 = arith.constant 0 : i32
      %dma_start3A_113 = arith.constant 0 : i32
      %dma_start3A_114 = tpu.memref_slice %arg2[%dma_start3A_112, %dma_start3A_113] : memref<20480x128xf32, #tpu.memory_space<hbm>> -> memref<20480x128xf32, #tpu.memory_space<hbm>>
      tpu.enqueue_indirect_dma source(%dma_start3A_114 : memref<20480x128xf32, #tpu.memory_space<hbm>>) target(%arg10 : memref<128x128xf32, #tpu.memory_space<vmem>>) offsets(%arg14 : memref<128xi32, #tpu.memory_space<vmem>>) semaphore(%arg16 : memref<!tpu.dma_semaphore, #tpu.memory_space<semaphore_mem>>)
      %add3A_115 = arith.constant 5 : i32
      %add3A_116 = arith.addi %mul3A_79, %add3A_115 : i32
      %dma_start3A_117 = arith.constant 0 : i32
      %dma_start3A_118 = tpu.memref_slice %arg3[%arg0, %arg1, %add3A_116, %dma_start3A_117] : memref<2x16x84x128xi32, #tpu.memory_space<hbm>> -> memref<1x1x1x128xi32, #tpu.memory_space<hbm>>
      %dma_start3A_119 = tpu.memref_squeeze %dma_start3A_118 : memref<1x1x1x128xi32, #tpu.memory_space<hbm>> -> memref<128xi32, #tpu.memory_space<hbm>>
      %dma_start3A_120 = arith.constant 0 : i32
      %dma_start3A_121 = tpu.memref_slice %arg3[%arg0, %arg1, %add3A_116, %dma_start3A_120] : memref<2x16x84x128xi32, #tpu.memory_space<hbm>> -> memref<1x1x1x128xi32, #tpu.memory_space<hbm>>
      %dma_start3A_122 = tpu.memref_squeeze %dma_start3A_121 : memref<1x1x1x128xi32, #tpu.memory_space<hbm>> -> memref<128xi32, #tpu.memory_space<hbm>>
      tpu.enqueue_dma source(%dma_start3A_122 : memref<128xi32, #tpu.memory_space<hbm>>) target(%arg12 : memref<128xi32, #tpu.memory_space<vmem>>) target_semaphore(%arg18 : memref<!tpu.dma_semaphore, #tpu.memory_space<semaphore_mem>>)
      %dma_wait3A_123 = arith.constant 0 : i32
      %dma_wait3A_124 = arith.constant 0 : i32
      %dma_wait3A_125 = tpu.memref_slice %arg2[%dma_wait3A_123, %dma_wait3A_124] : memref<20480x128xf32, #tpu.memory_space<hbm>> -> memref<20480x128xf32, #tpu.memory_space<hbm>>
      tpu.wait_indirect_dma semaphore(%arg15 : memref<!tpu.dma_semaphore, #tpu.memory_space<semaphore_mem>>) src(%dma_wait3A_125 : memref<20480x128xf32, #tpu.memory_space<hbm>>) dst(%arg9 : memref<128x128xf32, #tpu.memory_space<vmem>>)
      %add3A_126 = arith.constant 2 : i32
      %add3A_127 = arith.addi %mul3A_79, %add3A_126 : i32
      "tpu.region"() ({
        %run_scoped3A = tpu.sem_alloc : memref<!tpu.dma_semaphore, #tpu.memory_space<semaphore_mem>>
        %dma_start3A_169 = arith.constant 0 : i32
        %dma_start3A_170 = tpu.memref_slice %arg8[%add3A_127, %dma_start3A_169] : memref<84x128xi32, #tpu.memory_space<vmem>> -> memref<1x128xi32, #tpu.memory_space<vmem>>
        %dma_start3A_171 = tpu.memref_squeeze %dma_start3A_170 : memref<1x128xi32, #tpu.memory_space<vmem>> -> memref<128xi32, #tpu.memory_space<vmem>>
        %dma_start3A_172 = arith.constant 0 : i32
        %dma_start3A_173 = arith.constant 0 : i32
        %dma_start3A_174 = tpu.memref_slice %arg7[%dma_start3A_172, %dma_start3A_173] : memref<10240x128xf32, #tpu.memory_space<vmem_shared>> -> memref<10240x128xf32, #tpu.memory_space<vmem_shared>>
        tpu.enqueue_indirect_dma source(%arg9 : memref<128x128xf32, #tpu.memory_space<vmem>>) target(%dma_start3A_174 : memref<10240x128xf32, #tpu.memory_space<vmem_shared>>) offsets(%dma_start3A_171 : memref<128xi32, #tpu.memory_space<vmem>>) semaphore(%run_scoped3A : memref<!tpu.dma_semaphore, #tpu.memory_space<semaphore_mem>>) {add = true}
        %dma_wait3A_175 = arith.constant 0 : i32
        %dma_wait3A_176 = tpu.memref_slice %arg8[%add3A_127, %dma_wait3A_175] : memref<84x128xi32, #tpu.memory_space<vmem>> -> memref<1x128xi32, #tpu.memory_space<vmem>>
        %dma_wait3A_177 = tpu.memref_squeeze %dma_wait3A_176 : memref<1x128xi32, #tpu.memory_space<vmem>> -> memref<128xi32, #tpu.memory_space<vmem>>
        %dma_wait3A_178 = arith.constant 0 : i32
        %dma_wait3A_179 = arith.constant 0 : i32
        %dma_wait3A_180 = tpu.memref_slice %arg7[%dma_wait3A_178, %dma_wait3A_179] : memref<10240x128xf32, #tpu.memory_space<vmem_shared>> -> memref<10240x128xf32, #tpu.memory_space<vmem_shared>>
        tpu.wait_indirect_dma semaphore(%run_scoped3A : memref<!tpu.dma_semaphore, #tpu.memory_space<semaphore_mem>>) src(%arg9 : memref<128x128xf32, #tpu.memory_space<vmem>>) dst(%dma_wait3A_180 : memref<10240x128xf32, #tpu.memory_space<vmem_shared>>)
        tpu.yield
      }) : () -> ()
      %dma_wait3A_128 = arith.constant 0 : i32
      %dma_wait3A_129 = arith.constant 0 : i32
      %dma_wait3A_130 = tpu.memref_slice %arg3[%arg0, %arg1, %dma_wait3A_128, %dma_wait3A_129] : memref<2x16x84x128xi32, #tpu.memory_space<hbm>> -> memref<1x1x1x128xi32, #tpu.memory_space<hbm>>
      %dma_wait3A_131 = tpu.memref_squeeze %dma_wait3A_130 : memref<1x1x1x128xi32, #tpu.memory_space<hbm>> -> memref<128xi32, #tpu.memory_space<hbm>>
      %dma_wait3A_132 = arith.constant 0 : i32
      %dma_wait3A_133 = tpu.memref_slice %arg3[%arg0, %arg1, %dma_wait3A_128, %dma_wait3A_132] : memref<2x16x84x128xi32, #tpu.memory_space<hbm>> -> memref<1x1x1x128xi32, #tpu.memory_space<hbm>>
      %dma_wait3A_134 = tpu.memref_squeeze %dma_wait3A_133 : memref<1x1x1x128xi32, #tpu.memory_space<hbm>> -> memref<128xi32, #tpu.memory_space<hbm>>
      tpu.wait_dma2 semaphore(%arg17 : memref<!tpu.dma_semaphore, #tpu.memory_space<semaphore_mem>>) src(%dma_wait3A_134 : memref<128xi32, #tpu.memory_space<hbm>>) dst(%arg11 : memref<128xi32, #tpu.memory_space<vmem>>)
      %dma_start3A_135 = arith.constant 0 : i32
      %dma_start3A_136 = arith.constant 0 : i32
      %dma_start3A_137 = tpu.memref_slice %arg2[%dma_start3A_135, %dma_start3A_136] : memref<20480x128xf32, #tpu.memory_space<hbm>> -> memref<20480x128xf32, #tpu.memory_space<hbm>>
      tpu.enqueue_indirect_dma source(%dma_start3A_137 : memref<20480x128xf32, #tpu.memory_space<hbm>>) target(%arg9 : memref<128x128xf32, #tpu.memory_space<vmem>>) offsets(%arg11 : memref<128xi32, #tpu.memory_space<vmem>>) semaphore(%arg15 : memref<!tpu.dma_semaphore, #tpu.memory_space<semaphore_mem>>)
      %add3A_138 = arith.constant 6 : i32
      %add3A_139 = arith.addi %mul3A_79, %add3A_138 : i32
      %dma_start3A_140 = arith.constant 0 : i32
      %dma_start3A_141 = tpu.memref_slice %arg3[%arg0, %arg1, %add3A_139, %dma_start3A_140] : memref<2x16x84x128xi32, #tpu.memory_space<hbm>> -> memref<1x1x1x128xi32, #tpu.memory_space<hbm>>
      %dma_start3A_142 = tpu.memref_squeeze %dma_start3A_141 : memref<1x1x1x128xi32, #tpu.memory_space<hbm>> -> memref<128xi32, #tpu.memory_space<hbm>>
      %dma_start3A_143 = arith.constant 0 : i32
      %dma_start3A_144 = tpu.memref_slice %arg3[%arg0, %arg1, %add3A_139, %dma_start3A_143] : memref<2x16x84x128xi32, #tpu.memory_space<hbm>> -> memref<1x1x1x128xi32, #tpu.memory_space<hbm>>
      %dma_start3A_145 = tpu.memref_squeeze %dma_start3A_144 : memref<1x1x1x128xi32, #tpu.memory_space<hbm>> -> memref<128xi32, #tpu.memory_space<hbm>>
      tpu.enqueue_dma source(%dma_start3A_145 : memref<128xi32, #tpu.memory_space<hbm>>) target(%arg13 : memref<128xi32, #tpu.memory_space<vmem>>) target_semaphore(%arg19 : memref<!tpu.dma_semaphore, #tpu.memory_space<semaphore_mem>>)
      %dma_wait3A_146 = arith.constant 0 : i32
      %dma_wait3A_147 = arith.constant 0 : i32
      %dma_wait3A_148 = tpu.memref_slice %arg2[%dma_wait3A_146, %dma_wait3A_147] : memref<20480x128xf32, #tpu.memory_space<hbm>> -> memref<20480x128xf32, #tpu.memory_space<hbm>>
      tpu.wait_indirect_dma semaphore(%arg16 : memref<!tpu.dma_semaphore, #tpu.memory_space<semaphore_mem>>) src(%dma_wait3A_148 : memref<20480x128xf32, #tpu.memory_space<hbm>>) dst(%arg10 : memref<128x128xf32, #tpu.memory_space<vmem>>)
      %add3A_149 = arith.constant 3 : i32
      %add3A_150 = arith.addi %mul3A_79, %add3A_149 : i32
      "tpu.region"() ({
        %run_scoped3A = tpu.sem_alloc : memref<!tpu.dma_semaphore, #tpu.memory_space<semaphore_mem>>
        %dma_start3A_169 = arith.constant 0 : i32
        %dma_start3A_170 = tpu.memref_slice %arg8[%add3A_150, %dma_start3A_169] : memref<84x128xi32, #tpu.memory_space<vmem>> -> memref<1x128xi32, #tpu.memory_space<vmem>>
        %dma_start3A_171 = tpu.memref_squeeze %dma_start3A_170 : memref<1x128xi32, #tpu.memory_space<vmem>> -> memref<128xi32, #tpu.memory_space<vmem>>
        %dma_start3A_172 = arith.constant 0 : i32
        %dma_start3A_173 = arith.constant 0 : i32
        %dma_start3A_174 = tpu.memref_slice %arg7[%dma_start3A_172, %dma_start3A_173] : memref<10240x128xf32, #tpu.memory_space<vmem_shared>> -> memref<10240x128xf32, #tpu.memory_space<vmem_shared>>
        tpu.enqueue_indirect_dma source(%arg10 : memref<128x128xf32, #tpu.memory_space<vmem>>) target(%dma_start3A_174 : memref<10240x128xf32, #tpu.memory_space<vmem_shared>>) offsets(%dma_start3A_171 : memref<128xi32, #tpu.memory_space<vmem>>) semaphore(%run_scoped3A : memref<!tpu.dma_semaphore, #tpu.memory_space<semaphore_mem>>) {add = true}
        %dma_wait3A_175 = arith.constant 0 : i32
        %dma_wait3A_176 = tpu.memref_slice %arg8[%add3A_150, %dma_wait3A_175] : memref<84x128xi32, #tpu.memory_space<vmem>> -> memref<1x128xi32, #tpu.memory_space<vmem>>
        %dma_wait3A_177 = tpu.memref_squeeze %dma_wait3A_176 : memref<1x128xi32, #tpu.memory_space<vmem>> -> memref<128xi32, #tpu.memory_space<vmem>>
        %dma_wait3A_178 = arith.constant 0 : i32
        %dma_wait3A_179 = arith.constant 0 : i32
        %dma_wait3A_180 = tpu.memref_slice %arg7[%dma_wait3A_178, %dma_wait3A_179] : memref<10240x128xf32, #tpu.memory_space<vmem_shared>> -> memref<10240x128xf32, #tpu.memory_space<vmem_shared>>
        tpu.wait_indirect_dma semaphore(%run_scoped3A : memref<!tpu.dma_semaphore, #tpu.memory_space<semaphore_mem>>) src(%arg10 : memref<128x128xf32, #tpu.memory_space<vmem>>) dst(%dma_wait3A_180 : memref<10240x128xf32, #tpu.memory_space<vmem_shared>>)
        tpu.yield
      }) : () -> ()
      %dma_wait3A_151 = arith.constant 0 : i32
      %dma_wait3A_152 = arith.constant 0 : i32
      %dma_wait3A_153 = tpu.memref_slice %arg3[%arg0, %arg1, %dma_wait3A_151, %dma_wait3A_152] : memref<2x16x84x128xi32, #tpu.memory_space<hbm>> -> memref<1x1x1x128xi32, #tpu.memory_space<hbm>>
      %dma_wait3A_154 = tpu.memref_squeeze %dma_wait3A_153 : memref<1x1x1x128xi32, #tpu.memory_space<hbm>> -> memref<128xi32, #tpu.memory_space<hbm>>
      %dma_wait3A_155 = arith.constant 0 : i32
      %dma_wait3A_156 = tpu.memref_slice %arg3[%arg0, %arg1, %dma_wait3A_151, %dma_wait3A_155] : memref<2x16x84x128xi32, #tpu.memory_space<hbm>> -> memref<1x1x1x128xi32, #tpu.memory_space<hbm>>
      %dma_wait3A_157 = tpu.memref_squeeze %dma_wait3A_156 : memref<1x1x1x128xi32, #tpu.memory_space<hbm>> -> memref<128xi32, #tpu.memory_space<hbm>>
      tpu.wait_dma2 semaphore(%arg18 : memref<!tpu.dma_semaphore, #tpu.memory_space<semaphore_mem>>) src(%dma_wait3A_157 : memref<128xi32, #tpu.memory_space<hbm>>) dst(%arg12 : memref<128xi32, #tpu.memory_space<vmem>>)
      %dma_start3A_158 = arith.constant 0 : i32
      %dma_start3A_159 = arith.constant 0 : i32
      %dma_start3A_160 = tpu.memref_slice %arg2[%dma_start3A_158, %dma_start3A_159] : memref<20480x128xf32, #tpu.memory_space<hbm>> -> memref<20480x128xf32, #tpu.memory_space<hbm>>
      tpu.enqueue_indirect_dma source(%dma_start3A_160 : memref<20480x128xf32, #tpu.memory_space<hbm>>) target(%arg10 : memref<128x128xf32, #tpu.memory_space<vmem>>) offsets(%arg12 : memref<128xi32, #tpu.memory_space<vmem>>) semaphore(%arg16 : memref<!tpu.dma_semaphore, #tpu.memory_space<semaphore_mem>>)
      %add3A_161 = arith.constant 7 : i32
      %add3A_162 = arith.addi %mul3A_79, %add3A_161 : i32
      %dma_start3A_163 = arith.constant 0 : i32
      %dma_start3A_164 = tpu.memref_slice %arg3[%arg0, %arg1, %add3A_162, %dma_start3A_163] : memref<2x16x84x128xi32, #tpu.memory_space<hbm>> -> memref<1x1x1x128xi32, #tpu.memory_space<hbm>>
      %dma_start3A_165 = tpu.memref_squeeze %dma_start3A_164 : memref<1x1x1x128xi32, #tpu.memory_space<hbm>> -> memref<128xi32, #tpu.memory_space<hbm>>
      %dma_start3A_166 = arith.constant 0 : i32
      %dma_start3A_167 = tpu.memref_slice %arg3[%arg0, %arg1, %add3A_162, %dma_start3A_166] : memref<2x16x84x128xi32, #tpu.memory_space<hbm>> -> memref<1x1x1x128xi32, #tpu.memory_space<hbm>>
      %dma_start3A_168 = tpu.memref_squeeze %dma_start3A_167 : memref<1x1x1x128xi32, #tpu.memory_space<hbm>> -> memref<128xi32, #tpu.memory_space<hbm>>
      tpu.enqueue_dma source(%dma_start3A_168 : memref<128xi32, #tpu.memory_space<hbm>>) target(%arg14 : memref<128xi32, #tpu.memory_space<vmem>>) target_semaphore(%arg20 : memref<!tpu.dma_semaphore, #tpu.memory_space<semaphore_mem>>)
    }
    %scan3A_51 = arith.constant 20 : i32
    %dma_wait3A_52 = arith.constant 0 : i32
    %dma_wait3A_53 = arith.constant 0 : i32
    %dma_wait3A_54 = tpu.memref_slice %arg2[%dma_wait3A_52, %dma_wait3A_53] : memref<20480x128xf32, #tpu.memory_space<hbm>> -> memref<20480x128xf32, #tpu.memory_space<hbm>>
    tpu.wait_indirect_dma semaphore(%arg15 : memref<!tpu.dma_semaphore, #tpu.memory_space<semaphore_mem>>) src(%dma_wait3A_54 : memref<20480x128xf32, #tpu.memory_space<hbm>>) dst(%arg9 : memref<128x128xf32, #tpu.memory_space<vmem>>)
    %dma_wait3A_55 = arith.constant 0 : i32
    %dma_wait3A_56 = arith.constant 0 : i32
    %dma_wait3A_57 = tpu.memref_slice %arg2[%dma_wait3A_55, %dma_wait3A_56] : memref<20480x128xf32, #tpu.memory_space<hbm>> -> memref<20480x128xf32, #tpu.memory_space<hbm>>
    tpu.wait_indirect_dma semaphore(%arg16 : memref<!tpu.dma_semaphore, #tpu.memory_space<semaphore_mem>>) src(%dma_wait3A_57 : memref<20480x128xf32, #tpu.memory_space<hbm>>) dst(%arg10 : memref<128x128xf32, #tpu.memory_space<vmem>>)
    %dma_wait3A_58 = arith.constant 0 : i32
    %dma_wait3A_59 = arith.constant 0 : i32
    %dma_wait3A_60 = tpu.memref_slice %arg3[%arg0, %arg1, %dma_wait3A_58, %dma_wait3A_59] : memref<2x16x84x128xi32, #tpu.memory_space<hbm>> -> memref<1x1x1x128xi32, #tpu.memory_space<hbm>>
    %dma_wait3A_61 = tpu.memref_squeeze %dma_wait3A_60 : memref<1x1x1x128xi32, #tpu.memory_space<hbm>> -> memref<128xi32, #tpu.memory_space<hbm>>
    %dma_wait3A_62 = arith.constant 0 : i32
    %dma_wait3A_63 = tpu.memref_slice %arg3[%arg0, %arg1, %dma_wait3A_58, %dma_wait3A_62] : memref<2x16x84x128xi32, #tpu.memory_space<hbm>> -> memref<1x1x1x128xi32, #tpu.memory_space<hbm>>
    %dma_wait3A_64 = tpu.memref_squeeze %dma_wait3A_63 : memref<1x1x1x128xi32, #tpu.memory_space<hbm>> -> memref<128xi32, #tpu.memory_space<hbm>>
    tpu.wait_dma2 semaphore(%arg19 : memref<!tpu.dma_semaphore, #tpu.memory_space<semaphore_mem>>) src(%dma_wait3A_64 : memref<128xi32, #tpu.memory_space<hbm>>) dst(%arg13 : memref<128xi32, #tpu.memory_space<vmem>>)
    %dma_wait3A_65 = arith.constant 0 : i32
    %dma_wait3A_66 = arith.constant 0 : i32
    %dma_wait3A_67 = tpu.memref_slice %arg3[%arg0, %arg1, %dma_wait3A_65, %dma_wait3A_66] : memref<2x16x84x128xi32, #tpu.memory_space<hbm>> -> memref<1x1x1x128xi32, #tpu.memory_space<hbm>>
    %dma_wait3A_68 = tpu.memref_squeeze %dma_wait3A_67 : memref<1x1x1x128xi32, #tpu.memory_space<hbm>> -> memref<128xi32, #tpu.memory_space<hbm>>
    %dma_wait3A_69 = arith.constant 0 : i32
    %dma_wait3A_70 = tpu.memref_slice %arg3[%arg0, %arg1, %dma_wait3A_65, %dma_wait3A_69] : memref<2x16x84x128xi32, #tpu.memory_space<hbm>> -> memref<1x1x1x128xi32, #tpu.memory_space<hbm>>
    %dma_wait3A_71 = tpu.memref_squeeze %dma_wait3A_70 : memref<1x1x1x128xi32, #tpu.memory_space<hbm>> -> memref<128xi32, #tpu.memory_space<hbm>>
    tpu.wait_dma2 semaphore(%arg20 : memref<!tpu.dma_semaphore, #tpu.memory_space<semaphore_mem>>) src(%dma_wait3A_71 : memref<128xi32, #tpu.memory_space<hbm>>) dst(%arg14 : memref<128xi32, #tpu.memory_space<vmem>>)
    %barrier3A_72 = arith.constant 0 : index
    tpu.barrier barrier_id(%barrier3A_72)
    %mul3A_73 = arith.constant 640 : i32
    %mul3A_74 = arith.muli %arg1, %mul3A_73 : i32
    %mul3A_75 = arith.constant 640 : i32
    %mul3A_76 = arith.muli %arg1, %mul3A_75 : i32
    "tpu.region"() ({
      %run_scoped3A = tpu.sem_alloc : memref<!tpu.dma_semaphore, #tpu.memory_space<semaphore_mem>>
      %dma_start3A_77 = arith.constant 0 : i32
      %dma_start3A_78 = tpu.memref_slice %arg6[%arg0, %mul3A_76, %dma_start3A_77] : memref<2x10240x128xf32, #tpu.memory_space<hbm>> -> memref<1x640x128xf32, #tpu.memory_space<hbm>>
      %dma_start3A_79 = tpu.memref_squeeze %dma_start3A_78 : memref<1x640x128xf32, #tpu.memory_space<hbm>> -> memref<640x128xf32, #tpu.memory_space<hbm>>
      %dma_start3A_80 = arith.constant 0 : i32
      %dma_start3A_81 = tpu.memref_slice %arg7[%mul3A_74, %dma_start3A_80] : memref<10240x128xf32, #tpu.memory_space<vmem_shared>> -> memref<640x128xf32, #tpu.memory_space<vmem_shared>>
      tpu.enqueue_dma source(%dma_start3A_81 : memref<640x128xf32, #tpu.memory_space<vmem_shared>>) target(%dma_start3A_79 : memref<640x128xf32, #tpu.memory_space<hbm>>) target_semaphore(%run_scoped3A : memref<!tpu.dma_semaphore, #tpu.memory_space<semaphore_mem>>)
      %dma_wait3A_82 = arith.constant 0 : i32
      %dma_wait3A_83 = tpu.memref_slice %arg6[%arg0, %mul3A_76, %dma_wait3A_82] : memref<2x10240x128xf32, #tpu.memory_space<hbm>> -> memref<1x640x128xf32, #tpu.memory_space<hbm>>
      %dma_wait3A_84 = tpu.memref_squeeze %dma_wait3A_83 : memref<1x640x128xf32, #tpu.memory_space<hbm>> -> memref<640x128xf32, #tpu.memory_space<hbm>>
      %dma_wait3A_85 = arith.constant 0 : i32
      %dma_wait3A_86 = tpu.memref_slice %arg7[%mul3A_74, %dma_wait3A_85] : memref<10240x128xf32, #tpu.memory_space<vmem_shared>> -> memref<640x128xf32, #tpu.memory_space<vmem_shared>>
      tpu.wait_dma2 semaphore(%run_scoped3A : memref<!tpu.dma_semaphore, #tpu.memory_space<semaphore_mem>>) src(%dma_wait3A_86 : memref<640x128xf32, #tpu.memory_space<vmem_shared>>) dst(%dma_wait3A_84 : memref<640x128xf32, #tpu.memory_space<hbm>>)
      tpu.yield
    }) : () -> ()
    return
  }
}

#map = affine_map<(d0, d1) -> (0, 0)>
#map1 = affine_map<(d0, d1) -> (0, 0, 0, 0)>
#map2 = affine_map<(d0, d1) -> (0, 0, 0)>
module attributes {stable_mosaic.version = 14 : i64} {
  func.func @_sc_agg_body(%arg0: i32, %arg1: i32, %arg2: memref<20480x128xf32, #tpu.memory_space<hbm>>, %arg3: memref<2x16x84x128xi32, #tpu.memory_space<hbm>>, %arg4: memref<16x84x128xi32, #tpu.memory_space<hbm>>, %arg5: memref<640x128xf32, #tpu.memory_space<hbm>>, %arg6: memref<2x10240x128xf32, #tpu.memory_space<hbm>>, %arg7: memref<10240x128xf32, #tpu.memory_space<vmem_shared>>, %arg8: memref<84x128xi32, #tpu.memory_space<vmem>>, %arg9: memref<128x128xf32, #tpu.memory_space<vmem>>, %arg10: memref<128x128xf32, #tpu.memory_space<vmem>>, %arg11: memref<128xi32, #tpu.memory_space<vmem>>, %arg12: memref<128xi32, #tpu.memory_space<vmem>>, %arg13: memref<128xi32, #tpu.memory_space<vmem>>, %arg14: memref<128xi32, #tpu.memory_space<vmem>>, %arg15: memref<!tpu.dma_semaphore, #tpu.memory_space<semaphore_mem>>, %arg16: memref<!tpu.dma_semaphore, #tpu.memory_space<semaphore_mem>>, %arg17: memref<!tpu.dma_semaphore, #tpu.memory_space<semaphore_mem>>, %arg18: memref<!tpu.dma_semaphore, #tpu.memory_space<semaphore_mem>>, %arg19: memref<!tpu.dma_semaphore, #tpu.memory_space<semaphore_mem>>, %arg20: memref<!tpu.dma_semaphore, #tpu.memory_space<semaphore_mem>>) attributes {dimension_semantics = [#tpu.dimension_semantics<core_parallel>, #tpu.dimension_semantics<subcore_parallel>], iteration_bounds = array<i64: 2, 16>, scalar_prefetch = 0 : i64, scratch_operands = 14 : i64, tpu.core_type = #tpu.core_type<sc_vector_subcore>, window_params = [{transform_indices = #map}, {transform_indices = #map1}, {transform_indices = #map2}, {transform_indices = #map}, {transform_indices = #map2}]} {
    "tpu.region"() ({
      %run_scoped3A = tpu.sem_alloc : memref<!tpu.dma_semaphore, #tpu.memory_space<semaphore_mem>>
      %dma_start3A_77 = arith.constant 0 : i32
      %dma_start3A_78 = arith.constant 0 : i32
      %dma_start3A_79 = tpu.memref_slice %arg4[%arg1, %dma_start3A_77, %dma_start3A_78] : memref<16x84x128xi32, #tpu.memory_space<hbm>> -> memref<1x84x128xi32, #tpu.memory_space<hbm>>
      %dma_start3A_80 = tpu.memref_squeeze %dma_start3A_79 : memref<1x84x128xi32, #tpu.memory_space<hbm>> -> memref<84x128xi32, #tpu.memory_space<hbm>>
      %dma_start3A_81 = arith.constant 0 : i32
      %dma_start3A_82 = arith.constant 0 : i32
      %dma_start3A_83 = tpu.memref_slice %arg4[%arg1, %dma_start3A_81, %dma_start3A_82] : memref<16x84x128xi32, #tpu.memory_space<hbm>> -> memref<1x84x128xi32, #tpu.memory_space<hbm>>
      %dma_start3A_84 = tpu.memref_squeeze %dma_start3A_83 : memref<1x84x128xi32, #tpu.memory_space<hbm>> -> memref<84x128xi32, #tpu.memory_space<hbm>>
      tpu.enqueue_dma source(%dma_start3A_84 : memref<84x128xi32, #tpu.memory_space<hbm>>) target(%arg8 : memref<84x128xi32, #tpu.memory_space<vmem>>) target_semaphore(%run_scoped3A : memref<!tpu.dma_semaphore, #tpu.memory_space<semaphore_mem>>)
      %dma_wait3A_85 = arith.constant 0 : i32
      %dma_wait3A_86 = arith.constant 0 : i32
      %dma_wait3A_87 = tpu.memref_slice %arg4[%arg1, %dma_wait3A_85, %dma_wait3A_86] : memref<16x84x128xi32, #tpu.memory_space<hbm>> -> memref<1x84x128xi32, #tpu.memory_space<hbm>>
      %dma_wait3A_88 = tpu.memref_squeeze %dma_wait3A_87 : memref<1x84x128xi32, #tpu.memory_space<hbm>> -> memref<84x128xi32, #tpu.memory_space<hbm>>
      %dma_wait3A_89 = arith.constant 0 : i32
      %dma_wait3A_90 = arith.constant 0 : i32
      %dma_wait3A_91 = tpu.memref_slice %arg4[%arg1, %dma_wait3A_89, %dma_wait3A_90] : memref<16x84x128xi32, #tpu.memory_space<hbm>> -> memref<1x84x128xi32, #tpu.memory_space<hbm>>
      %dma_wait3A_92 = tpu.memref_squeeze %dma_wait3A_91 : memref<1x84x128xi32, #tpu.memory_space<hbm>> -> memref<84x128xi32, #tpu.memory_space<hbm>>
      tpu.wait_dma2 semaphore(%run_scoped3A : memref<!tpu.dma_semaphore, #tpu.memory_space<semaphore_mem>>) src(%dma_wait3A_92 : memref<84x128xi32, #tpu.memory_space<hbm>>) dst(%arg8 : memref<84x128xi32, #tpu.memory_space<vmem>>)
      tpu.yield
    }) : () -> ()
    %mul3A = arith.constant 640 : i32
    %mul3A_0 = arith.muli %arg1, %mul3A : i32
    "tpu.region"() ({
      %run_scoped3A = tpu.sem_alloc : memref<!tpu.dma_semaphore, #tpu.memory_space<semaphore_mem>>
      %dma_start3A_77 = arith.constant 0 : i32
      %dma_start3A_78 = tpu.memref_slice %arg7[%mul3A_0, %dma_start3A_77] : memref<10240x128xf32, #tpu.memory_space<vmem_shared>> -> memref<640x128xf32, #tpu.memory_space<vmem_shared>>
      tpu.enqueue_dma source(%arg5 : memref<640x128xf32, #tpu.memory_space<hbm>>) target(%dma_start3A_78 : memref<640x128xf32, #tpu.memory_space<vmem_shared>>) target_semaphore(%run_scoped3A : memref<!tpu.dma_semaphore, #tpu.memory_space<semaphore_mem>>)
      %dma_wait3A_79 = arith.constant 0 : i32
      %dma_wait3A_80 = tpu.memref_slice %arg7[%mul3A_0, %dma_wait3A_79] : memref<10240x128xf32, #tpu.memory_space<vmem_shared>> -> memref<640x128xf32, #tpu.memory_space<vmem_shared>>
      tpu.wait_dma2 semaphore(%run_scoped3A : memref<!tpu.dma_semaphore, #tpu.memory_space<semaphore_mem>>) src(%arg5 : memref<640x128xf32, #tpu.memory_space<hbm>>) dst(%dma_wait3A_80 : memref<640x128xf32, #tpu.memory_space<vmem_shared>>)
      tpu.yield
    }) : () -> ()
    %barrier3A = arith.constant 0 : index
    tpu.barrier barrier_id(%barrier3A)
    %dma_start3A = arith.constant 0 : i32
    %dma_start3A_1 = arith.constant 0 : i32
    %dma_start3A_2 = tpu.memref_slice %arg3[%arg0, %arg1, %dma_start3A, %dma_start3A_1] : memref<2x16x84x128xi32, #tpu.memory_space<hbm>> -> memref<1x1x1x128xi32, #tpu.memory_space<hbm>>
    %dma_start3A_3 = tpu.memref_squeeze %dma_start3A_2 : memref<1x1x1x128xi32, #tpu.memory_space<hbm>> -> memref<128xi32, #tpu.memory_space<hbm>>
    %dma_start3A_4 = arith.constant 0 : i32
    %dma_start3A_5 = tpu.memref_slice %arg3[%arg0, %arg1, %dma_start3A, %dma_start3A_4] : memref<2x16x84x128xi32, #tpu.memory_space<hbm>> -> memref<1x1x1x128xi32, #tpu.memory_space<hbm>>
    %dma_start3A_6 = tpu.memref_squeeze %dma_start3A_5 : memref<1x1x1x128xi32, #tpu.memory_space<hbm>> -> memref<128xi32, #tpu.memory_space<hbm>>
    tpu.enqueue_dma source(%dma_start3A_6 : memref<128xi32, #tpu.memory_space<hbm>>) target(%arg11 : memref<128xi32, #tpu.memory_space<vmem>>) target_semaphore(%arg17 : memref<!tpu.dma_semaphore, #tpu.memory_space<semaphore_mem>>)
    %dma_start3A_7 = arith.constant 1 : i32
    %dma_start3A_8 = arith.constant 0 : i32
    %dma_start3A_9 = tpu.memref_slice %arg3[%arg0, %arg1, %dma_start3A_7, %dma_start3A_8] : memref<2x16x84x128xi32, #tpu.memory_space<hbm>> -> memref<1x1x1x128xi32, #tpu.memory_space<hbm>>
    %dma_start3A_10 = tpu.memref_squeeze %dma_start3A_9 : memref<1x1x1x128xi32, #tpu.memory_space<hbm>> -> memref<128xi32, #tpu.memory_space<hbm>>
    %dma_start3A_11 = arith.constant 0 : i32
    %dma_start3A_12 = tpu.memref_slice %arg3[%arg0, %arg1, %dma_start3A_7, %dma_start3A_11] : memref<2x16x84x128xi32, #tpu.memory_space<hbm>> -> memref<1x1x1x128xi32, #tpu.memory_space<hbm>>
    %dma_start3A_13 = tpu.memref_squeeze %dma_start3A_12 : memref<1x1x1x128xi32, #tpu.memory_space<hbm>> -> memref<128xi32, #tpu.memory_space<hbm>>
    tpu.enqueue_dma source(%dma_start3A_13 : memref<128xi32, #tpu.memory_space<hbm>>) target(%arg12 : memref<128xi32, #tpu.memory_space<vmem>>) target_semaphore(%arg18 : memref<!tpu.dma_semaphore, #tpu.memory_space<semaphore_mem>>)
    %dma_start3A_14 = arith.constant 2 : i32
    %dma_start3A_15 = arith.constant 0 : i32
    %dma_start3A_16 = tpu.memref_slice %arg3[%arg0, %arg1, %dma_start3A_14, %dma_start3A_15] : memref<2x16x84x128xi32, #tpu.memory_space<hbm>> -> memref<1x1x1x128xi32, #tpu.memory_space<hbm>>
    %dma_start3A_17 = tpu.memref_squeeze %dma_start3A_16 : memref<1x1x1x128xi32, #tpu.memory_space<hbm>> -> memref<128xi32, #tpu.memory_space<hbm>>
    %dma_start3A_18 = arith.constant 0 : i32
    %dma_start3A_19 = tpu.memref_slice %arg3[%arg0, %arg1, %dma_start3A_14, %dma_start3A_18] : memref<2x16x84x128xi32, #tpu.memory_space<hbm>> -> memref<1x1x1x128xi32, #tpu.memory_space<hbm>>
    %dma_start3A_20 = tpu.memref_squeeze %dma_start3A_19 : memref<1x1x1x128xi32, #tpu.memory_space<hbm>> -> memref<128xi32, #tpu.memory_space<hbm>>
    tpu.enqueue_dma source(%dma_start3A_20 : memref<128xi32, #tpu.memory_space<hbm>>) target(%arg13 : memref<128xi32, #tpu.memory_space<vmem>>) target_semaphore(%arg19 : memref<!tpu.dma_semaphore, #tpu.memory_space<semaphore_mem>>)
    %dma_start3A_21 = arith.constant 3 : i32
    %dma_start3A_22 = arith.constant 0 : i32
    %dma_start3A_23 = tpu.memref_slice %arg3[%arg0, %arg1, %dma_start3A_21, %dma_start3A_22] : memref<2x16x84x128xi32, #tpu.memory_space<hbm>> -> memref<1x1x1x128xi32, #tpu.memory_space<hbm>>
    %dma_start3A_24 = tpu.memref_squeeze %dma_start3A_23 : memref<1x1x1x128xi32, #tpu.memory_space<hbm>> -> memref<128xi32, #tpu.memory_space<hbm>>
    %dma_start3A_25 = arith.constant 0 : i32
    %dma_start3A_26 = tpu.memref_slice %arg3[%arg0, %arg1, %dma_start3A_21, %dma_start3A_25] : memref<2x16x84x128xi32, #tpu.memory_space<hbm>> -> memref<1x1x1x128xi32, #tpu.memory_space<hbm>>
    %dma_start3A_27 = tpu.memref_squeeze %dma_start3A_26 : memref<1x1x1x128xi32, #tpu.memory_space<hbm>> -> memref<128xi32, #tpu.memory_space<hbm>>
    tpu.enqueue_dma source(%dma_start3A_27 : memref<128xi32, #tpu.memory_space<hbm>>) target(%arg14 : memref<128xi32, #tpu.memory_space<vmem>>) target_semaphore(%arg20 : memref<!tpu.dma_semaphore, #tpu.memory_space<semaphore_mem>>)
    %dma_wait3A = arith.constant 0 : i32
    %dma_wait3A_28 = arith.constant 0 : i32
    %dma_wait3A_29 = tpu.memref_slice %arg3[%arg0, %arg1, %dma_wait3A, %dma_wait3A_28] : memref<2x16x84x128xi32, #tpu.memory_space<hbm>> -> memref<1x1x1x128xi32, #tpu.memory_space<hbm>>
    %dma_wait3A_30 = tpu.memref_squeeze %dma_wait3A_29 : memref<1x1x1x128xi32, #tpu.memory_space<hbm>> -> memref<128xi32, #tpu.memory_space<hbm>>
    %dma_wait3A_31 = arith.constant 0 : i32
    %dma_wait3A_32 = tpu.memref_slice %arg3[%arg0, %arg1, %dma_wait3A, %dma_wait3A_31] : memref<2x16x84x128xi32, #tpu.memory_space<hbm>> -> memref<1x1x1x128xi32, #tpu.memory_space<hbm>>
    %dma_wait3A_33 = tpu.memref_squeeze %dma_wait3A_32 : memref<1x1x1x128xi32, #tpu.memory_space<hbm>> -> memref<128xi32, #tpu.memory_space<hbm>>
    tpu.wait_dma2 semaphore(%arg17 : memref<!tpu.dma_semaphore, #tpu.memory_space<semaphore_mem>>) src(%dma_wait3A_33 : memref<128xi32, #tpu.memory_space<hbm>>) dst(%arg11 : memref<128xi32, #tpu.memory_space<vmem>>)
    %dma_start3A_34 = arith.constant 0 : i32
    %dma_start3A_35 = arith.constant 0 : i32
    %dma_start3A_36 = tpu.memref_slice %arg2[%dma_start3A_34, %dma_start3A_35] : memref<20480x128xf32, #tpu.memory_space<hbm>> -> memref<20480x128xf32, #tpu.memory_space<hbm>>
    tpu.enqueue_indirect_dma source(%dma_start3A_36 : memref<20480x128xf32, #tpu.memory_space<hbm>>) target(%arg9 : memref<128x128xf32, #tpu.memory_space<vmem>>) offsets(%arg11 : memref<128xi32, #tpu.memory_space<vmem>>) semaphore(%arg15 : memref<!tpu.dma_semaphore, #tpu.memory_space<semaphore_mem>>)
    %dma_wait3A_37 = arith.constant 0 : i32
    %dma_wait3A_38 = arith.constant 0 : i32
    %dma_wait3A_39 = tpu.memref_slice %arg3[%arg0, %arg1, %dma_wait3A_37, %dma_wait3A_38] : memref<2x16x84x128xi32, #tpu.memory_space<hbm>> -> memref<1x1x1x128xi32, #tpu.memory_space<hbm>>
    %dma_wait3A_40 = tpu.memref_squeeze %dma_wait3A_39 : memref<1x1x1x128xi32, #tpu.memory_space<hbm>> -> memref<128xi32, #tpu.memory_space<hbm>>
    %dma_wait3A_41 = arith.constant 0 : i32
    %dma_wait3A_42 = tpu.memref_slice %arg3[%arg0, %arg1, %dma_wait3A_37, %dma_wait3A_41] : memref<2x16x84x128xi32, #tpu.memory_space<hbm>> -> memref<1x1x1x128xi32, #tpu.memory_space<hbm>>
    %dma_wait3A_43 = tpu.memref_squeeze %dma_wait3A_42 : memref<1x1x1x128xi32, #tpu.memory_space<hbm>> -> memref<128xi32, #tpu.memory_space<hbm>>
    tpu.wait_dma2 semaphore(%arg18 : memref<!tpu.dma_semaphore, #tpu.memory_space<semaphore_mem>>) src(%dma_wait3A_43 : memref<128xi32, #tpu.memory_space<hbm>>) dst(%arg12 : memref<128xi32, #tpu.memory_space<vmem>>)
    %dma_start3A_44 = arith.constant 0 : i32
    %dma_start3A_45 = arith.constant 0 : i32
    %dma_start3A_46 = tpu.memref_slice %arg2[%dma_start3A_44, %dma_start3A_45] : memref<20480x128xf32, #tpu.memory_space<hbm>> -> memref<20480x128xf32, #tpu.memory_space<hbm>>
    tpu.enqueue_indirect_dma source(%dma_start3A_46 : memref<20480x128xf32, #tpu.memory_space<hbm>>) target(%arg10 : memref<128x128xf32, #tpu.memory_space<vmem>>) offsets(%arg12 : memref<128xi32, #tpu.memory_space<vmem>>) semaphore(%arg16 : memref<!tpu.dma_semaphore, #tpu.memory_space<semaphore_mem>>)
    %scan3A = arith.constant 0 : i32
    %scan3A_47 = arith.constant 0 : i32
    %scan3A_48 = arith.constant 20 : i32
    %scan3A_49 = arith.addi %scan3A_47, %scan3A_48 : i32
    %scan3A_50 = arith.constant 1 : i32
    scf.for %scan3A_77 = %scan3A_47 to %scan3A_49 step %scan3A_50  : i32 {
      %mul3A_78 = arith.constant 4 : i32
      %mul3A_79 = arith.muli %mul3A_78, %scan3A_77 : i32
      %dma_wait3A_80 = arith.constant 0 : i32
      %dma_wait3A_81 = arith.constant 0 : i32
      %dma_wait3A_82 = tpu.memref_slice %arg2[%dma_wait3A_80, %dma_wait3A_81] : memref<20480x128xf32, #tpu.memory_space<hbm>> -> memref<20480x128xf32, #tpu.memory_space<hbm>>
      tpu.wait_indirect_dma semaphore(%arg15 : memref<!tpu.dma_semaphore, #tpu.memory_space<semaphore_mem>>) src(%dma_wait3A_82 : memref<20480x128xf32, #tpu.memory_space<hbm>>) dst(%arg9 : memref<128x128xf32, #tpu.memory_space<vmem>>)
      "tpu.region"() ({
        %run_scoped3A = tpu.sem_alloc : memref<!tpu.dma_semaphore, #tpu.memory_space<semaphore_mem>>
        %dma_start3A_169 = arith.constant 0 : i32
        %dma_start3A_170 = tpu.memref_slice %arg8[%mul3A_79, %dma_start3A_169] : memref<84x128xi32, #tpu.memory_space<vmem>> -> memref<1x128xi32, #tpu.memory_space<vmem>>
        %dma_start3A_171 = tpu.memref_squeeze %dma_start3A_170 : memref<1x128xi32, #tpu.memory_space<vmem>> -> memref<128xi32, #tpu.memory_space<vmem>>
        %dma_start3A_172 = arith.constant 0 : i32
        %dma_start3A_173 = arith.constant 0 : i32
        %dma_start3A_174 = tpu.memref_slice %arg7[%dma_start3A_172, %dma_start3A_173] : memref<10240x128xf32, #tpu.memory_space<vmem_shared>> -> memref<10240x128xf32, #tpu.memory_space<vmem_shared>>
        tpu.enqueue_indirect_dma source(%arg9 : memref<128x128xf32, #tpu.memory_space<vmem>>) target(%dma_start3A_174 : memref<10240x128xf32, #tpu.memory_space<vmem_shared>>) offsets(%dma_start3A_171 : memref<128xi32, #tpu.memory_space<vmem>>) semaphore(%run_scoped3A : memref<!tpu.dma_semaphore, #tpu.memory_space<semaphore_mem>>) {add = true}
        %dma_wait3A_175 = arith.constant 0 : i32
        %dma_wait3A_176 = tpu.memref_slice %arg8[%mul3A_79, %dma_wait3A_175] : memref<84x128xi32, #tpu.memory_space<vmem>> -> memref<1x128xi32, #tpu.memory_space<vmem>>
        %dma_wait3A_177 = tpu.memref_squeeze %dma_wait3A_176 : memref<1x128xi32, #tpu.memory_space<vmem>> -> memref<128xi32, #tpu.memory_space<vmem>>
        %dma_wait3A_178 = arith.constant 0 : i32
        %dma_wait3A_179 = arith.constant 0 : i32
        %dma_wait3A_180 = tpu.memref_slice %arg7[%dma_wait3A_178, %dma_wait3A_179] : memref<10240x128xf32, #tpu.memory_space<vmem_shared>> -> memref<10240x128xf32, #tpu.memory_space<vmem_shared>>
        tpu.wait_indirect_dma semaphore(%run_scoped3A : memref<!tpu.dma_semaphore, #tpu.memory_space<semaphore_mem>>) src(%arg9 : memref<128x128xf32, #tpu.memory_space<vmem>>) dst(%dma_wait3A_180 : memref<10240x128xf32, #tpu.memory_space<vmem_shared>>)
        tpu.yield
      }) : () -> ()
      %dma_wait3A_83 = arith.constant 0 : i32
      %dma_wait3A_84 = arith.constant 0 : i32
      %dma_wait3A_85 = tpu.memref_slice %arg3[%arg0, %arg1, %dma_wait3A_83, %dma_wait3A_84] : memref<2x16x84x128xi32, #tpu.memory_space<hbm>> -> memref<1x1x1x128xi32, #tpu.memory_space<hbm>>
      %dma_wait3A_86 = tpu.memref_squeeze %dma_wait3A_85 : memref<1x1x1x128xi32, #tpu.memory_space<hbm>> -> memref<128xi32, #tpu.memory_space<hbm>>
      %dma_wait3A_87 = arith.constant 0 : i32
      %dma_wait3A_88 = tpu.memref_slice %arg3[%arg0, %arg1, %dma_wait3A_83, %dma_wait3A_87] : memref<2x16x84x128xi32, #tpu.memory_space<hbm>> -> memref<1x1x1x128xi32, #tpu.memory_space<hbm>>
      %dma_wait3A_89 = tpu.memref_squeeze %dma_wait3A_88 : memref<1x1x1x128xi32, #tpu.memory_space<hbm>> -> memref<128xi32, #tpu.memory_space<hbm>>
      tpu.wait_dma2 semaphore(%arg19 : memref<!tpu.dma_semaphore, #tpu.memory_space<semaphore_mem>>) src(%dma_wait3A_89 : memref<128xi32, #tpu.memory_space<hbm>>) dst(%arg13 : memref<128xi32, #tpu.memory_space<vmem>>)
      %dma_start3A_90 = arith.constant 0 : i32
      %dma_start3A_91 = arith.constant 0 : i32
      %dma_start3A_92 = tpu.memref_slice %arg2[%dma_start3A_90, %dma_start3A_91] : memref<20480x128xf32, #tpu.memory_space<hbm>> -> memref<20480x128xf32, #tpu.memory_space<hbm>>
      tpu.enqueue_indirect_dma source(%dma_start3A_92 : memref<20480x128xf32, #tpu.memory_space<hbm>>) target(%arg9 : memref<128x128xf32, #tpu.memory_space<vmem>>) offsets(%arg13 : memref<128xi32, #tpu.memory_space<vmem>>) semaphore(%arg15 : memref<!tpu.dma_semaphore, #tpu.memory_space<semaphore_mem>>)
      %add3A = arith.constant 4 : i32
      %add3A_93 = arith.addi %mul3A_79, %add3A : i32
      %dma_start3A_94 = arith.constant 0 : i32
      %dma_start3A_95 = tpu.memref_slice %arg3[%arg0, %arg1, %add3A_93, %dma_start3A_94] : memref<2x16x84x128xi32, #tpu.memory_space<hbm>> -> memref<1x1x1x128xi32, #tpu.memory_space<hbm>>
      %dma_start3A_96 = tpu.memref_squeeze %dma_start3A_95 : memref<1x1x1x128xi32, #tpu.memory_space<hbm>> -> memref<128xi32, #tpu.memory_space<hbm>>
      %dma_start3A_97 = arith.constant 0 : i32
      %dma_start3A_98 = tpu.memref_slice %arg3[%arg0, %arg1, %add3A_93, %dma_start3A_97] : memref<2x16x84x128xi32, #tpu.memory_space<hbm>> -> memref<1x1x1x128xi32, #tpu.memory_space<hbm>>
      %dma_start3A_99 = tpu.memref_squeeze %dma_start3A_98 : memref<1x1x1x128xi32, #tpu.memory_space<hbm>> -> memref<128xi32, #tpu.memory_space<hbm>>
      tpu.enqueue_dma source(%dma_start3A_99 : memref<128xi32, #tpu.memory_space<hbm>>) target(%arg11 : memref<128xi32, #tpu.memory_space<vmem>>) target_semaphore(%arg17 : memref<!tpu.dma_semaphore, #tpu.memory_space<semaphore_mem>>)
      %dma_wait3A_100 = arith.constant 0 : i32
      %dma_wait3A_101 = arith.constant 0 : i32
      %dma_wait3A_102 = tpu.memref_slice %arg2[%dma_wait3A_100, %dma_wait3A_101] : memref<20480x128xf32, #tpu.memory_space<hbm>> -> memref<20480x128xf32, #tpu.memory_space<hbm>>
      tpu.wait_indirect_dma semaphore(%arg16 : memref<!tpu.dma_semaphore, #tpu.memory_space<semaphore_mem>>) src(%dma_wait3A_102 : memref<20480x128xf32, #tpu.memory_space<hbm>>) dst(%arg10 : memref<128x128xf32, #tpu.memory_space<vmem>>)
      %add3A_103 = arith.constant 1 : i32
      %add3A_104 = arith.addi %mul3A_79, %add3A_103 : i32
      "tpu.region"() ({
        %run_scoped3A = tpu.sem_alloc : memref<!tpu.dma_semaphore, #tpu.memory_space<semaphore_mem>>
        %dma_start3A_169 = arith.constant 0 : i32
        %dma_start3A_170 = tpu.memref_slice %arg8[%add3A_104, %dma_start3A_169] : memref<84x128xi32, #tpu.memory_space<vmem>> -> memref<1x128xi32, #tpu.memory_space<vmem>>
        %dma_start3A_171 = tpu.memref_squeeze %dma_start3A_170 : memref<1x128xi32, #tpu.memory_space<vmem>> -> memref<128xi32, #tpu.memory_space<vmem>>
        %dma_start3A_172 = arith.constant 0 : i32
        %dma_start3A_173 = arith.constant 0 : i32
        %dma_start3A_174 = tpu.memref_slice %arg7[%dma_start3A_172, %dma_start3A_173] : memref<10240x128xf32, #tpu.memory_space<vmem_shared>> -> memref<10240x128xf32, #tpu.memory_space<vmem_shared>>
        tpu.enqueue_indirect_dma source(%arg10 : memref<128x128xf32, #tpu.memory_space<vmem>>) target(%dma_start3A_174 : memref<10240x128xf32, #tpu.memory_space<vmem_shared>>) offsets(%dma_start3A_171 : memref<128xi32, #tpu.memory_space<vmem>>) semaphore(%run_scoped3A : memref<!tpu.dma_semaphore, #tpu.memory_space<semaphore_mem>>) {add = true}
        %dma_wait3A_175 = arith.constant 0 : i32
        %dma_wait3A_176 = tpu.memref_slice %arg8[%add3A_104, %dma_wait3A_175] : memref<84x128xi32, #tpu.memory_space<vmem>> -> memref<1x128xi32, #tpu.memory_space<vmem>>
        %dma_wait3A_177 = tpu.memref_squeeze %dma_wait3A_176 : memref<1x128xi32, #tpu.memory_space<vmem>> -> memref<128xi32, #tpu.memory_space<vmem>>
        %dma_wait3A_178 = arith.constant 0 : i32
        %dma_wait3A_179 = arith.constant 0 : i32
        %dma_wait3A_180 = tpu.memref_slice %arg7[%dma_wait3A_178, %dma_wait3A_179] : memref<10240x128xf32, #tpu.memory_space<vmem_shared>> -> memref<10240x128xf32, #tpu.memory_space<vmem_shared>>
        tpu.wait_indirect_dma semaphore(%run_scoped3A : memref<!tpu.dma_semaphore, #tpu.memory_space<semaphore_mem>>) src(%arg10 : memref<128x128xf32, #tpu.memory_space<vmem>>) dst(%dma_wait3A_180 : memref<10240x128xf32, #tpu.memory_space<vmem_shared>>)
        tpu.yield
      }) : () -> ()
      %dma_wait3A_105 = arith.constant 0 : i32
      %dma_wait3A_106 = arith.constant 0 : i32
      %dma_wait3A_107 = tpu.memref_slice %arg3[%arg0, %arg1, %dma_wait3A_105, %dma_wait3A_106] : memref<2x16x84x128xi32, #tpu.memory_space<hbm>> -> memref<1x1x1x128xi32, #tpu.memory_space<hbm>>
      %dma_wait3A_108 = tpu.memref_squeeze %dma_wait3A_107 : memref<1x1x1x128xi32, #tpu.memory_space<hbm>> -> memref<128xi32, #tpu.memory_space<hbm>>
      %dma_wait3A_109 = arith.constant 0 : i32
      %dma_wait3A_110 = tpu.memref_slice %arg3[%arg0, %arg1, %dma_wait3A_105, %dma_wait3A_109] : memref<2x16x84x128xi32, #tpu.memory_space<hbm>> -> memref<1x1x1x128xi32, #tpu.memory_space<hbm>>
      %dma_wait3A_111 = tpu.memref_squeeze %dma_wait3A_110 : memref<1x1x1x128xi32, #tpu.memory_space<hbm>> -> memref<128xi32, #tpu.memory_space<hbm>>
      tpu.wait_dma2 semaphore(%arg20 : memref<!tpu.dma_semaphore, #tpu.memory_space<semaphore_mem>>) src(%dma_wait3A_111 : memref<128xi32, #tpu.memory_space<hbm>>) dst(%arg14 : memref<128xi32, #tpu.memory_space<vmem>>)
      %dma_start3A_112 = arith.constant 0 : i32
      %dma_start3A_113 = arith.constant 0 : i32
      %dma_start3A_114 = tpu.memref_slice %arg2[%dma_start3A_112, %dma_start3A_113] : memref<20480x128xf32, #tpu.memory_space<hbm>> -> memref<20480x128xf32, #tpu.memory_space<hbm>>
      tpu.enqueue_indirect_dma source(%dma_start3A_114 : memref<20480x128xf32, #tpu.memory_space<hbm>>) target(%arg10 : memref<128x128xf32, #tpu.memory_space<vmem>>) offsets(%arg14 : memref<128xi32, #tpu.memory_space<vmem>>) semaphore(%arg16 : memref<!tpu.dma_semaphore, #tpu.memory_space<semaphore_mem>>)
      %add3A_115 = arith.constant 5 : i32
      %add3A_116 = arith.addi %mul3A_79, %add3A_115 : i32
      %dma_start3A_117 = arith.constant 0 : i32
      %dma_start3A_118 = tpu.memref_slice %arg3[%arg0, %arg1, %add3A_116, %dma_start3A_117] : memref<2x16x84x128xi32, #tpu.memory_space<hbm>> -> memref<1x1x1x128xi32, #tpu.memory_space<hbm>>
      %dma_start3A_119 = tpu.memref_squeeze %dma_start3A_118 : memref<1x1x1x128xi32, #tpu.memory_space<hbm>> -> memref<128xi32, #tpu.memory_space<hbm>>
      %dma_start3A_120 = arith.constant 0 : i32
      %dma_start3A_121 = tpu.memref_slice %arg3[%arg0, %arg1, %add3A_116, %dma_start3A_120] : memref<2x16x84x128xi32, #tpu.memory_space<hbm>> -> memref<1x1x1x128xi32, #tpu.memory_space<hbm>>
      %dma_start3A_122 = tpu.memref_squeeze %dma_start3A_121 : memref<1x1x1x128xi32, #tpu.memory_space<hbm>> -> memref<128xi32, #tpu.memory_space<hbm>>
      tpu.enqueue_dma source(%dma_start3A_122 : memref<128xi32, #tpu.memory_space<hbm>>) target(%arg12 : memref<128xi32, #tpu.memory_space<vmem>>) target_semaphore(%arg18 : memref<!tpu.dma_semaphore, #tpu.memory_space<semaphore_mem>>)
      %dma_wait3A_123 = arith.constant 0 : i32
      %dma_wait3A_124 = arith.constant 0 : i32
      %dma_wait3A_125 = tpu.memref_slice %arg2[%dma_wait3A_123, %dma_wait3A_124] : memref<20480x128xf32, #tpu.memory_space<hbm>> -> memref<20480x128xf32, #tpu.memory_space<hbm>>
      tpu.wait_indirect_dma semaphore(%arg15 : memref<!tpu.dma_semaphore, #tpu.memory_space<semaphore_mem>>) src(%dma_wait3A_125 : memref<20480x128xf32, #tpu.memory_space<hbm>>) dst(%arg9 : memref<128x128xf32, #tpu.memory_space<vmem>>)
      %add3A_126 = arith.constant 2 : i32
      %add3A_127 = arith.addi %mul3A_79, %add3A_126 : i32
      "tpu.region"() ({
        %run_scoped3A = tpu.sem_alloc : memref<!tpu.dma_semaphore, #tpu.memory_space<semaphore_mem>>
        %dma_start3A_169 = arith.constant 0 : i32
        %dma_start3A_170 = tpu.memref_slice %arg8[%add3A_127, %dma_start3A_169] : memref<84x128xi32, #tpu.memory_space<vmem>> -> memref<1x128xi32, #tpu.memory_space<vmem>>
        %dma_start3A_171 = tpu.memref_squeeze %dma_start3A_170 : memref<1x128xi32, #tpu.memory_space<vmem>> -> memref<128xi32, #tpu.memory_space<vmem>>
        %dma_start3A_172 = arith.constant 0 : i32
        %dma_start3A_173 = arith.constant 0 : i32
        %dma_start3A_174 = tpu.memref_slice %arg7[%dma_start3A_172, %dma_start3A_173] : memref<10240x128xf32, #tpu.memory_space<vmem_shared>> -> memref<10240x128xf32, #tpu.memory_space<vmem_shared>>
        tpu.enqueue_indirect_dma source(%arg9 : memref<128x128xf32, #tpu.memory_space<vmem>>) target(%dma_start3A_174 : memref<10240x128xf32, #tpu.memory_space<vmem_shared>>) offsets(%dma_start3A_171 : memref<128xi32, #tpu.memory_space<vmem>>) semaphore(%run_scoped3A : memref<!tpu.dma_semaphore, #tpu.memory_space<semaphore_mem>>) {add = true}
        %dma_wait3A_175 = arith.constant 0 : i32
        %dma_wait3A_176 = tpu.memref_slice %arg8[%add3A_127, %dma_wait3A_175] : memref<84x128xi32, #tpu.memory_space<vmem>> -> memref<1x128xi32, #tpu.memory_space<vmem>>
        %dma_wait3A_177 = tpu.memref_squeeze %dma_wait3A_176 : memref<1x128xi32, #tpu.memory_space<vmem>> -> memref<128xi32, #tpu.memory_space<vmem>>
        %dma_wait3A_178 = arith.constant 0 : i32
        %dma_wait3A_179 = arith.constant 0 : i32
        %dma_wait3A_180 = tpu.memref_slice %arg7[%dma_wait3A_178, %dma_wait3A_179] : memref<10240x128xf32, #tpu.memory_space<vmem_shared>> -> memref<10240x128xf32, #tpu.memory_space<vmem_shared>>
        tpu.wait_indirect_dma semaphore(%run_scoped3A : memref<!tpu.dma_semaphore, #tpu.memory_space<semaphore_mem>>) src(%arg9 : memref<128x128xf32, #tpu.memory_space<vmem>>) dst(%dma_wait3A_180 : memref<10240x128xf32, #tpu.memory_space<vmem_shared>>)
        tpu.yield
      }) : () -> ()
      %dma_wait3A_128 = arith.constant 0 : i32
      %dma_wait3A_129 = arith.constant 0 : i32
      %dma_wait3A_130 = tpu.memref_slice %arg3[%arg0, %arg1, %dma_wait3A_128, %dma_wait3A_129] : memref<2x16x84x128xi32, #tpu.memory_space<hbm>> -> memref<1x1x1x128xi32, #tpu.memory_space<hbm>>
      %dma_wait3A_131 = tpu.memref_squeeze %dma_wait3A_130 : memref<1x1x1x128xi32, #tpu.memory_space<hbm>> -> memref<128xi32, #tpu.memory_space<hbm>>
      %dma_wait3A_132 = arith.constant 0 : i32
      %dma_wait3A_133 = tpu.memref_slice %arg3[%arg0, %arg1, %dma_wait3A_128, %dma_wait3A_132] : memref<2x16x84x128xi32, #tpu.memory_space<hbm>> -> memref<1x1x1x128xi32, #tpu.memory_space<hbm>>
      %dma_wait3A_134 = tpu.memref_squeeze %dma_wait3A_133 : memref<1x1x1x128xi32, #tpu.memory_space<hbm>> -> memref<128xi32, #tpu.memory_space<hbm>>
      tpu.wait_dma2 semaphore(%arg17 : memref<!tpu.dma_semaphore, #tpu.memory_space<semaphore_mem>>) src(%dma_wait3A_134 : memref<128xi32, #tpu.memory_space<hbm>>) dst(%arg11 : memref<128xi32, #tpu.memory_space<vmem>>)
      %dma_start3A_135 = arith.constant 0 : i32
      %dma_start3A_136 = arith.constant 0 : i32
      %dma_start3A_137 = tpu.memref_slice %arg2[%dma_start3A_135, %dma_start3A_136] : memref<20480x128xf32, #tpu.memory_space<hbm>> -> memref<20480x128xf32, #tpu.memory_space<hbm>>
      tpu.enqueue_indirect_dma source(%dma_start3A_137 : memref<20480x128xf32, #tpu.memory_space<hbm>>) target(%arg9 : memref<128x128xf32, #tpu.memory_space<vmem>>) offsets(%arg11 : memref<128xi32, #tpu.memory_space<vmem>>) semaphore(%arg15 : memref<!tpu.dma_semaphore, #tpu.memory_space<semaphore_mem>>)
      %add3A_138 = arith.constant 6 : i32
      %add3A_139 = arith.addi %mul3A_79, %add3A_138 : i32
      %dma_start3A_140 = arith.constant 0 : i32
      %dma_start3A_141 = tpu.memref_slice %arg3[%arg0, %arg1, %add3A_139, %dma_start3A_140] : memref<2x16x84x128xi32, #tpu.memory_space<hbm>> -> memref<1x1x1x128xi32, #tpu.memory_space<hbm>>
      %dma_start3A_142 = tpu.memref_squeeze %dma_start3A_141 : memref<1x1x1x128xi32, #tpu.memory_space<hbm>> -> memref<128xi32, #tpu.memory_space<hbm>>
      %dma_start3A_143 = arith.constant 0 : i32
      %dma_start3A_144 = tpu.memref_slice %arg3[%arg0, %arg1, %add3A_139, %dma_start3A_143] : memref<2x16x84x128xi32, #tpu.memory_space<hbm>> -> memref<1x1x1x128xi32, #tpu.memory_space<hbm>>
      %dma_start3A_145 = tpu.memref_squeeze %dma_start3A_144 : memref<1x1x1x128xi32, #tpu.memory_space<hbm>> -> memref<128xi32, #tpu.memory_space<hbm>>
      tpu.enqueue_dma source(%dma_start3A_145 : memref<128xi32, #tpu.memory_space<hbm>>) target(%arg13 : memref<128xi32, #tpu.memory_space<vmem>>) target_semaphore(%arg19 : memref<!tpu.dma_semaphore, #tpu.memory_space<semaphore_mem>>)
      %dma_wait3A_146 = arith.constant 0 : i32
      %dma_wait3A_147 = arith.constant 0 : i32
      %dma_wait3A_148 = tpu.memref_slice %arg2[%dma_wait3A_146, %dma_wait3A_147] : memref<20480x128xf32, #tpu.memory_space<hbm>> -> memref<20480x128xf32, #tpu.memory_space<hbm>>
      tpu.wait_indirect_dma semaphore(%arg16 : memref<!tpu.dma_semaphore, #tpu.memory_space<semaphore_mem>>) src(%dma_wait3A_148 : memref<20480x128xf32, #tpu.memory_space<hbm>>) dst(%arg10 : memref<128x128xf32, #tpu.memory_space<vmem>>)
      %add3A_149 = arith.constant 3 : i32
      %add3A_150 = arith.addi %mul3A_79, %add3A_149 : i32
      "tpu.region"() ({
        %run_scoped3A = tpu.sem_alloc : memref<!tpu.dma_semaphore, #tpu.memory_space<semaphore_mem>>
        %dma_start3A_169 = arith.constant 0 : i32
        %dma_start3A_170 = tpu.memref_slice %arg8[%add3A_150, %dma_start3A_169] : memref<84x128xi32, #tpu.memory_space<vmem>> -> memref<1x128xi32, #tpu.memory_space<vmem>>
        %dma_start3A_171 = tpu.memref_squeeze %dma_start3A_170 : memref<1x128xi32, #tpu.memory_space<vmem>> -> memref<128xi32, #tpu.memory_space<vmem>>
        %dma_start3A_172 = arith.constant 0 : i32
        %dma_start3A_173 = arith.constant 0 : i32
        %dma_start3A_174 = tpu.memref_slice %arg7[%dma_start3A_172, %dma_start3A_173] : memref<10240x128xf32, #tpu.memory_space<vmem_shared>> -> memref<10240x128xf32, #tpu.memory_space<vmem_shared>>
        tpu.enqueue_indirect_dma source(%arg10 : memref<128x128xf32, #tpu.memory_space<vmem>>) target(%dma_start3A_174 : memref<10240x128xf32, #tpu.memory_space<vmem_shared>>) offsets(%dma_start3A_171 : memref<128xi32, #tpu.memory_space<vmem>>) semaphore(%run_scoped3A : memref<!tpu.dma_semaphore, #tpu.memory_space<semaphore_mem>>) {add = true}
        %dma_wait3A_175 = arith.constant 0 : i32
        %dma_wait3A_176 = tpu.memref_slice %arg8[%add3A_150, %dma_wait3A_175] : memref<84x128xi32, #tpu.memory_space<vmem>> -> memref<1x128xi32, #tpu.memory_space<vmem>>
        %dma_wait3A_177 = tpu.memref_squeeze %dma_wait3A_176 : memref<1x128xi32, #tpu.memory_space<vmem>> -> memref<128xi32, #tpu.memory_space<vmem>>
        %dma_wait3A_178 = arith.constant 0 : i32
        %dma_wait3A_179 = arith.constant 0 : i32
        %dma_wait3A_180 = tpu.memref_slice %arg7[%dma_wait3A_178, %dma_wait3A_179] : memref<10240x128xf32, #tpu.memory_space<vmem_shared>> -> memref<10240x128xf32, #tpu.memory_space<vmem_shared>>
        tpu.wait_indirect_dma semaphore(%run_scoped3A : memref<!tpu.dma_semaphore, #tpu.memory_space<semaphore_mem>>) src(%arg10 : memref<128x128xf32, #tpu.memory_space<vmem>>) dst(%dma_wait3A_180 : memref<10240x128xf32, #tpu.memory_space<vmem_shared>>)
        tpu.yield
      }) : () -> ()
      %dma_wait3A_151 = arith.constant 0 : i32
      %dma_wait3A_152 = arith.constant 0 : i32
      %dma_wait3A_153 = tpu.memref_slice %arg3[%arg0, %arg1, %dma_wait3A_151, %dma_wait3A_152] : memref<2x16x84x128xi32, #tpu.memory_space<hbm>> -> memref<1x1x1x128xi32, #tpu.memory_space<hbm>>
      %dma_wait3A_154 = tpu.memref_squeeze %dma_wait3A_153 : memref<1x1x1x128xi32, #tpu.memory_space<hbm>> -> memref<128xi32, #tpu.memory_space<hbm>>
      %dma_wait3A_155 = arith.constant 0 : i32
      %dma_wait3A_156 = tpu.memref_slice %arg3[%arg0, %arg1, %dma_wait3A_151, %dma_wait3A_155] : memref<2x16x84x128xi32, #tpu.memory_space<hbm>> -> memref<1x1x1x128xi32, #tpu.memory_space<hbm>>
      %dma_wait3A_157 = tpu.memref_squeeze %dma_wait3A_156 : memref<1x1x1x128xi32, #tpu.memory_space<hbm>> -> memref<128xi32, #tpu.memory_space<hbm>>
      tpu.wait_dma2 semaphore(%arg18 : memref<!tpu.dma_semaphore, #tpu.memory_space<semaphore_mem>>) src(%dma_wait3A_157 : memref<128xi32, #tpu.memory_space<hbm>>) dst(%arg12 : memref<128xi32, #tpu.memory_space<vmem>>)
      %dma_start3A_158 = arith.constant 0 : i32
      %dma_start3A_159 = arith.constant 0 : i32
      %dma_start3A_160 = tpu.memref_slice %arg2[%dma_start3A_158, %dma_start3A_159] : memref<20480x128xf32, #tpu.memory_space<hbm>> -> memref<20480x128xf32, #tpu.memory_space<hbm>>
      tpu.enqueue_indirect_dma source(%dma_start3A_160 : memref<20480x128xf32, #tpu.memory_space<hbm>>) target(%arg10 : memref<128x128xf32, #tpu.memory_space<vmem>>) offsets(%arg12 : memref<128xi32, #tpu.memory_space<vmem>>) semaphore(%arg16 : memref<!tpu.dma_semaphore, #tpu.memory_space<semaphore_mem>>)
      %add3A_161 = arith.constant 7 : i32
      %add3A_162 = arith.addi %mul3A_79, %add3A_161 : i32
      %dma_start3A_163 = arith.constant 0 : i32
      %dma_start3A_164 = tpu.memref_slice %arg3[%arg0, %arg1, %add3A_162, %dma_start3A_163] : memref<2x16x84x128xi32, #tpu.memory_space<hbm>> -> memref<1x1x1x128xi32, #tpu.memory_space<hbm>>
      %dma_start3A_165 = tpu.memref_squeeze %dma_start3A_164 : memref<1x1x1x128xi32, #tpu.memory_space<hbm>> -> memref<128xi32, #tpu.memory_space<hbm>>
      %dma_start3A_166 = arith.constant 0 : i32
      %dma_start3A_167 = tpu.memref_slice %arg3[%arg0, %arg1, %add3A_162, %dma_start3A_166] : memref<2x16x84x128xi32, #tpu.memory_space<hbm>> -> memref<1x1x1x128xi32, #tpu.memory_space<hbm>>
      %dma_start3A_168 = tpu.memref_squeeze %dma_start3A_167 : memref<1x1x1x128xi32, #tpu.memory_space<hbm>> -> memref<128xi32, #tpu.memory_space<hbm>>
      tpu.enqueue_dma source(%dma_start3A_168 : memref<128xi32, #tpu.memory_space<hbm>>) target(%arg14 : memref<128xi32, #tpu.memory_space<vmem>>) target_semaphore(%arg20 : memref<!tpu.dma_semaphore, #tpu.memory_space<semaphore_mem>>)
    }
    %scan3A_51 = arith.constant 20 : i32
    %dma_wait3A_52 = arith.constant 0 : i32
    %dma_wait3A_53 = arith.constant 0 : i32
    %dma_wait3A_54 = tpu.memref_slice %arg2[%dma_wait3A_52, %dma_wait3A_53] : memref<20480x128xf32, #tpu.memory_space<hbm>> -> memref<20480x128xf32, #tpu.memory_space<hbm>>
    tpu.wait_indirect_dma semaphore(%arg15 : memref<!tpu.dma_semaphore, #tpu.memory_space<semaphore_mem>>) src(%dma_wait3A_54 : memref<20480x128xf32, #tpu.memory_space<hbm>>) dst(%arg9 : memref<128x128xf32, #tpu.memory_space<vmem>>)
    %dma_wait3A_55 = arith.constant 0 : i32
    %dma_wait3A_56 = arith.constant 0 : i32
    %dma_wait3A_57 = tpu.memref_slice %arg2[%dma_wait3A_55, %dma_wait3A_56] : memref<20480x128xf32, #tpu.memory_space<hbm>> -> memref<20480x128xf32, #tpu.memory_space<hbm>>
    tpu.wait_indirect_dma semaphore(%arg16 : memref<!tpu.dma_semaphore, #tpu.memory_space<semaphore_mem>>) src(%dma_wait3A_57 : memref<20480x128xf32, #tpu.memory_space<hbm>>) dst(%arg10 : memref<128x128xf32, #tpu.memory_space<vmem>>)
    %dma_wait3A_58 = arith.constant 0 : i32
    %dma_wait3A_59 = arith.constant 0 : i32
    %dma_wait3A_60 = tpu.memref_slice %arg3[%arg0, %arg1, %dma_wait3A_58, %dma_wait3A_59] : memref<2x16x84x128xi32, #tpu.memory_space<hbm>> -> memref<1x1x1x128xi32, #tpu.memory_space<hbm>>
    %dma_wait3A_61 = tpu.memref_squeeze %dma_wait3A_60 : memref<1x1x1x128xi32, #tpu.memory_space<hbm>> -> memref<128xi32, #tpu.memory_space<hbm>>
    %dma_wait3A_62 = arith.constant 0 : i32
    %dma_wait3A_63 = tpu.memref_slice %arg3[%arg0, %arg1, %dma_wait3A_58, %dma_wait3A_62] : memref<2x16x84x128xi32, #tpu.memory_space<hbm>> -> memref<1x1x1x128xi32, #tpu.memory_space<hbm>>
    %dma_wait3A_64 = tpu.memref_squeeze %dma_wait3A_63 : memref<1x1x1x128xi32, #tpu.memory_space<hbm>> -> memref<128xi32, #tpu.memory_space<hbm>>
    tpu.wait_dma2 semaphore(%arg19 : memref<!tpu.dma_semaphore, #tpu.memory_space<semaphore_mem>>) src(%dma_wait3A_64 : memref<128xi32, #tpu.memory_space<hbm>>) dst(%arg13 : memref<128xi32, #tpu.memory_space<vmem>>)
    %dma_wait3A_65 = arith.constant 0 : i32
    %dma_wait3A_66 = arith.constant 0 : i32
    %dma_wait3A_67 = tpu.memref_slice %arg3[%arg0, %arg1, %dma_wait3A_65, %dma_wait3A_66] : memref<2x16x84x128xi32, #tpu.memory_space<hbm>> -> memref<1x1x1x128xi32, #tpu.memory_space<hbm>>
    %dma_wait3A_68 = tpu.memref_squeeze %dma_wait3A_67 : memref<1x1x1x128xi32, #tpu.memory_space<hbm>> -> memref<128xi32, #tpu.memory_space<hbm>>
    %dma_wait3A_69 = arith.constant 0 : i32
    %dma_wait3A_70 = tpu.memref_slice %arg3[%arg0, %arg1, %dma_wait3A_65, %dma_wait3A_69] : memref<2x16x84x128xi32, #tpu.memory_space<hbm>> -> memref<1x1x1x128xi32, #tpu.memory_space<hbm>>
    %dma_wait3A_71 = tpu.memref_squeeze %dma_wait3A_70 : memref<1x1x1x128xi32, #tpu.memory_space<hbm>> -> memref<128xi32, #tpu.memory_space<hbm>>
    tpu.wait_dma2 semaphore(%arg20 : memref<!tpu.dma_semaphore, #tpu.memory_space<semaphore_mem>>) src(%dma_wait3A_71 : memref<128xi32, #tpu.memory_space<hbm>>) dst(%arg14 : memref<128xi32, #tpu.memory_space<vmem>>)
    %barrier3A_72 = arith.constant 0 : index
    tpu.barrier barrier_id(%barrier3A_72)
    %mul3A_73 = arith.constant 640 : i32
    %mul3A_74 = arith.muli %arg1, %mul3A_73 : i32
    %mul3A_75 = arith.constant 640 : i32
    %mul3A_76 = arith.muli %arg1, %mul3A_75 : i32
    "tpu.region"() ({
      %run_scoped3A = tpu.sem_alloc : memref<!tpu.dma_semaphore, #tpu.memory_space<semaphore_mem>>
      %dma_start3A_77 = arith.constant 0 : i32
      %dma_start3A_78 = tpu.memref_slice %arg6[%arg0, %mul3A_76, %dma_start3A_77] : memref<2x10240x128xf32, #tpu.memory_space<hbm>> -> memref<1x640x128xf32, #tpu.memory_space<hbm>>
      %dma_start3A_79 = tpu.memref_squeeze %dma_start3A_78 : memref<1x640x128xf32, #tpu.memory_space<hbm>> -> memref<640x128xf32, #tpu.memory_space<hbm>>
      %dma_start3A_80 = arith.constant 0 : i32
      %dma_start3A_81 = tpu.memref_slice %arg7[%mul3A_74, %dma_start3A_80] : memref<10240x128xf32, #tpu.memory_space<vmem_shared>> -> memref<640x128xf32, #tpu.memory_space<vmem_shared>>
      tpu.enqueue_dma source(%dma_start3A_81 : memref<640x128xf32, #tpu.memory_space<vmem_shared>>) target(%dma_start3A_79 : memref<640x128xf32, #tpu.memory_space<hbm>>) target_semaphore(%run_scoped3A : memref<!tpu.dma_semaphore, #tpu.memory_space<semaphore_mem>>)
      %dma_wait3A_82 = arith.constant 0 : i32
      %dma_wait3A_83 = tpu.memref_slice %arg6[%arg0, %mul3A_76, %dma_wait3A_82] : memref<2x10240x128xf32, #tpu.memory_space<hbm>> -> memref<1x640x128xf32, #tpu.memory_space<hbm>>
      %dma_wait3A_84 = tpu.memref_squeeze %dma_wait3A_83 : memref<1x640x128xf32, #tpu.memory_space<hbm>> -> memref<640x128xf32, #tpu.memory_space<hbm>>
      %dma_wait3A_85 = arith.constant 0 : i32
      %dma_wait3A_86 = tpu.memref_slice %arg7[%mul3A_74, %dma_wait3A_85] : memref<10240x128xf32, #tpu.memory_space<vmem_shared>> -> memref<640x128xf32, #tpu.memory_space<vmem_shared>>
      tpu.wait_dma2 semaphore(%run_scoped3A : memref<!tpu.dma_semaphore, #tpu.memory_space<semaphore_mem>>) src(%dma_wait3A_86 : memref<640x128xf32, #tpu.memory_space<vmem_shared>>) dst(%dma_wait3A_84 : memref<640x128xf32, #tpu.memory_space<hbm>>)
      tpu.yield
    }) : () -> ()
    return
  }
}

#map = affine_map<(d0, d1) -> (0, 0)>
#map1 = affine_map<(d0, d1) -> (0, 0, 0, 0)>
#map2 = affine_map<(d0, d1) -> (0, 0, 0)>
module attributes {stable_mosaic.version = 14 : i64} {
  func.func @_sc_agg_body(%arg0: i32, %arg1: i32, %arg2: memref<20480x128xf32, #tpu.memory_space<hbm>>, %arg3: memref<2x16x84x128xi32, #tpu.memory_space<hbm>>, %arg4: memref<16x84x128xi32, #tpu.memory_space<hbm>>, %arg5: memref<640x128xf32, #tpu.memory_space<hbm>>, %arg6: memref<2x10240x128xf32, #tpu.memory_space<hbm>>, %arg7: memref<10240x128xf32, #tpu.memory_space<vmem_shared>>, %arg8: memref<84x128xi32, #tpu.memory_space<vmem>>, %arg9: memref<128x128xf32, #tpu.memory_space<vmem>>, %arg10: memref<128x128xf32, #tpu.memory_space<vmem>>, %arg11: memref<128xi32, #tpu.memory_space<vmem>>, %arg12: memref<128xi32, #tpu.memory_space<vmem>>, %arg13: memref<128xi32, #tpu.memory_space<vmem>>, %arg14: memref<128xi32, #tpu.memory_space<vmem>>, %arg15: memref<!tpu.dma_semaphore, #tpu.memory_space<semaphore_mem>>, %arg16: memref<!tpu.dma_semaphore, #tpu.memory_space<semaphore_mem>>, %arg17: memref<!tpu.dma_semaphore, #tpu.memory_space<semaphore_mem>>, %arg18: memref<!tpu.dma_semaphore, #tpu.memory_space<semaphore_mem>>, %arg19: memref<!tpu.dma_semaphore, #tpu.memory_space<semaphore_mem>>, %arg20: memref<!tpu.dma_semaphore, #tpu.memory_space<semaphore_mem>>) attributes {dimension_semantics = [#tpu.dimension_semantics<core_parallel>, #tpu.dimension_semantics<subcore_parallel>], iteration_bounds = array<i64: 2, 16>, scalar_prefetch = 0 : i64, scratch_operands = 14 : i64, tpu.core_type = #tpu.core_type<sc_vector_subcore>, window_params = [{transform_indices = #map}, {transform_indices = #map1}, {transform_indices = #map2}, {transform_indices = #map}, {transform_indices = #map2}]} {
    "tpu.region"() ({
      %run_scoped3A = tpu.sem_alloc : memref<!tpu.dma_semaphore, #tpu.memory_space<semaphore_mem>>
      %dma_start3A_77 = arith.constant 0 : i32
      %dma_start3A_78 = arith.constant 0 : i32
      %dma_start3A_79 = tpu.memref_slice %arg4[%arg1, %dma_start3A_77, %dma_start3A_78] : memref<16x84x128xi32, #tpu.memory_space<hbm>> -> memref<1x84x128xi32, #tpu.memory_space<hbm>>
      %dma_start3A_80 = tpu.memref_squeeze %dma_start3A_79 : memref<1x84x128xi32, #tpu.memory_space<hbm>> -> memref<84x128xi32, #tpu.memory_space<hbm>>
      %dma_start3A_81 = arith.constant 0 : i32
      %dma_start3A_82 = arith.constant 0 : i32
      %dma_start3A_83 = tpu.memref_slice %arg4[%arg1, %dma_start3A_81, %dma_start3A_82] : memref<16x84x128xi32, #tpu.memory_space<hbm>> -> memref<1x84x128xi32, #tpu.memory_space<hbm>>
      %dma_start3A_84 = tpu.memref_squeeze %dma_start3A_83 : memref<1x84x128xi32, #tpu.memory_space<hbm>> -> memref<84x128xi32, #tpu.memory_space<hbm>>
      tpu.enqueue_dma source(%dma_start3A_84 : memref<84x128xi32, #tpu.memory_space<hbm>>) target(%arg8 : memref<84x128xi32, #tpu.memory_space<vmem>>) target_semaphore(%run_scoped3A : memref<!tpu.dma_semaphore, #tpu.memory_space<semaphore_mem>>)
      %dma_wait3A_85 = arith.constant 0 : i32
      %dma_wait3A_86 = arith.constant 0 : i32
      %dma_wait3A_87 = tpu.memref_slice %arg4[%arg1, %dma_wait3A_85, %dma_wait3A_86] : memref<16x84x128xi32, #tpu.memory_space<hbm>> -> memref<1x84x128xi32, #tpu.memory_space<hbm>>
      %dma_wait3A_88 = tpu.memref_squeeze %dma_wait3A_87 : memref<1x84x128xi32, #tpu.memory_space<hbm>> -> memref<84x128xi32, #tpu.memory_space<hbm>>
      %dma_wait3A_89 = arith.constant 0 : i32
      %dma_wait3A_90 = arith.constant 0 : i32
      %dma_wait3A_91 = tpu.memref_slice %arg4[%arg1, %dma_wait3A_89, %dma_wait3A_90] : memref<16x84x128xi32, #tpu.memory_space<hbm>> -> memref<1x84x128xi32, #tpu.memory_space<hbm>>
      %dma_wait3A_92 = tpu.memref_squeeze %dma_wait3A_91 : memref<1x84x128xi32, #tpu.memory_space<hbm>> -> memref<84x128xi32, #tpu.memory_space<hbm>>
      tpu.wait_dma2 semaphore(%run_scoped3A : memref<!tpu.dma_semaphore, #tpu.memory_space<semaphore_mem>>) src(%dma_wait3A_92 : memref<84x128xi32, #tpu.memory_space<hbm>>) dst(%arg8 : memref<84x128xi32, #tpu.memory_space<vmem>>)
      tpu.yield
    }) : () -> ()
    %mul3A = arith.constant 640 : i32
    %mul3A_0 = arith.muli %arg1, %mul3A : i32
    "tpu.region"() ({
      %run_scoped3A = tpu.sem_alloc : memref<!tpu.dma_semaphore, #tpu.memory_space<semaphore_mem>>
      %dma_start3A_77 = arith.constant 0 : i32
      %dma_start3A_78 = tpu.memref_slice %arg7[%mul3A_0, %dma_start3A_77] : memref<10240x128xf32, #tpu.memory_space<vmem_shared>> -> memref<640x128xf32, #tpu.memory_space<vmem_shared>>
      tpu.enqueue_dma source(%arg5 : memref<640x128xf32, #tpu.memory_space<hbm>>) target(%dma_start3A_78 : memref<640x128xf32, #tpu.memory_space<vmem_shared>>) target_semaphore(%run_scoped3A : memref<!tpu.dma_semaphore, #tpu.memory_space<semaphore_mem>>)
      %dma_wait3A_79 = arith.constant 0 : i32
      %dma_wait3A_80 = tpu.memref_slice %arg7[%mul3A_0, %dma_wait3A_79] : memref<10240x128xf32, #tpu.memory_space<vmem_shared>> -> memref<640x128xf32, #tpu.memory_space<vmem_shared>>
      tpu.wait_dma2 semaphore(%run_scoped3A : memref<!tpu.dma_semaphore, #tpu.memory_space<semaphore_mem>>) src(%arg5 : memref<640x128xf32, #tpu.memory_space<hbm>>) dst(%dma_wait3A_80 : memref<640x128xf32, #tpu.memory_space<vmem_shared>>)
      tpu.yield
    }) : () -> ()
    %barrier3A = arith.constant 0 : index
    tpu.barrier barrier_id(%barrier3A)
    %dma_start3A = arith.constant 0 : i32
    %dma_start3A_1 = arith.constant 0 : i32
    %dma_start3A_2 = tpu.memref_slice %arg3[%arg0, %arg1, %dma_start3A, %dma_start3A_1] : memref<2x16x84x128xi32, #tpu.memory_space<hbm>> -> memref<1x1x1x128xi32, #tpu.memory_space<hbm>>
    %dma_start3A_3 = tpu.memref_squeeze %dma_start3A_2 : memref<1x1x1x128xi32, #tpu.memory_space<hbm>> -> memref<128xi32, #tpu.memory_space<hbm>>
    %dma_start3A_4 = arith.constant 0 : i32
    %dma_start3A_5 = tpu.memref_slice %arg3[%arg0, %arg1, %dma_start3A, %dma_start3A_4] : memref<2x16x84x128xi32, #tpu.memory_space<hbm>> -> memref<1x1x1x128xi32, #tpu.memory_space<hbm>>
    %dma_start3A_6 = tpu.memref_squeeze %dma_start3A_5 : memref<1x1x1x128xi32, #tpu.memory_space<hbm>> -> memref<128xi32, #tpu.memory_space<hbm>>
    tpu.enqueue_dma source(%dma_start3A_6 : memref<128xi32, #tpu.memory_space<hbm>>) target(%arg11 : memref<128xi32, #tpu.memory_space<vmem>>) target_semaphore(%arg17 : memref<!tpu.dma_semaphore, #tpu.memory_space<semaphore_mem>>)
    %dma_start3A_7 = arith.constant 1 : i32
    %dma_start3A_8 = arith.constant 0 : i32
    %dma_start3A_9 = tpu.memref_slice %arg3[%arg0, %arg1, %dma_start3A_7, %dma_start3A_8] : memref<2x16x84x128xi32, #tpu.memory_space<hbm>> -> memref<1x1x1x128xi32, #tpu.memory_space<hbm>>
    %dma_start3A_10 = tpu.memref_squeeze %dma_start3A_9 : memref<1x1x1x128xi32, #tpu.memory_space<hbm>> -> memref<128xi32, #tpu.memory_space<hbm>>
    %dma_start3A_11 = arith.constant 0 : i32
    %dma_start3A_12 = tpu.memref_slice %arg3[%arg0, %arg1, %dma_start3A_7, %dma_start3A_11] : memref<2x16x84x128xi32, #tpu.memory_space<hbm>> -> memref<1x1x1x128xi32, #tpu.memory_space<hbm>>
    %dma_start3A_13 = tpu.memref_squeeze %dma_start3A_12 : memref<1x1x1x128xi32, #tpu.memory_space<hbm>> -> memref<128xi32, #tpu.memory_space<hbm>>
    tpu.enqueue_dma source(%dma_start3A_13 : memref<128xi32, #tpu.memory_space<hbm>>) target(%arg12 : memref<128xi32, #tpu.memory_space<vmem>>) target_semaphore(%arg18 : memref<!tpu.dma_semaphore, #tpu.memory_space<semaphore_mem>>)
    %dma_start3A_14 = arith.constant 2 : i32
    %dma_start3A_15 = arith.constant 0 : i32
    %dma_start3A_16 = tpu.memref_slice %arg3[%arg0, %arg1, %dma_start3A_14, %dma_start3A_15] : memref<2x16x84x128xi32, #tpu.memory_space<hbm>> -> memref<1x1x1x128xi32, #tpu.memory_space<hbm>>
    %dma_start3A_17 = tpu.memref_squeeze %dma_start3A_16 : memref<1x1x1x128xi32, #tpu.memory_space<hbm>> -> memref<128xi32, #tpu.memory_space<hbm>>
    %dma_start3A_18 = arith.constant 0 : i32
    %dma_start3A_19 = tpu.memref_slice %arg3[%arg0, %arg1, %dma_start3A_14, %dma_start3A_18] : memref<2x16x84x128xi32, #tpu.memory_space<hbm>> -> memref<1x1x1x128xi32, #tpu.memory_space<hbm>>
    %dma_start3A_20 = tpu.memref_squeeze %dma_start3A_19 : memref<1x1x1x128xi32, #tpu.memory_space<hbm>> -> memref<128xi32, #tpu.memory_space<hbm>>
    tpu.enqueue_dma source(%dma_start3A_20 : memref<128xi32, #tpu.memory_space<hbm>>) target(%arg13 : memref<128xi32, #tpu.memory_space<vmem>>) target_semaphore(%arg19 : memref<!tpu.dma_semaphore, #tpu.memory_space<semaphore_mem>>)
    %dma_start3A_21 = arith.constant 3 : i32
    %dma_start3A_22 = arith.constant 0 : i32
    %dma_start3A_23 = tpu.memref_slice %arg3[%arg0, %arg1, %dma_start3A_21, %dma_start3A_22] : memref<2x16x84x128xi32, #tpu.memory_space<hbm>> -> memref<1x1x1x128xi32, #tpu.memory_space<hbm>>
    %dma_start3A_24 = tpu.memref_squeeze %dma_start3A_23 : memref<1x1x1x128xi32, #tpu.memory_space<hbm>> -> memref<128xi32, #tpu.memory_space<hbm>>
    %dma_start3A_25 = arith.constant 0 : i32
    %dma_start3A_26 = tpu.memref_slice %arg3[%arg0, %arg1, %dma_start3A_21, %dma_start3A_25] : memref<2x16x84x128xi32, #tpu.memory_space<hbm>> -> memref<1x1x1x128xi32, #tpu.memory_space<hbm>>
    %dma_start3A_27 = tpu.memref_squeeze %dma_start3A_26 : memref<1x1x1x128xi32, #tpu.memory_space<hbm>> -> memref<128xi32, #tpu.memory_space<hbm>>
    tpu.enqueue_dma source(%dma_start3A_27 : memref<128xi32, #tpu.memory_space<hbm>>) target(%arg14 : memref<128xi32, #tpu.memory_space<vmem>>) target_semaphore(%arg20 : memref<!tpu.dma_semaphore, #tpu.memory_space<semaphore_mem>>)
    %dma_wait3A = arith.constant 0 : i32
    %dma_wait3A_28 = arith.constant 0 : i32
    %dma_wait3A_29 = tpu.memref_slice %arg3[%arg0, %arg1, %dma_wait3A, %dma_wait3A_28] : memref<2x16x84x128xi32, #tpu.memory_space<hbm>> -> memref<1x1x1x128xi32, #tpu.memory_space<hbm>>
    %dma_wait3A_30 = tpu.memref_squeeze %dma_wait3A_29 : memref<1x1x1x128xi32, #tpu.memory_space<hbm>> -> memref<128xi32, #tpu.memory_space<hbm>>
    %dma_wait3A_31 = arith.constant 0 : i32
    %dma_wait3A_32 = tpu.memref_slice %arg3[%arg0, %arg1, %dma_wait3A, %dma_wait3A_31] : memref<2x16x84x128xi32, #tpu.memory_space<hbm>> -> memref<1x1x1x128xi32, #tpu.memory_space<hbm>>
    %dma_wait3A_33 = tpu.memref_squeeze %dma_wait3A_32 : memref<1x1x1x128xi32, #tpu.memory_space<hbm>> -> memref<128xi32, #tpu.memory_space<hbm>>
    tpu.wait_dma2 semaphore(%arg17 : memref<!tpu.dma_semaphore, #tpu.memory_space<semaphore_mem>>) src(%dma_wait3A_33 : memref<128xi32, #tpu.memory_space<hbm>>) dst(%arg11 : memref<128xi32, #tpu.memory_space<vmem>>)
    %dma_start3A_34 = arith.constant 0 : i32
    %dma_start3A_35 = arith.constant 0 : i32
    %dma_start3A_36 = tpu.memref_slice %arg2[%dma_start3A_34, %dma_start3A_35] : memref<20480x128xf32, #tpu.memory_space<hbm>> -> memref<20480x128xf32, #tpu.memory_space<hbm>>
    tpu.enqueue_indirect_dma source(%dma_start3A_36 : memref<20480x128xf32, #tpu.memory_space<hbm>>) target(%arg9 : memref<128x128xf32, #tpu.memory_space<vmem>>) offsets(%arg11 : memref<128xi32, #tpu.memory_space<vmem>>) semaphore(%arg15 : memref<!tpu.dma_semaphore, #tpu.memory_space<semaphore_mem>>)
    %dma_wait3A_37 = arith.constant 0 : i32
    %dma_wait3A_38 = arith.constant 0 : i32
    %dma_wait3A_39 = tpu.memref_slice %arg3[%arg0, %arg1, %dma_wait3A_37, %dma_wait3A_38] : memref<2x16x84x128xi32, #tpu.memory_space<hbm>> -> memref<1x1x1x128xi32, #tpu.memory_space<hbm>>
    %dma_wait3A_40 = tpu.memref_squeeze %dma_wait3A_39 : memref<1x1x1x128xi32, #tpu.memory_space<hbm>> -> memref<128xi32, #tpu.memory_space<hbm>>
    %dma_wait3A_41 = arith.constant 0 : i32
    %dma_wait3A_42 = tpu.memref_slice %arg3[%arg0, %arg1, %dma_wait3A_37, %dma_wait3A_41] : memref<2x16x84x128xi32, #tpu.memory_space<hbm>> -> memref<1x1x1x128xi32, #tpu.memory_space<hbm>>
    %dma_wait3A_43 = tpu.memref_squeeze %dma_wait3A_42 : memref<1x1x1x128xi32, #tpu.memory_space<hbm>> -> memref<128xi32, #tpu.memory_space<hbm>>
    tpu.wait_dma2 semaphore(%arg18 : memref<!tpu.dma_semaphore, #tpu.memory_space<semaphore_mem>>) src(%dma_wait3A_43 : memref<128xi32, #tpu.memory_space<hbm>>) dst(%arg12 : memref<128xi32, #tpu.memory_space<vmem>>)
    %dma_start3A_44 = arith.constant 0 : i32
    %dma_start3A_45 = arith.constant 0 : i32
    %dma_start3A_46 = tpu.memref_slice %arg2[%dma_start3A_44, %dma_start3A_45] : memref<20480x128xf32, #tpu.memory_space<hbm>> -> memref<20480x128xf32, #tpu.memory_space<hbm>>
    tpu.enqueue_indirect_dma source(%dma_start3A_46 : memref<20480x128xf32, #tpu.memory_space<hbm>>) target(%arg10 : memref<128x128xf32, #tpu.memory_space<vmem>>) offsets(%arg12 : memref<128xi32, #tpu.memory_space<vmem>>) semaphore(%arg16 : memref<!tpu.dma_semaphore, #tpu.memory_space<semaphore_mem>>)
    %scan3A = arith.constant 0 : i32
    %scan3A_47 = arith.constant 0 : i32
    %scan3A_48 = arith.constant 20 : i32
    %scan3A_49 = arith.addi %scan3A_47, %scan3A_48 : i32
    %scan3A_50 = arith.constant 1 : i32
    scf.for %scan3A_77 = %scan3A_47 to %scan3A_49 step %scan3A_50  : i32 {
      %mul3A_78 = arith.constant 4 : i32
      %mul3A_79 = arith.muli %mul3A_78, %scan3A_77 : i32
      %dma_wait3A_80 = arith.constant 0 : i32
      %dma_wait3A_81 = arith.constant 0 : i32
      %dma_wait3A_82 = tpu.memref_slice %arg2[%dma_wait3A_80, %dma_wait3A_81] : memref<20480x128xf32, #tpu.memory_space<hbm>> -> memref<20480x128xf32, #tpu.memory_space<hbm>>
      tpu.wait_indirect_dma semaphore(%arg15 : memref<!tpu.dma_semaphore, #tpu.memory_space<semaphore_mem>>) src(%dma_wait3A_82 : memref<20480x128xf32, #tpu.memory_space<hbm>>) dst(%arg9 : memref<128x128xf32, #tpu.memory_space<vmem>>)
      "tpu.region"() ({
        %run_scoped3A = tpu.sem_alloc : memref<!tpu.dma_semaphore, #tpu.memory_space<semaphore_mem>>
        %dma_start3A_169 = arith.constant 0 : i32
        %dma_start3A_170 = tpu.memref_slice %arg8[%mul3A_79, %dma_start3A_169] : memref<84x128xi32, #tpu.memory_space<vmem>> -> memref<1x128xi32, #tpu.memory_space<vmem>>
        %dma_start3A_171 = tpu.memref_squeeze %dma_start3A_170 : memref<1x128xi32, #tpu.memory_space<vmem>> -> memref<128xi32, #tpu.memory_space<vmem>>
        %dma_start3A_172 = arith.constant 0 : i32
        %dma_start3A_173 = arith.constant 0 : i32
        %dma_start3A_174 = tpu.memref_slice %arg7[%dma_start3A_172, %dma_start3A_173] : memref<10240x128xf32, #tpu.memory_space<vmem_shared>> -> memref<10240x128xf32, #tpu.memory_space<vmem_shared>>
        tpu.enqueue_indirect_dma source(%arg9 : memref<128x128xf32, #tpu.memory_space<vmem>>) target(%dma_start3A_174 : memref<10240x128xf32, #tpu.memory_space<vmem_shared>>) offsets(%dma_start3A_171 : memref<128xi32, #tpu.memory_space<vmem>>) semaphore(%run_scoped3A : memref<!tpu.dma_semaphore, #tpu.memory_space<semaphore_mem>>) {add = true}
        %dma_wait3A_175 = arith.constant 0 : i32
        %dma_wait3A_176 = tpu.memref_slice %arg8[%mul3A_79, %dma_wait3A_175] : memref<84x128xi32, #tpu.memory_space<vmem>> -> memref<1x128xi32, #tpu.memory_space<vmem>>
        %dma_wait3A_177 = tpu.memref_squeeze %dma_wait3A_176 : memref<1x128xi32, #tpu.memory_space<vmem>> -> memref<128xi32, #tpu.memory_space<vmem>>
        %dma_wait3A_178 = arith.constant 0 : i32
        %dma_wait3A_179 = arith.constant 0 : i32
        %dma_wait3A_180 = tpu.memref_slice %arg7[%dma_wait3A_178, %dma_wait3A_179] : memref<10240x128xf32, #tpu.memory_space<vmem_shared>> -> memref<10240x128xf32, #tpu.memory_space<vmem_shared>>
        tpu.wait_indirect_dma semaphore(%run_scoped3A : memref<!tpu.dma_semaphore, #tpu.memory_space<semaphore_mem>>) src(%arg9 : memref<128x128xf32, #tpu.memory_space<vmem>>) dst(%dma_wait3A_180 : memref<10240x128xf32, #tpu.memory_space<vmem_shared>>)
        tpu.yield
      }) : () -> ()
      %dma_wait3A_83 = arith.constant 0 : i32
      %dma_wait3A_84 = arith.constant 0 : i32
      %dma_wait3A_85 = tpu.memref_slice %arg3[%arg0, %arg1, %dma_wait3A_83, %dma_wait3A_84] : memref<2x16x84x128xi32, #tpu.memory_space<hbm>> -> memref<1x1x1x128xi32, #tpu.memory_space<hbm>>
      %dma_wait3A_86 = tpu.memref_squeeze %dma_wait3A_85 : memref<1x1x1x128xi32, #tpu.memory_space<hbm>> -> memref<128xi32, #tpu.memory_space<hbm>>
      %dma_wait3A_87 = arith.constant 0 : i32
      %dma_wait3A_88 = tpu.memref_slice %arg3[%arg0, %arg1, %dma_wait3A_83, %dma_wait3A_87] : memref<2x16x84x128xi32, #tpu.memory_space<hbm>> -> memref<1x1x1x128xi32, #tpu.memory_space<hbm>>
      %dma_wait3A_89 = tpu.memref_squeeze %dma_wait3A_88 : memref<1x1x1x128xi32, #tpu.memory_space<hbm>> -> memref<128xi32, #tpu.memory_space<hbm>>
      tpu.wait_dma2 semaphore(%arg19 : memref<!tpu.dma_semaphore, #tpu.memory_space<semaphore_mem>>) src(%dma_wait3A_89 : memref<128xi32, #tpu.memory_space<hbm>>) dst(%arg13 : memref<128xi32, #tpu.memory_space<vmem>>)
      %dma_start3A_90 = arith.constant 0 : i32
      %dma_start3A_91 = arith.constant 0 : i32
      %dma_start3A_92 = tpu.memref_slice %arg2[%dma_start3A_90, %dma_start3A_91] : memref<20480x128xf32, #tpu.memory_space<hbm>> -> memref<20480x128xf32, #tpu.memory_space<hbm>>
      tpu.enqueue_indirect_dma source(%dma_start3A_92 : memref<20480x128xf32, #tpu.memory_space<hbm>>) target(%arg9 : memref<128x128xf32, #tpu.memory_space<vmem>>) offsets(%arg13 : memref<128xi32, #tpu.memory_space<vmem>>) semaphore(%arg15 : memref<!tpu.dma_semaphore, #tpu.memory_space<semaphore_mem>>)
      %add3A = arith.constant 4 : i32
      %add3A_93 = arith.addi %mul3A_79, %add3A : i32
      %dma_start3A_94 = arith.constant 0 : i32
      %dma_start3A_95 = tpu.memref_slice %arg3[%arg0, %arg1, %add3A_93, %dma_start3A_94] : memref<2x16x84x128xi32, #tpu.memory_space<hbm>> -> memref<1x1x1x128xi32, #tpu.memory_space<hbm>>
      %dma_start3A_96 = tpu.memref_squeeze %dma_start3A_95 : memref<1x1x1x128xi32, #tpu.memory_space<hbm>> -> memref<128xi32, #tpu.memory_space<hbm>>
      %dma_start3A_97 = arith.constant 0 : i32
      %dma_start3A_98 = tpu.memref_slice %arg3[%arg0, %arg1, %add3A_93, %dma_start3A_97] : memref<2x16x84x128xi32, #tpu.memory_space<hbm>> -> memref<1x1x1x128xi32, #tpu.memory_space<hbm>>
      %dma_start3A_99 = tpu.memref_squeeze %dma_start3A_98 : memref<1x1x1x128xi32, #tpu.memory_space<hbm>> -> memref<128xi32, #tpu.memory_space<hbm>>
      tpu.enqueue_dma source(%dma_start3A_99 : memref<128xi32, #tpu.memory_space<hbm>>) target(%arg11 : memref<128xi32, #tpu.memory_space<vmem>>) target_semaphore(%arg17 : memref<!tpu.dma_semaphore, #tpu.memory_space<semaphore_mem>>)
      %dma_wait3A_100 = arith.constant 0 : i32
      %dma_wait3A_101 = arith.constant 0 : i32
      %dma_wait3A_102 = tpu.memref_slice %arg2[%dma_wait3A_100, %dma_wait3A_101] : memref<20480x128xf32, #tpu.memory_space<hbm>> -> memref<20480x128xf32, #tpu.memory_space<hbm>>
      tpu.wait_indirect_dma semaphore(%arg16 : memref<!tpu.dma_semaphore, #tpu.memory_space<semaphore_mem>>) src(%dma_wait3A_102 : memref<20480x128xf32, #tpu.memory_space<hbm>>) dst(%arg10 : memref<128x128xf32, #tpu.memory_space<vmem>>)
      %add3A_103 = arith.constant 1 : i32
      %add3A_104 = arith.addi %mul3A_79, %add3A_103 : i32
      "tpu.region"() ({
        %run_scoped3A = tpu.sem_alloc : memref<!tpu.dma_semaphore, #tpu.memory_space<semaphore_mem>>
        %dma_start3A_169 = arith.constant 0 : i32
        %dma_start3A_170 = tpu.memref_slice %arg8[%add3A_104, %dma_start3A_169] : memref<84x128xi32, #tpu.memory_space<vmem>> -> memref<1x128xi32, #tpu.memory_space<vmem>>
        %dma_start3A_171 = tpu.memref_squeeze %dma_start3A_170 : memref<1x128xi32, #tpu.memory_space<vmem>> -> memref<128xi32, #tpu.memory_space<vmem>>
        %dma_start3A_172 = arith.constant 0 : i32
        %dma_start3A_173 = arith.constant 0 : i32
        %dma_start3A_174 = tpu.memref_slice %arg7[%dma_start3A_172, %dma_start3A_173] : memref<10240x128xf32, #tpu.memory_space<vmem_shared>> -> memref<10240x128xf32, #tpu.memory_space<vmem_shared>>
        tpu.enqueue_indirect_dma source(%arg10 : memref<128x128xf32, #tpu.memory_space<vmem>>) target(%dma_start3A_174 : memref<10240x128xf32, #tpu.memory_space<vmem_shared>>) offsets(%dma_start3A_171 : memref<128xi32, #tpu.memory_space<vmem>>) semaphore(%run_scoped3A : memref<!tpu.dma_semaphore, #tpu.memory_space<semaphore_mem>>) {add = true}
        %dma_wait3A_175 = arith.constant 0 : i32
        %dma_wait3A_176 = tpu.memref_slice %arg8[%add3A_104, %dma_wait3A_175] : memref<84x128xi32, #tpu.memory_space<vmem>> -> memref<1x128xi32, #tpu.memory_space<vmem>>
        %dma_wait3A_177 = tpu.memref_squeeze %dma_wait3A_176 : memref<1x128xi32, #tpu.memory_space<vmem>> -> memref<128xi32, #tpu.memory_space<vmem>>
        %dma_wait3A_178 = arith.constant 0 : i32
        %dma_wait3A_179 = arith.constant 0 : i32
        %dma_wait3A_180 = tpu.memref_slice %arg7[%dma_wait3A_178, %dma_wait3A_179] : memref<10240x128xf32, #tpu.memory_space<vmem_shared>> -> memref<10240x128xf32, #tpu.memory_space<vmem_shared>>
        tpu.wait_indirect_dma semaphore(%run_scoped3A : memref<!tpu.dma_semaphore, #tpu.memory_space<semaphore_mem>>) src(%arg10 : memref<128x128xf32, #tpu.memory_space<vmem>>) dst(%dma_wait3A_180 : memref<10240x128xf32, #tpu.memory_space<vmem_shared>>)
        tpu.yield
      }) : () -> ()
      %dma_wait3A_105 = arith.constant 0 : i32
      %dma_wait3A_106 = arith.constant 0 : i32
      %dma_wait3A_107 = tpu.memref_slice %arg3[%arg0, %arg1, %dma_wait3A_105, %dma_wait3A_106] : memref<2x16x84x128xi32, #tpu.memory_space<hbm>> -> memref<1x1x1x128xi32, #tpu.memory_space<hbm>>
      %dma_wait3A_108 = tpu.memref_squeeze %dma_wait3A_107 : memref<1x1x1x128xi32, #tpu.memory_space<hbm>> -> memref<128xi32, #tpu.memory_space<hbm>>
      %dma_wait3A_109 = arith.constant 0 : i32
      %dma_wait3A_110 = tpu.memref_slice %arg3[%arg0, %arg1, %dma_wait3A_105, %dma_wait3A_109] : memref<2x16x84x128xi32, #tpu.memory_space<hbm>> -> memref<1x1x1x128xi32, #tpu.memory_space<hbm>>
      %dma_wait3A_111 = tpu.memref_squeeze %dma_wait3A_110 : memref<1x1x1x128xi32, #tpu.memory_space<hbm>> -> memref<128xi32, #tpu.memory_space<hbm>>
      tpu.wait_dma2 semaphore(%arg20 : memref<!tpu.dma_semaphore, #tpu.memory_space<semaphore_mem>>) src(%dma_wait3A_111 : memref<128xi32, #tpu.memory_space<hbm>>) dst(%arg14 : memref<128xi32, #tpu.memory_space<vmem>>)
      %dma_start3A_112 = arith.constant 0 : i32
      %dma_start3A_113 = arith.constant 0 : i32
      %dma_start3A_114 = tpu.memref_slice %arg2[%dma_start3A_112, %dma_start3A_113] : memref<20480x128xf32, #tpu.memory_space<hbm>> -> memref<20480x128xf32, #tpu.memory_space<hbm>>
      tpu.enqueue_indirect_dma source(%dma_start3A_114 : memref<20480x128xf32, #tpu.memory_space<hbm>>) target(%arg10 : memref<128x128xf32, #tpu.memory_space<vmem>>) offsets(%arg14 : memref<128xi32, #tpu.memory_space<vmem>>) semaphore(%arg16 : memref<!tpu.dma_semaphore, #tpu.memory_space<semaphore_mem>>)
      %add3A_115 = arith.constant 5 : i32
      %add3A_116 = arith.addi %mul3A_79, %add3A_115 : i32
      %dma_start3A_117 = arith.constant 0 : i32
      %dma_start3A_118 = tpu.memref_slice %arg3[%arg0, %arg1, %add3A_116, %dma_start3A_117] : memref<2x16x84x128xi32, #tpu.memory_space<hbm>> -> memref<1x1x1x128xi32, #tpu.memory_space<hbm>>
      %dma_start3A_119 = tpu.memref_squeeze %dma_start3A_118 : memref<1x1x1x128xi32, #tpu.memory_space<hbm>> -> memref<128xi32, #tpu.memory_space<hbm>>
      %dma_start3A_120 = arith.constant 0 : i32
      %dma_start3A_121 = tpu.memref_slice %arg3[%arg0, %arg1, %add3A_116, %dma_start3A_120] : memref<2x16x84x128xi32, #tpu.memory_space<hbm>> -> memref<1x1x1x128xi32, #tpu.memory_space<hbm>>
      %dma_start3A_122 = tpu.memref_squeeze %dma_start3A_121 : memref<1x1x1x128xi32, #tpu.memory_space<hbm>> -> memref<128xi32, #tpu.memory_space<hbm>>
      tpu.enqueue_dma source(%dma_start3A_122 : memref<128xi32, #tpu.memory_space<hbm>>) target(%arg12 : memref<128xi32, #tpu.memory_space<vmem>>) target_semaphore(%arg18 : memref<!tpu.dma_semaphore, #tpu.memory_space<semaphore_mem>>)
      %dma_wait3A_123 = arith.constant 0 : i32
      %dma_wait3A_124 = arith.constant 0 : i32
      %dma_wait3A_125 = tpu.memref_slice %arg2[%dma_wait3A_123, %dma_wait3A_124] : memref<20480x128xf32, #tpu.memory_space<hbm>> -> memref<20480x128xf32, #tpu.memory_space<hbm>>
      tpu.wait_indirect_dma semaphore(%arg15 : memref<!tpu.dma_semaphore, #tpu.memory_space<semaphore_mem>>) src(%dma_wait3A_125 : memref<20480x128xf32, #tpu.memory_space<hbm>>) dst(%arg9 : memref<128x128xf32, #tpu.memory_space<vmem>>)
      %add3A_126 = arith.constant 2 : i32
      %add3A_127 = arith.addi %mul3A_79, %add3A_126 : i32
      "tpu.region"() ({
        %run_scoped3A = tpu.sem_alloc : memref<!tpu.dma_semaphore, #tpu.memory_space<semaphore_mem>>
        %dma_start3A_169 = arith.constant 0 : i32
        %dma_start3A_170 = tpu.memref_slice %arg8[%add3A_127, %dma_start3A_169] : memref<84x128xi32, #tpu.memory_space<vmem>> -> memref<1x128xi32, #tpu.memory_space<vmem>>
        %dma_start3A_171 = tpu.memref_squeeze %dma_start3A_170 : memref<1x128xi32, #tpu.memory_space<vmem>> -> memref<128xi32, #tpu.memory_space<vmem>>
        %dma_start3A_172 = arith.constant 0 : i32
        %dma_start3A_173 = arith.constant 0 : i32
        %dma_start3A_174 = tpu.memref_slice %arg7[%dma_start3A_172, %dma_start3A_173] : memref<10240x128xf32, #tpu.memory_space<vmem_shared>> -> memref<10240x128xf32, #tpu.memory_space<vmem_shared>>
        tpu.enqueue_indirect_dma source(%arg9 : memref<128x128xf32, #tpu.memory_space<vmem>>) target(%dma_start3A_174 : memref<10240x128xf32, #tpu.memory_space<vmem_shared>>) offsets(%dma_start3A_171 : memref<128xi32, #tpu.memory_space<vmem>>) semaphore(%run_scoped3A : memref<!tpu.dma_semaphore, #tpu.memory_space<semaphore_mem>>) {add = true}
        %dma_wait3A_175 = arith.constant 0 : i32
        %dma_wait3A_176 = tpu.memref_slice %arg8[%add3A_127, %dma_wait3A_175] : memref<84x128xi32, #tpu.memory_space<vmem>> -> memref<1x128xi32, #tpu.memory_space<vmem>>
        %dma_wait3A_177 = tpu.memref_squeeze %dma_wait3A_176 : memref<1x128xi32, #tpu.memory_space<vmem>> -> memref<128xi32, #tpu.memory_space<vmem>>
        %dma_wait3A_178 = arith.constant 0 : i32
        %dma_wait3A_179 = arith.constant 0 : i32
        %dma_wait3A_180 = tpu.memref_slice %arg7[%dma_wait3A_178, %dma_wait3A_179] : memref<10240x128xf32, #tpu.memory_space<vmem_shared>> -> memref<10240x128xf32, #tpu.memory_space<vmem_shared>>
        tpu.wait_indirect_dma semaphore(%run_scoped3A : memref<!tpu.dma_semaphore, #tpu.memory_space<semaphore_mem>>) src(%arg9 : memref<128x128xf32, #tpu.memory_space<vmem>>) dst(%dma_wait3A_180 : memref<10240x128xf32, #tpu.memory_space<vmem_shared>>)
        tpu.yield
      }) : () -> ()
      %dma_wait3A_128 = arith.constant 0 : i32
      %dma_wait3A_129 = arith.constant 0 : i32
      %dma_wait3A_130 = tpu.memref_slice %arg3[%arg0, %arg1, %dma_wait3A_128, %dma_wait3A_129] : memref<2x16x84x128xi32, #tpu.memory_space<hbm>> -> memref<1x1x1x128xi32, #tpu.memory_space<hbm>>
      %dma_wait3A_131 = tpu.memref_squeeze %dma_wait3A_130 : memref<1x1x1x128xi32, #tpu.memory_space<hbm>> -> memref<128xi32, #tpu.memory_space<hbm>>
      %dma_wait3A_132 = arith.constant 0 : i32
      %dma_wait3A_133 = tpu.memref_slice %arg3[%arg0, %arg1, %dma_wait3A_128, %dma_wait3A_132] : memref<2x16x84x128xi32, #tpu.memory_space<hbm>> -> memref<1x1x1x128xi32, #tpu.memory_space<hbm>>
      %dma_wait3A_134 = tpu.memref_squeeze %dma_wait3A_133 : memref<1x1x1x128xi32, #tpu.memory_space<hbm>> -> memref<128xi32, #tpu.memory_space<hbm>>
      tpu.wait_dma2 semaphore(%arg17 : memref<!tpu.dma_semaphore, #tpu.memory_space<semaphore_mem>>) src(%dma_wait3A_134 : memref<128xi32, #tpu.memory_space<hbm>>) dst(%arg11 : memref<128xi32, #tpu.memory_space<vmem>>)
      %dma_start3A_135 = arith.constant 0 : i32
      %dma_start3A_136 = arith.constant 0 : i32
      %dma_start3A_137 = tpu.memref_slice %arg2[%dma_start3A_135, %dma_start3A_136] : memref<20480x128xf32, #tpu.memory_space<hbm>> -> memref<20480x128xf32, #tpu.memory_space<hbm>>
      tpu.enqueue_indirect_dma source(%dma_start3A_137 : memref<20480x128xf32, #tpu.memory_space<hbm>>) target(%arg9 : memref<128x128xf32, #tpu.memory_space<vmem>>) offsets(%arg11 : memref<128xi32, #tpu.memory_space<vmem>>) semaphore(%arg15 : memref<!tpu.dma_semaphore, #tpu.memory_space<semaphore_mem>>)
      %add3A_138 = arith.constant 6 : i32
      %add3A_139 = arith.addi %mul3A_79, %add3A_138 : i32
      %dma_start3A_140 = arith.constant 0 : i32
      %dma_start3A_141 = tpu.memref_slice %arg3[%arg0, %arg1, %add3A_139, %dma_start3A_140] : memref<2x16x84x128xi32, #tpu.memory_space<hbm>> -> memref<1x1x1x128xi32, #tpu.memory_space<hbm>>
      %dma_start3A_142 = tpu.memref_squeeze %dma_start3A_141 : memref<1x1x1x128xi32, #tpu.memory_space<hbm>> -> memref<128xi32, #tpu.memory_space<hbm>>
      %dma_start3A_143 = arith.constant 0 : i32
      %dma_start3A_144 = tpu.memref_slice %arg3[%arg0, %arg1, %add3A_139, %dma_start3A_143] : memref<2x16x84x128xi32, #tpu.memory_space<hbm>> -> memref<1x1x1x128xi32, #tpu.memory_space<hbm>>
      %dma_start3A_145 = tpu.memref_squeeze %dma_start3A_144 : memref<1x1x1x128xi32, #tpu.memory_space<hbm>> -> memref<128xi32, #tpu.memory_space<hbm>>
      tpu.enqueue_dma source(%dma_start3A_145 : memref<128xi32, #tpu.memory_space<hbm>>) target(%arg13 : memref<128xi32, #tpu.memory_space<vmem>>) target_semaphore(%arg19 : memref<!tpu.dma_semaphore, #tpu.memory_space<semaphore_mem>>)
      %dma_wait3A_146 = arith.constant 0 : i32
      %dma_wait3A_147 = arith.constant 0 : i32
      %dma_wait3A_148 = tpu.memref_slice %arg2[%dma_wait3A_146, %dma_wait3A_147] : memref<20480x128xf32, #tpu.memory_space<hbm>> -> memref<20480x128xf32, #tpu.memory_space<hbm>>
      tpu.wait_indirect_dma semaphore(%arg16 : memref<!tpu.dma_semaphore, #tpu.memory_space<semaphore_mem>>) src(%dma_wait3A_148 : memref<20480x128xf32, #tpu.memory_space<hbm>>) dst(%arg10 : memref<128x128xf32, #tpu.memory_space<vmem>>)
      %add3A_149 = arith.constant 3 : i32
      %add3A_150 = arith.addi %mul3A_79, %add3A_149 : i32
      "tpu.region"() ({
        %run_scoped3A = tpu.sem_alloc : memref<!tpu.dma_semaphore, #tpu.memory_space<semaphore_mem>>
        %dma_start3A_169 = arith.constant 0 : i32
        %dma_start3A_170 = tpu.memref_slice %arg8[%add3A_150, %dma_start3A_169] : memref<84x128xi32, #tpu.memory_space<vmem>> -> memref<1x128xi32, #tpu.memory_space<vmem>>
        %dma_start3A_171 = tpu.memref_squeeze %dma_start3A_170 : memref<1x128xi32, #tpu.memory_space<vmem>> -> memref<128xi32, #tpu.memory_space<vmem>>
        %dma_start3A_172 = arith.constant 0 : i32
        %dma_start3A_173 = arith.constant 0 : i32
        %dma_start3A_174 = tpu.memref_slice %arg7[%dma_start3A_172, %dma_start3A_173] : memref<10240x128xf32, #tpu.memory_space<vmem_shared>> -> memref<10240x128xf32, #tpu.memory_space<vmem_shared>>
        tpu.enqueue_indirect_dma source(%arg10 : memref<128x128xf32, #tpu.memory_space<vmem>>) target(%dma_start3A_174 : memref<10240x128xf32, #tpu.memory_space<vmem_shared>>) offsets(%dma_start3A_171 : memref<128xi32, #tpu.memory_space<vmem>>) semaphore(%run_scoped3A : memref<!tpu.dma_semaphore, #tpu.memory_space<semaphore_mem>>) {add = true}
        %dma_wait3A_175 = arith.constant 0 : i32
        %dma_wait3A_176 = tpu.memref_slice %arg8[%add3A_150, %dma_wait3A_175] : memref<84x128xi32, #tpu.memory_space<vmem>> -> memref<1x128xi32, #tpu.memory_space<vmem>>
        %dma_wait3A_177 = tpu.memref_squeeze %dma_wait3A_176 : memref<1x128xi32, #tpu.memory_space<vmem>> -> memref<128xi32, #tpu.memory_space<vmem>>
        %dma_wait3A_178 = arith.constant 0 : i32
        %dma_wait3A_179 = arith.constant 0 : i32
        %dma_wait3A_180 = tpu.memref_slice %arg7[%dma_wait3A_178, %dma_wait3A_179] : memref<10240x128xf32, #tpu.memory_space<vmem_shared>> -> memref<10240x128xf32, #tpu.memory_space<vmem_shared>>
        tpu.wait_indirect_dma semaphore(%run_scoped3A : memref<!tpu.dma_semaphore, #tpu.memory_space<semaphore_mem>>) src(%arg10 : memref<128x128xf32, #tpu.memory_space<vmem>>) dst(%dma_wait3A_180 : memref<10240x128xf32, #tpu.memory_space<vmem_shared>>)
        tpu.yield
      }) : () -> ()
      %dma_wait3A_151 = arith.constant 0 : i32
      %dma_wait3A_152 = arith.constant 0 : i32
      %dma_wait3A_153 = tpu.memref_slice %arg3[%arg0, %arg1, %dma_wait3A_151, %dma_wait3A_152] : memref<2x16x84x128xi32, #tpu.memory_space<hbm>> -> memref<1x1x1x128xi32, #tpu.memory_space<hbm>>
      %dma_wait3A_154 = tpu.memref_squeeze %dma_wait3A_153 : memref<1x1x1x128xi32, #tpu.memory_space<hbm>> -> memref<128xi32, #tpu.memory_space<hbm>>
      %dma_wait3A_155 = arith.constant 0 : i32
      %dma_wait3A_156 = tpu.memref_slice %arg3[%arg0, %arg1, %dma_wait3A_151, %dma_wait3A_155] : memref<2x16x84x128xi32, #tpu.memory_space<hbm>> -> memref<1x1x1x128xi32, #tpu.memory_space<hbm>>
      %dma_wait3A_157 = tpu.memref_squeeze %dma_wait3A_156 : memref<1x1x1x128xi32, #tpu.memory_space<hbm>> -> memref<128xi32, #tpu.memory_space<hbm>>
      tpu.wait_dma2 semaphore(%arg18 : memref<!tpu.dma_semaphore, #tpu.memory_space<semaphore_mem>>) src(%dma_wait3A_157 : memref<128xi32, #tpu.memory_space<hbm>>) dst(%arg12 : memref<128xi32, #tpu.memory_space<vmem>>)
      %dma_start3A_158 = arith.constant 0 : i32
      %dma_start3A_159 = arith.constant 0 : i32
      %dma_start3A_160 = tpu.memref_slice %arg2[%dma_start3A_158, %dma_start3A_159] : memref<20480x128xf32, #tpu.memory_space<hbm>> -> memref<20480x128xf32, #tpu.memory_space<hbm>>
      tpu.enqueue_indirect_dma source(%dma_start3A_160 : memref<20480x128xf32, #tpu.memory_space<hbm>>) target(%arg10 : memref<128x128xf32, #tpu.memory_space<vmem>>) offsets(%arg12 : memref<128xi32, #tpu.memory_space<vmem>>) semaphore(%arg16 : memref<!tpu.dma_semaphore, #tpu.memory_space<semaphore_mem>>)
      %add3A_161 = arith.constant 7 : i32
      %add3A_162 = arith.addi %mul3A_79, %add3A_161 : i32
      %dma_start3A_163 = arith.constant 0 : i32
      %dma_start3A_164 = tpu.memref_slice %arg3[%arg0, %arg1, %add3A_162, %dma_start3A_163] : memref<2x16x84x128xi32, #tpu.memory_space<hbm>> -> memref<1x1x1x128xi32, #tpu.memory_space<hbm>>
      %dma_start3A_165 = tpu.memref_squeeze %dma_start3A_164 : memref<1x1x1x128xi32, #tpu.memory_space<hbm>> -> memref<128xi32, #tpu.memory_space<hbm>>
      %dma_start3A_166 = arith.constant 0 : i32
      %dma_start3A_167 = tpu.memref_slice %arg3[%arg0, %arg1, %add3A_162, %dma_start3A_166] : memref<2x16x84x128xi32, #tpu.memory_space<hbm>> -> memref<1x1x1x128xi32, #tpu.memory_space<hbm>>
      %dma_start3A_168 = tpu.memref_squeeze %dma_start3A_167 : memref<1x1x1x128xi32, #tpu.memory_space<hbm>> -> memref<128xi32, #tpu.memory_space<hbm>>
      tpu.enqueue_dma source(%dma_start3A_168 : memref<128xi32, #tpu.memory_space<hbm>>) target(%arg14 : memref<128xi32, #tpu.memory_space<vmem>>) target_semaphore(%arg20 : memref<!tpu.dma_semaphore, #tpu.memory_space<semaphore_mem>>)
    }
    %scan3A_51 = arith.constant 20 : i32
    %dma_wait3A_52 = arith.constant 0 : i32
    %dma_wait3A_53 = arith.constant 0 : i32
    %dma_wait3A_54 = tpu.memref_slice %arg2[%dma_wait3A_52, %dma_wait3A_53] : memref<20480x128xf32, #tpu.memory_space<hbm>> -> memref<20480x128xf32, #tpu.memory_space<hbm>>
    tpu.wait_indirect_dma semaphore(%arg15 : memref<!tpu.dma_semaphore, #tpu.memory_space<semaphore_mem>>) src(%dma_wait3A_54 : memref<20480x128xf32, #tpu.memory_space<hbm>>) dst(%arg9 : memref<128x128xf32, #tpu.memory_space<vmem>>)
    %dma_wait3A_55 = arith.constant 0 : i32
    %dma_wait3A_56 = arith.constant 0 : i32
    %dma_wait3A_57 = tpu.memref_slice %arg2[%dma_wait3A_55, %dma_wait3A_56] : memref<20480x128xf32, #tpu.memory_space<hbm>> -> memref<20480x128xf32, #tpu.memory_space<hbm>>
    tpu.wait_indirect_dma semaphore(%arg16 : memref<!tpu.dma_semaphore, #tpu.memory_space<semaphore_mem>>) src(%dma_wait3A_57 : memref<20480x128xf32, #tpu.memory_space<hbm>>) dst(%arg10 : memref<128x128xf32, #tpu.memory_space<vmem>>)
    %dma_wait3A_58 = arith.constant 0 : i32
    %dma_wait3A_59 = arith.constant 0 : i32
    %dma_wait3A_60 = tpu.memref_slice %arg3[%arg0, %arg1, %dma_wait3A_58, %dma_wait3A_59] : memref<2x16x84x128xi32, #tpu.memory_space<hbm>> -> memref<1x1x1x128xi32, #tpu.memory_space<hbm>>
    %dma_wait3A_61 = tpu.memref_squeeze %dma_wait3A_60 : memref<1x1x1x128xi32, #tpu.memory_space<hbm>> -> memref<128xi32, #tpu.memory_space<hbm>>
    %dma_wait3A_62 = arith.constant 0 : i32
    %dma_wait3A_63 = tpu.memref_slice %arg3[%arg0, %arg1, %dma_wait3A_58, %dma_wait3A_62] : memref<2x16x84x128xi32, #tpu.memory_space<hbm>> -> memref<1x1x1x128xi32, #tpu.memory_space<hbm>>
    %dma_wait3A_64 = tpu.memref_squeeze %dma_wait3A_63 : memref<1x1x1x128xi32, #tpu.memory_space<hbm>> -> memref<128xi32, #tpu.memory_space<hbm>>
    tpu.wait_dma2 semaphore(%arg19 : memref<!tpu.dma_semaphore, #tpu.memory_space<semaphore_mem>>) src(%dma_wait3A_64 : memref<128xi32, #tpu.memory_space<hbm>>) dst(%arg13 : memref<128xi32, #tpu.memory_space<vmem>>)
    %dma_wait3A_65 = arith.constant 0 : i32
    %dma_wait3A_66 = arith.constant 0 : i32
    %dma_wait3A_67 = tpu.memref_slice %arg3[%arg0, %arg1, %dma_wait3A_65, %dma_wait3A_66] : memref<2x16x84x128xi32, #tpu.memory_space<hbm>> -> memref<1x1x1x128xi32, #tpu.memory_space<hbm>>
    %dma_wait3A_68 = tpu.memref_squeeze %dma_wait3A_67 : memref<1x1x1x128xi32, #tpu.memory_space<hbm>> -> memref<128xi32, #tpu.memory_space<hbm>>
    %dma_wait3A_69 = arith.constant 0 : i32
    %dma_wait3A_70 = tpu.memref_slice %arg3[%arg0, %arg1, %dma_wait3A_65, %dma_wait3A_69] : memref<2x16x84x128xi32, #tpu.memory_space<hbm>> -> memref<1x1x1x128xi32, #tpu.memory_space<hbm>>
    %dma_wait3A_71 = tpu.memref_squeeze %dma_wait3A_70 : memref<1x1x1x128xi32, #tpu.memory_space<hbm>> -> memref<128xi32, #tpu.memory_space<hbm>>
    tpu.wait_dma2 semaphore(%arg20 : memref<!tpu.dma_semaphore, #tpu.memory_space<semaphore_mem>>) src(%dma_wait3A_71 : memref<128xi32, #tpu.memory_space<hbm>>) dst(%arg14 : memref<128xi32, #tpu.memory_space<vmem>>)
    %barrier3A_72 = arith.constant 0 : index
    tpu.barrier barrier_id(%barrier3A_72)
    %mul3A_73 = arith.constant 640 : i32
    %mul3A_74 = arith.muli %arg1, %mul3A_73 : i32
    %mul3A_75 = arith.constant 640 : i32
    %mul3A_76 = arith.muli %arg1, %mul3A_75 : i32
    "tpu.region"() ({
      %run_scoped3A = tpu.sem_alloc : memref<!tpu.dma_semaphore, #tpu.memory_space<semaphore_mem>>
      %dma_start3A_77 = arith.constant 0 : i32
      %dma_start3A_78 = tpu.memref_slice %arg6[%arg0, %mul3A_76, %dma_start3A_77] : memref<2x10240x128xf32, #tpu.memory_space<hbm>> -> memref<1x640x128xf32, #tpu.memory_space<hbm>>
      %dma_start3A_79 = tpu.memref_squeeze %dma_start3A_78 : memref<1x640x128xf32, #tpu.memory_space<hbm>> -> memref<640x128xf32, #tpu.memory_space<hbm>>
      %dma_start3A_80 = arith.constant 0 : i32
      %dma_start3A_81 = tpu.memref_slice %arg7[%mul3A_74, %dma_start3A_80] : memref<10240x128xf32, #tpu.memory_space<vmem_shared>> -> memref<640x128xf32, #tpu.memory_space<vmem_shared>>
      tpu.enqueue_dma source(%dma_start3A_81 : memref<640x128xf32, #tpu.memory_space<vmem_shared>>) target(%dma_start3A_79 : memref<640x128xf32, #tpu.memory_space<hbm>>) target_semaphore(%run_scoped3A : memref<!tpu.dma_semaphore, #tpu.memory_space<semaphore_mem>>)
      %dma_wait3A_82 = arith.constant 0 : i32
      %dma_wait3A_83 = tpu.memref_slice %arg6[%arg0, %mul3A_76, %dma_wait3A_82] : memref<2x10240x128xf32, #tpu.memory_space<hbm>> -> memref<1x640x128xf32, #tpu.memory_space<hbm>>
      %dma_wait3A_84 = tpu.memref_squeeze %dma_wait3A_83 : memref<1x640x128xf32, #tpu.memory_space<hbm>> -> memref<640x128xf32, #tpu.memory_space<hbm>>
      %dma_wait3A_85 = arith.constant 0 : i32
      %dma_wait3A_86 = tpu.memref_slice %arg7[%mul3A_74, %dma_wait3A_85] : memref<10240x128xf32, #tpu.memory_space<vmem_shared>> -> memref<640x128xf32, #tpu.memory_space<vmem_shared>>
      tpu.wait_dma2 semaphore(%run_scoped3A : memref<!tpu.dma_semaphore, #tpu.memory_space<semaphore_mem>>) src(%dma_wait3A_86 : memref<640x128xf32, #tpu.memory_space<vmem_shared>>) dst(%dma_wait3A_84 : memref<640x128xf32, #tpu.memory_space<hbm>>)
      tpu.yield
    }) : () -> ()
    return
  }
}

module attributes {stable_mosaic.version = 14 : i64} {
  func.func @_tc_layer_body(%arg0: i32, %arg1: memref<2x1024x128xf32, #tpu.memory_space<vmem>>, %arg2: memref<2x1024x128xf32, #tpu.memory_space<vmem>>, %arg3: memref<16x1024xf32, #tpu.memory_space<vmem>>, %arg4: memref<256x256xf32, #tpu.memory_space<vmem>>, %arg5: memref<256x256xf32, #tpu.memory_space<vmem>>, %arg6: memref<1x256xf32, #tpu.memory_space<vmem>>, %arg7: memref<2x1024x128xf32, #tpu.memory_space<vmem>>) attributes {dimension_semantics = [#tpu.dimension_semantics<arbitrary>], iteration_bounds = array<i64: 10>, scalar_prefetch = 0 : i64, scratch_operands = 0 : i64, tpu.core_type = #tpu.core_type<tc>, window_params = [{transform_indices = @transform_0, window_bounds = array<i64: 2, 1024, 128>}, {transform_indices = @transform_1, window_bounds = array<i64: 2, 1024, 128>}, {transform_indices = @transform_2, window_bounds = array<i64: 16, 1024>}, {pipeline_mode = #tpu.pipeline_mode<synchronous>, transform_indices = @transform_3, window_bounds = array<i64: 256, 256>}, {pipeline_mode = #tpu.pipeline_mode<synchronous>, transform_indices = @transform_4, window_bounds = array<i64: 256, 256>}, {pipeline_mode = #tpu.pipeline_mode<synchronous>, transform_indices = @transform_5, window_bounds = array<i64: 1, 256>}, {transform_indices = @transform_6, window_bounds = array<i64: 2, 1024, 128>}]} {
    %get3A = arith.constant 0 : index
    %get3A_0 = arith.constant 0 : index
    %get3A_1 = arith.constant 0 : index
    %get3A_2 = vector.load %arg1[%get3A, %get3A_0, %get3A_1] : memref<2x1024x128xf32, #tpu.memory_space<vmem>>, vector<1x1024x128xf32>
    %get3A_3 = vector.shape_cast %get3A_2 : vector<1x1024x128xf32> to vector<1024x128xf32>
    %get3A_4 = arith.constant 1 : index
    %get3A_5 = arith.constant 0 : index
    %get3A_6 = arith.constant 0 : index
    %get3A_7 = vector.load %arg1[%get3A_4, %get3A_5, %get3A_6] : memref<2x1024x128xf32, #tpu.memory_space<vmem>>, vector<1x1024x128xf32>
    %get3A_8 = vector.shape_cast %get3A_7 : vector<1x1024x128xf32> to vector<1024x128xf32>
    %concatenate3A = tpu.concatenate %get3A_3, %get3A_8 in 1 : vector<1024x128xf32>, vector<1024x128xf32> -> vector<1024x256xf32>
    %get3A_9 = arith.constant 0 : index
    %get3A_10 = arith.constant 0 : index
    %get3A_11 = vector.load %arg3[%get3A_9, %get3A_10] : memref<16x1024xf32, #tpu.memory_space<vmem>>, vector<16x1024xf32>
    %reduce_sum3A = arith.constant dense<0.000000e+00> : vector<1024xf32>
    %reduce_sum3A_12 = vector.multi_reduction <add>, %get3A_11, %reduce_sum3A [0] : vector<16x1024xf32> to vector<1024xf32>
    %broadcast_in_dim3A = vector.shape_cast %reduce_sum3A_12 : vector<1024xf32> to vector<1024x1xf32>
    %max3A = arith.constant 1.000000e+00 : f32
    %max3A_13 = vector.broadcast %max3A : f32 to vector<1024x1xf32>
    %max3A_14 = arith.maximumf %broadcast_in_dim3A, %max3A_13 : vector<1024x1xf32>
    %div3A = arith.constant 1.000000e+00 : f32
    %div3A_15 = vector.broadcast %div3A : f32 to vector<1024x1xf32>
    %div3A_16 = arith.divf %div3A_15, %max3A_14 : vector<1024x1xf32>
    %get3A_17 = arith.constant 0 : index
    %get3A_18 = arith.constant 0 : index
    %get3A_19 = arith.constant 0 : index
    %get3A_20 = vector.load %arg2[%get3A_17, %get3A_18, %get3A_19] : memref<2x1024x128xf32, #tpu.memory_space<vmem>>, vector<1x1024x128xf32>
    %get3A_21 = vector.shape_cast %get3A_20 : vector<1x1024x128xf32> to vector<1024x128xf32>
    %get3A_22 = arith.constant 1 : index
    %get3A_23 = arith.constant 0 : index
    %get3A_24 = arith.constant 0 : index
    %get3A_25 = vector.load %arg2[%get3A_22, %get3A_23, %get3A_24] : memref<2x1024x128xf32, #tpu.memory_space<vmem>>, vector<1x1024x128xf32>
    %get3A_26 = vector.shape_cast %get3A_25 : vector<1x1024x128xf32> to vector<1024x128xf32>
    %concatenate3A_27 = tpu.concatenate %get3A_21, %get3A_26 in 1 : vector<1024x128xf32>, vector<1024x128xf32> -> vector<1024x256xf32>
    %mul3A = vector.broadcast %div3A_16 : vector<1024x1xf32> to vector<1024x256xf32>
    %mul3A_28 = arith.mulf %concatenate3A_27, %mul3A : vector<1024x256xf32>
    %get3A_29 = arith.constant 0 : index
    %get3A_30 = arith.constant 0 : index
    %get3A_31 = vector.load %arg4[%get3A_29, %get3A_30] : memref<256x256xf32, #tpu.memory_space<vmem>>, vector<256x256xf32>
    %dot_general3A = arith.constant dense<0.000000e+00> : vector<1024x256xf32>
    %dot_general3A_32 = tpu.matmul %concatenate3A, %get3A_31, %dot_general3A {dimension_numbers = #tpu.dot_dimension_numbers<[1], [0], [0], [1], [0, 0, 1, 1], [], []>, transpose_lhs_hint = false} : vector<1024x256xf32>, vector<256x256xf32>, vector<1024x256xf32> -> vector<1024x256xf32>
    %get3A_33 = arith.constant 0 : index
    %get3A_34 = arith.constant 0 : index
    %get3A_35 = vector.load %arg5[%get3A_33, %get3A_34] : memref<256x256xf32, #tpu.memory_space<vmem>>, vector<256x256xf32>
    %dot_general3A_36 = arith.constant dense<0.000000e+00> : vector<1024x256xf32>
    %dot_general3A_37 = tpu.matmul %mul3A_28, %get3A_35, %dot_general3A_36 {dimension_numbers = #tpu.dot_dimension_numbers<[1], [0], [0], [1], [0, 0, 1, 1], [], []>, transpose_lhs_hint = false} : vector<1024x256xf32>, vector<256x256xf32>, vector<1024x256xf32> -> vector<1024x256xf32>
    %add3A = arith.addf %dot_general3A_32, %dot_general3A_37 : vector<1024x256xf32>
    %get3A_38 = arith.constant 0 : index
    %get3A_39 = arith.constant 0 : index
    %get3A_40 = vector.load %arg6[%get3A_38, %get3A_39] : memref<1x256xf32, #tpu.memory_space<vmem>>, vector<1x256xf32>
    %add3A_41 = vector.broadcast %get3A_40 : vector<1x256xf32> to vector<1024x256xf32>
    %add3A_42 = arith.addf %add3A, %add3A_41 : vector<1024x256xf32>
    %max3A_43 = arith.constant 0.000000e+00 : f32
    %max3A_44 = vector.broadcast %max3A_43 : f32 to vector<1024x256xf32>
    %max3A_45 = arith.maximumf %add3A_42, %max3A_44 : vector<1024x256xf32>
    %slice3A = vector.extract_strided_slice %max3A_45 {offsets = [0, 0], sizes = [1024, 128], strides = [1, 1]} : vector<1024x256xf32> to vector<1024x128xf32>
    %swap3A = arith.constant 0 : index
    %swap3A_46 = arith.constant 0 : index
    %swap3A_47 = arith.constant 0 : index
    %swap3A_48 = vector.load %arg7[%swap3A, %swap3A_46, %swap3A_47] : memref<2x1024x128xf32, #tpu.memory_space<vmem>>, vector<1x1024x128xf32>
    %swap3A_49 = vector.shape_cast %swap3A_48 : vector<1x1024x128xf32> to vector<1024x128xf32>
    %swap3A_50 = vector.shape_cast %slice3A : vector<1024x128xf32> to vector<1x1024x128xf32>
    tpu.vector_store %arg7[%swap3A, %swap3A_46, %swap3A_47], %swap3A_50 {strides = array<i32>} : memref<2x1024x128xf32, #tpu.memory_space<vmem>>, vector<1x1024x128xf32>,
    %slice3A_51 = vector.extract_strided_slice %max3A_45 {offsets = [0, 128], sizes = [1024, 128], strides = [1, 1]} : vector<1024x256xf32> to vector<1024x128xf32>
    %swap3A_52 = arith.constant 1 : index
    %swap3A_53 = arith.constant 0 : index
    %swap3A_54 = arith.constant 0 : index
    %swap3A_55 = vector.load %arg7[%swap3A_52, %swap3A_53, %swap3A_54] : memref<2x1024x128xf32, #tpu.memory_space<vmem>>, vector<1x1024x128xf32>
    %swap3A_56 = vector.shape_cast %swap3A_55 : vector<1x1024x128xf32> to vector<1024x128xf32>
    %swap3A_57 = vector.shape_cast %slice3A_51 : vector<1024x128xf32> to vector<1x1024x128xf32>
    tpu.vector_store %arg7[%swap3A_52, %swap3A_53, %swap3A_54], %swap3A_57 {strides = array<i32>} : memref<2x1024x128xf32, #tpu.memory_space<vmem>>, vector<1x1024x128xf32>,
    return
  }
  func.func @transform_0(%arg0: i32) -> (i32, i32, i32) {
    %c0_i32 = arith.constant 0 : i32
    %c0_i32_0 = arith.constant 0 : i32
    %c0_i32_1 = arith.constant 0 : i32
    return %c0_i32, %arg0, %c0_i32_0 : i32, i32, i32
  }
  func.func @transform_1(%arg0: i32) -> (i32, i32, i32) {
    %c0_i32 = arith.constant 0 : i32
    %c0_i32_0 = arith.constant 0 : i32
    %c0_i32_1 = arith.constant 0 : i32
    return %c0_i32, %arg0, %c0_i32_0 : i32, i32, i32
  }
  func.func @transform_2(%arg0: i32) -> (i32, i32) {
    %c0_i32 = arith.constant 0 : i32
    %c0_i32_0 = arith.constant 0 : i32
    return %c0_i32, %arg0 : i32, i32
  }
  func.func @transform_3(%arg0: i32) -> (i32, i32) {
    %c0_i32 = arith.constant 0 : i32
    %c0_i32_0 = arith.constant 0 : i32
    %c0_i32_1 = arith.constant 0 : i32
    return %c0_i32, %c0_i32_0 : i32, i32
  }
  func.func @transform_4(%arg0: i32) -> (i32, i32) {
    %c0_i32 = arith.constant 0 : i32
    %c0_i32_0 = arith.constant 0 : i32
    %c0_i32_1 = arith.constant 0 : i32
    return %c0_i32, %c0_i32_0 : i32, i32
  }
  func.func @transform_5(%arg0: i32) -> (i32, i32) {
    %c0_i32 = arith.constant 0 : i32
    %c0_i32_0 = arith.constant 0 : i32
    %c0_i32_1 = arith.constant 0 : i32
    return %c0_i32, %c0_i32_0 : i32, i32
  }
  func.func @transform_6(%arg0: i32) -> (i32, i32, i32) {
    %c0_i32 = arith.constant 0 : i32
    %c0_i32_0 = arith.constant 0 : i32
    %c0_i32_1 = arith.constant 0 : i32
    return %c0_i32, %arg0, %c0_i32_0 : i32, i32, i32
  }
}

module attributes {stable_mosaic.version = 14 : i64} {
  func.func @_tc_final_body(%arg0: i32, %arg1: memref<2x1024x128xf32, #tpu.memory_space<vmem>>, %arg2: memref<2x1024x128xf32, #tpu.memory_space<vmem>>, %arg3: memref<16x1024xf32, #tpu.memory_space<vmem>>, %arg4: memref<256x256xf32, #tpu.memory_space<vmem>>, %arg5: memref<256x256xf32, #tpu.memory_space<vmem>>, %arg6: memref<1x256xf32, #tpu.memory_space<vmem>>, %arg7: memref<256x128xf32, #tpu.memory_space<vmem>>, %arg8: memref<1x128xf32, #tpu.memory_space<vmem>>, %arg9: memref<1024x256xf32, #tpu.memory_space<vmem>>, %arg10: memref<1024x128xf32, #tpu.memory_space<vmem>>) attributes {dimension_semantics = [#tpu.dimension_semantics<arbitrary>], iteration_bounds = array<i64: 10>, scalar_prefetch = 0 : i64, scratch_operands = 0 : i64, tpu.core_type = #tpu.core_type<tc>, window_params = [{transform_indices = @transform_0, window_bounds = array<i64: 2, 1024, 128>}, {transform_indices = @transform_1, window_bounds = array<i64: 2, 1024, 128>}, {transform_indices = @transform_2, window_bounds = array<i64: 16, 1024>}, {pipeline_mode = #tpu.pipeline_mode<synchronous>, transform_indices = @transform_3, window_bounds = array<i64: 256, 256>}, {pipeline_mode = #tpu.pipeline_mode<synchronous>, transform_indices = @transform_4, window_bounds = array<i64: 256, 256>}, {pipeline_mode = #tpu.pipeline_mode<synchronous>, transform_indices = @transform_5, window_bounds = array<i64: 1, 256>}, {pipeline_mode = #tpu.pipeline_mode<synchronous>, transform_indices = @transform_6, window_bounds = array<i64: 256, 128>}, {pipeline_mode = #tpu.pipeline_mode<synchronous>, transform_indices = @transform_7, window_bounds = array<i64: 1, 128>}, {transform_indices = @transform_8, window_bounds = array<i64: 1024, 256>}, {transform_indices = @transform_9, window_bounds = array<i64: 1024, 128>}]} {
    %get3A = arith.constant 0 : index
    %get3A_0 = arith.constant 0 : index
    %get3A_1 = arith.constant 0 : index
    %get3A_2 = vector.load %arg1[%get3A, %get3A_0, %get3A_1] : memref<2x1024x128xf32, #tpu.memory_space<vmem>>, vector<1x1024x128xf32>
    %get3A_3 = vector.shape_cast %get3A_2 : vector<1x1024x128xf32> to vector<1024x128xf32>
    %get3A_4 = arith.constant 1 : index
    %get3A_5 = arith.constant 0 : index
    %get3A_6 = arith.constant 0 : index
    %get3A_7 = vector.load %arg1[%get3A_4, %get3A_5, %get3A_6] : memref<2x1024x128xf32, #tpu.memory_space<vmem>>, vector<1x1024x128xf32>
    %get3A_8 = vector.shape_cast %get3A_7 : vector<1x1024x128xf32> to vector<1024x128xf32>
    %concatenate3A = tpu.concatenate %get3A_3, %get3A_8 in 1 : vector<1024x128xf32>, vector<1024x128xf32> -> vector<1024x256xf32>
    %get3A_9 = arith.constant 0 : index
    %get3A_10 = arith.constant 0 : index
    %get3A_11 = vector.load %arg3[%get3A_9, %get3A_10] : memref<16x1024xf32, #tpu.memory_space<vmem>>, vector<16x1024xf32>
    %reduce_sum3A = arith.constant dense<0.000000e+00> : vector<1024xf32>
    %reduce_sum3A_12 = vector.multi_reduction <add>, %get3A_11, %reduce_sum3A [0] : vector<16x1024xf32> to vector<1024xf32>
    %broadcast_in_dim3A = vector.shape_cast %reduce_sum3A_12 : vector<1024xf32> to vector<1024x1xf32>
    %max3A = arith.constant 1.000000e+00 : f32
    %max3A_13 = vector.broadcast %max3A : f32 to vector<1024x1xf32>
    %max3A_14 = arith.maximumf %broadcast_in_dim3A, %max3A_13 : vector<1024x1xf32>
    %div3A = arith.constant 1.000000e+00 : f32
    %div3A_15 = vector.broadcast %div3A : f32 to vector<1024x1xf32>
    %div3A_16 = arith.divf %div3A_15, %max3A_14 : vector<1024x1xf32>
    %get3A_17 = arith.constant 0 : index
    %get3A_18 = arith.constant 0 : index
    %get3A_19 = arith.constant 0 : index
    %get3A_20 = vector.load %arg2[%get3A_17, %get3A_18, %get3A_19] : memref<2x1024x128xf32, #tpu.memory_space<vmem>>, vector<1x1024x128xf32>
    %get3A_21 = vector.shape_cast %get3A_20 : vector<1x1024x128xf32> to vector<1024x128xf32>
    %get3A_22 = arith.constant 1 : index
    %get3A_23 = arith.constant 0 : index
    %get3A_24 = arith.constant 0 : index
    %get3A_25 = vector.load %arg2[%get3A_22, %get3A_23, %get3A_24] : memref<2x1024x128xf32, #tpu.memory_space<vmem>>, vector<1x1024x128xf32>
    %get3A_26 = vector.shape_cast %get3A_25 : vector<1x1024x128xf32> to vector<1024x128xf32>
    %concatenate3A_27 = tpu.concatenate %get3A_21, %get3A_26 in 1 : vector<1024x128xf32>, vector<1024x128xf32> -> vector<1024x256xf32>
    %mul3A = vector.broadcast %div3A_16 : vector<1024x1xf32> to vector<1024x256xf32>
    %mul3A_28 = arith.mulf %concatenate3A_27, %mul3A : vector<1024x256xf32>
    %get3A_29 = arith.constant 0 : index
    %get3A_30 = arith.constant 0 : index
    %get3A_31 = vector.load %arg4[%get3A_29, %get3A_30] : memref<256x256xf32, #tpu.memory_space<vmem>>, vector<256x256xf32>
    %dot_general3A = arith.constant dense<0.000000e+00> : vector<1024x256xf32>
    %dot_general3A_32 = tpu.matmul %concatenate3A, %get3A_31, %dot_general3A {dimension_numbers = #tpu.dot_dimension_numbers<[1], [0], [0], [1], [0, 0, 1, 1], [], []>, transpose_lhs_hint = false} : vector<1024x256xf32>, vector<256x256xf32>, vector<1024x256xf32> -> vector<1024x256xf32>
    %get3A_33 = arith.constant 0 : index
    %get3A_34 = arith.constant 0 : index
    %get3A_35 = vector.load %arg5[%get3A_33, %get3A_34] : memref<256x256xf32, #tpu.memory_space<vmem>>, vector<256x256xf32>
    %dot_general3A_36 = arith.constant dense<0.000000e+00> : vector<1024x256xf32>
    %dot_general3A_37 = tpu.matmul %mul3A_28, %get3A_35, %dot_general3A_36 {dimension_numbers = #tpu.dot_dimension_numbers<[1], [0], [0], [1], [0, 0, 1, 1], [], []>, transpose_lhs_hint = false} : vector<1024x256xf32>, vector<256x256xf32>, vector<1024x256xf32> -> vector<1024x256xf32>
    %add3A = arith.addf %dot_general3A_32, %dot_general3A_37 : vector<1024x256xf32>
    %get3A_38 = arith.constant 0 : index
    %get3A_39 = arith.constant 0 : index
    %get3A_40 = vector.load %arg6[%get3A_38, %get3A_39] : memref<1x256xf32, #tpu.memory_space<vmem>>, vector<1x256xf32>
    %add3A_41 = vector.broadcast %get3A_40 : vector<1x256xf32> to vector<1024x256xf32>
    %add3A_42 = arith.addf %add3A, %add3A_41 : vector<1024x256xf32>
    %swap3A = arith.constant 0 : index
    %swap3A_43 = arith.constant 0 : index
    %swap3A_44 = vector.load %arg9[%swap3A, %swap3A_43] : memref<1024x256xf32, #tpu.memory_space<vmem>>, vector<1024x256xf32>
    tpu.vector_store %arg9[%swap3A, %swap3A_43], %add3A_42 {strides = array<i32>} : memref<1024x256xf32, #tpu.memory_space<vmem>>, vector<1024x256xf32>,
    %get3A_45 = arith.constant 0 : index
    %get3A_46 = arith.constant 0 : index
    %get3A_47 = vector.load %arg7[%get3A_45, %get3A_46] : memref<256x128xf32, #tpu.memory_space<vmem>>, vector<256x128xf32>
    %dot_general3A_48 = arith.constant dense<0.000000e+00> : vector<1024x128xf32>
    %dot_general3A_49 = tpu.matmul %add3A_42, %get3A_47, %dot_general3A_48 {dimension_numbers = #tpu.dot_dimension_numbers<[1], [0], [0], [1], [0, 0, 1, 1], [], []>, transpose_lhs_hint = false} : vector<1024x256xf32>, vector<256x128xf32>, vector<1024x128xf32> -> vector<1024x128xf32>
    %get3A_50 = arith.constant 0 : index
    %get3A_51 = arith.constant 0 : index
    %get3A_52 = vector.load %arg8[%get3A_50, %get3A_51] : memref<1x128xf32, #tpu.memory_space<vmem>>, vector<1x128xf32>
    %add3A_53 = vector.broadcast %get3A_52 : vector<1x128xf32> to vector<1024x128xf32>
    %add3A_54 = arith.addf %dot_general3A_49, %add3A_53 : vector<1024x128xf32>
    %swap3A_55 = arith.constant 0 : index
    %swap3A_56 = arith.constant 0 : index
    %swap3A_57 = vector.load %arg10[%swap3A_55, %swap3A_56] : memref<1024x128xf32, #tpu.memory_space<vmem>>, vector<1024x128xf32>
    tpu.vector_store %arg10[%swap3A_55, %swap3A_56], %add3A_54 {strides = array<i32>} : memref<1024x128xf32, #tpu.memory_space<vmem>>, vector<1024x128xf32>,
    return
  }
  func.func @transform_0(%arg0: i32) -> (i32, i32, i32) {
    %c0_i32 = arith.constant 0 : i32
    %c0_i32_0 = arith.constant 0 : i32
    %c0_i32_1 = arith.constant 0 : i32
    return %c0_i32, %arg0, %c0_i32_0 : i32, i32, i32
  }
  func.func @transform_1(%arg0: i32) -> (i32, i32, i32) {
    %c0_i32 = arith.constant 0 : i32
    %c0_i32_0 = arith.constant 0 : i32
    %c0_i32_1 = arith.constant 0 : i32
    return %c0_i32, %arg0, %c0_i32_0 : i32, i32, i32
  }
  func.func @transform_2(%arg0: i32) -> (i32, i32) {
    %c0_i32 = arith.constant 0 : i32
    %c0_i32_0 = arith.constant 0 : i32
    return %c0_i32, %arg0 : i32, i32
  }
  func.func @transform_3(%arg0: i32) -> (i32, i32) {
    %c0_i32 = arith.constant 0 : i32
    %c0_i32_0 = arith.constant 0 : i32
    %c0_i32_1 = arith.constant 0 : i32
    return %c0_i32, %c0_i32_0 : i32, i32
  }
  func.func @transform_4(%arg0: i32) -> (i32, i32) {
    %c0_i32 = arith.constant 0 : i32
    %c0_i32_0 = arith.constant 0 : i32
    %c0_i32_1 = arith.constant 0 : i32
    return %c0_i32, %c0_i32_0 : i32, i32
  }
  func.func @transform_5(%arg0: i32) -> (i32, i32) {
    %c0_i32 = arith.constant 0 : i32
    %c0_i32_0 = arith.constant 0 : i32
    %c0_i32_1 = arith.constant 0 : i32
    return %c0_i32, %c0_i32_0 : i32, i32
  }
  func.func @transform_6(%arg0: i32) -> (i32, i32) {
    %c0_i32 = arith.constant 0 : i32
    %c0_i32_0 = arith.constant 0 : i32
    %c0_i32_1 = arith.constant 0 : i32
    return %c0_i32, %c0_i32_0 : i32, i32
  }
  func.func @transform_7(%arg0: i32) -> (i32, i32) {
    %c0_i32 = arith.constant 0 : i32
    %c0_i32_0 = arith.constant 0 : i32
    %c0_i32_1 = arith.constant 0 : i32
    return %c0_i32, %c0_i32_0 : i32, i32
  }
  func.func @transform_8(%arg0: i32) -> (i32, i32) {
    %c0_i32 = arith.constant 0 : i32
    %c0_i32_0 = arith.constant 0 : i32
    return %arg0, %c0_i32 : i32, i32
  }
  func.func @transform_9(%arg0: i32) -> (i32, i32) {
    %c0_i32 = arith.constant 0 : i32
    %c0_i32_0 = arith.constant 0 : i32
    return %arg0, %c0_i32 : i32, i32
  }
}

</mosaic_0001>

<sc_bundles>
// kernel: kernel.12.cloned.1.call-start
scs
__scs_entry_jumppad:
0x0: {  	(pc) =	sbr.rel $0x88, $3  }
0x1: {  	(tag) =	ssettag $0x0;
	lr =	simm.s32 $0x1  }
0x2: {  	[smem:$0x3F94] =	sst lr;
	_ =	strace $0xD0000000  }
0x3: {  	_ = 	snop  }
0x4: {  	_ = 	snop  }
0x5: {  	_ = 	snop  }
0x6: {  	_ = 	snop  }
0x7: {  	_ = 	snop  }
__scs_overlays_trampoline_lowered:
0x8: {  	[smem:$0x3FA3] =	sst s0  }
0x9: {  	[smem:$0x3FA4] =	sst s1  }
0xa: {  	[smem:$0x3FA5] =	sst s2  }
0xb: {  	[smem:$0x3FA6] =	sst s3  }
0xc: {  	[smem:$0x3FA7] =	sst s4  }
0xd: {  	[smem:$0x3FA8] =	sst s5  }
0xe: {  	[smem:$0x3FA9] =	sst s6  }
0xf: {  	[smem:$0x3FAA] =	sst s7  }
0x10: {  	[smem:$0x3FAB] =	sst s8  }
0x11: {  	[smem:$0x3FAC] =	sst s9;
	s0 =	simm.s32 @!p0 $0x0  }
0x12: {  	s1 =	sld [smem:$0x3F92];
	s0 =	simm.s32 @p0 $0x1  }
0x13: {  	[smem:$0x3FAD] =	sst s0;
	s0 =	simm.s32 @!p1 $0x0  }
0x14: {  	s2 =	sld [smem:$0x3F91];
	s0 =	simm.s32 @p1 $0x1  }
0x15: {  	[smem:$0x3FAE] =	sst s0;
	s0 =	simm.s32 @!p2 $0x0  }
0x16: {  	s3 =	sld [smem:$0x3FDB];
	s0 =	simm.s32 @p2 $0x1  }
0x17: {  	s4 =	simm.s32 $0x1BF5;
	[smem:$0x3FB0] =	sst s0  }
0x18: {  	s0 =	sld [smem:$0x3F93];
	_ =	swait.ge [sflag:s4], $0x0  }
0x19: {  	s7 =	sld [smem:$0x3F94]  }
0x1a: {  	s8 =	sadd.s32 $0xFFFFE003, lr  }
0x1b: {  	s9 =	sadd.s32 $0xFFFFFEF7, lr;
	s5 =	simm.s32 $0xFFFFFFFF;
	p2 =	slt.u32 s8, $0xFFFFF086  }
0x1c: {  	p1 =	slt.u32 s9, $0xF7A;
	s5 =	simm.s32 @!p2 $0x0  }
0x1d: {  	s5 =	simm.s32 @p1 $0x1;
	p0 =	seq.s32 s7, s2  }
0x1e: {  	s7 =	smul.u32 @!p0 $0xF7A, s2;
	p2 =	seq.s32 @!p0 s5, $0x0  }
0x1f: {  	s9 =	smul.u32 $0xF7A, s1;
	s8 =	simm.s32 @!p0 $0x1BF5;
	p2 =	por !p2, p0  }
0x20: {  	[sflag:s8] =	ssyncset.s32 @!p0 $0xFFFFF086;
	s6 =	sadd.s32 @!p0 s3, s7;
	s7 =	simm.s32 @!p0 $0x108  }
0x21: {  	s3 =	sadd.s32 s3, s9;
	s6 =	sadd.s32 @!p0 $0x88, s6;
	s7 =	simm.s32 @p2 $0x1082  }
0x22: {  	[simem:s7], [sflag:s8] =	dma.local @!p0 [hbm:s6], $0xF7A  }
0x23: {  	s9 =	sor.u32 $0xD0000000, s2;
	s6 =	simm.s32 $0x108;
	_ =	swait.ge @!p0 [sflag:s8], $0x0  }
0x24: {  	s3 =	sadd.s32 $0x88, s3;
	s6 =	simm.s32 @!p1 $0x1082;
	[sflag:s4] =	ssyncset.s32 $0xFFFFF086  }
0x25: {  	[simem:s6], [sflag:s4] =	dma.local [hbm:s3], $0xF7A  }
0x26: {  	[smem:$0x3F94] =	sst s1;
	(tag) =	ssettag s2;
	_ =	strace s9  }
0x27: {  	s1 =	sld [smem:$0x3FA4]  }
0x28: {  	s2 =	sld [smem:$0x3FA5]  }
0x29: {  	s4 =	sld [smem:$0x3FA7]  }
0x2a: {  	p0 =	seq.s32 s5, $0x0;
	s5 =	sld [smem:$0x3FA8]  }
0x2b: {  	s6 =	sld [smem:$0x3FA9]  }
0x2c: {  	s7 =	sld [smem:$0x3FAA]  }
0x2d: {  	s3 =	simm.s32 $0x108;
	s8 =	sld [smem:$0x3FAB]  }
0x2e: {  	s3 =	simm.s32 @!p0 $0x1082;
	s9 =	sld [smem:$0x3FAC]  }
0x2f: {  	lr =	sadd.s32 s0, s3;
	s0 =	sld [smem:$0x3FA3]  }
0x30: {  	s3 =	sld [smem:$0x3FA6]  }
0x31: {  	[smem:$0x3FAF] =	sst s10  }
0x32: {  	s10 =	sld [smem:$0x3FAD];
	_ =	sdelay $0x3  }
0x33: {  	p0 =	seq.s32 s10, $0x1;
	s10 =	sld [smem:$0x3FAF];
	_ =	sdelay $0x3  }
0x34: {  	[smem:$0x3FAF] =	sst s10  }
0x35: {  	s10 =	sld [smem:$0x3FAE];
	_ =	sdelay $0x3  }
0x36: {  	p1 =	seq.s32 s10, $0x1;
	s10 =	sld [smem:$0x3FAF];
	_ =	sdelay $0x3  }
0x37: {  	[smem:$0x3FAF] =	sst s10  }
0x38: {  	s10 =	sld [smem:$0x3FB0]  }
0x39: {  	_ = 	snop;
	(pc) =	sbr.ind lr, $3  }
0x3a: {  	_ = 	snop  }
0x3b: {  	_ = 	snop  }
0x3c: {  	p2 =	seq.s32 s10, $0x1;
	s10 =	sld [smem:$0x3FAF]  }
0x3d: {  	_ =	shalt  }
0x3e: {  	_ =	shalt  }
0x3f: {  	_ =	shalt  }
0x40: {  	_ =	shalt  }
0x41: {  	_ =	shalt  }
0x42: {  	_ =	shalt  }
0x43: {  	_ =	shalt  }
0x44: {  	_ =	shalt  }
0x45: {  	_ =	shalt  }
0x46: {  	_ =	shalt  }
0x47: {  	_ =	shalt  }
0x48: {  	_ =	shalt  }
0x49: {  	_ =	shalt  }
0x4a: {  	_ =	shalt  }
0x4b: {  	_ =	shalt  }
0x4c: {  	_ =	shalt  }
0x4d: {  	_ =	shalt  }
0x4e: {  	_ =	shalt  }
0x4f: {  	_ =	shalt  }
0x50: {  	_ =	shalt  }
0x51: {  	_ =	shalt  }
0x52: {  	_ =	shalt  }
0x53: {  	_ =	shalt  }
0x54: {  	_ =	shalt  }
0x55: {  	_ =	shalt  }
0x56: {  	_ =	shalt  }
0x57: {  	_ =	shalt  }
0x58: {  	_ =	shalt  }
0x59: {  	_ =	shalt  }
0x5a: {  	_ =	shalt  }
0x5b: {  	_ =	shalt  }
0x5c: {  	_ =	shalt  }
0x5d: {  	_ =	shalt  }
0x5e: {  	_ =	shalt  }
0x5f: {  	_ =	shalt  }
0x60: {  	_ =	shalt  }
0x61: {  	_ =	shalt  }
0x62: {  	_ =	shalt  }
0x63: {  	_ =	shalt  }
0x64: {  	_ =	shalt  }
0x65: {  	_ =	shalt  }
0x66: {  	_ =	shalt  }
0x67: {  	_ =	shalt  }
0x68: {  	_ =	shalt  }
0x69: {  	_ =	shalt  }
0x6a: {  	_ =	shalt  }
0x6b: {  	_ =	shalt  }
0x6c: {  	_ =	shalt  }
0x6d: {  	_ =	shalt  }
0x6e: {  	_ =	shalt  }
0x6f: {  	_ =	shalt  }
0x70: {  	_ =	shalt  }
0x71: {  	_ =	shalt  }
0x72: {  	_ =	shalt  }
0x73: {  	_ =	shalt  }
0x74: {  	_ =	shalt  }
0x75: {  	_ =	shalt  }
0x76: {  	_ =	shalt  }
0x77: {  	_ =	shalt  }
0x78: {  	_ =	shalt  }
0x79: {  	_ =	shalt  }
0x7a: {  	_ =	shalt  }
0x7b: {  	_ =	shalt  }
0x7c: {  	_ =	shalt  }
0x7d: {  	_ =	shalt  }
0x7e: {  	_ =	shalt  }
0x7f: {  	_ =	shalt  }
0x80: {  	_ =	shalt  }
0x81: {  	_ =	shalt  }
0x82: {  	_ =	shalt  }
0x83: {  	_ =	shalt  }
0x84: {  	_ =	shalt  }
0x85: {  	_ =	shalt  }
0x86: {  	_ =	shalt  }
0x87: {  	_ =	shalt  }
.Lfunc_end0:
.L_simem_size_0:
called_computation.1_lowered:
.L_overlay_start_0:
0x88: {  	s2 =	sld [smem:$0x3FD9]  }
0x89: {  	s3 =	sld [smem:$0x3FFE];
	_ =	sdelay $0x1  }
0x8a: {  	s1 =	srdreg.scid  }
0x8b: {  	s0 =	sand.u32 $0x1, s1  }
0x8c: {  	s15 =	sshll.u32 s0, $0xA;
	s2 =	sadd.s32 s3, s2  }
0x8d: {  	s2 =	sadd.s32 s2, s15  }
0x8e: {  	[smem:$0x3FBB] =	sst s2  }
0x8f: {  	_ = 	snop  }
0x90: {  	s2 =	sld [smem:$0x3FD0];
	_ =	sdelay $0x2  }
0x91: {  	s4 =	simm.s32 $0xB;
	s16 =	simm.s32 $0x10  }
0x92: {  	[smem:s16], [sflag:s4] =	dma.local [hbm:s2], $0x1  }
0x93: {  	_ =	swait.eq [sflag:s4], $0x1  }
0x94: {  	[sflag:s4] =	ssyncset.done $0x0  }
0x95: {  	s17 =	sld [smem:$0x10];
	[sflag:s4] =	ssyncadd.s32 $0xFFFFFFFF  }
0x96: {  	s18 =	sld [smem:$0x11];
	(tm) =	ssettm $0x1  }
0x97: {  	s19 =	sld [smem:$0x3FFB];
	_ =	sdelay $0x3  }
0x98: {  	_ =	strace s19  }
0x99: {  	s2 =	sld [smem:$0x3FFC];
	_ =	sdelay $0x3  }
0x9a: {  	_ =	strace s2  }
0x9b: {  	s2 =	sld [smem:$0x3FFD];
	_ =	sdelay $0x3  }
0x9c: {  	_ =	strace s2  }
0x9d: {  	_ =	strace $0x8FFFFFFF  }
0x9e: {  	s20 =	sld [smem:$0x3FDB];
	_ =	sdelay $0x1  }
0x9f: {  	s5 =	simm.s32 $_scs_section_size  }
0xa0: {  	s6 =	simm.s32 $_size__tile_overlayer_lowered;
	s7 =	simm.s32 $_tile_overlayer_lowered  }
0xa1: {  	s8 =	simm.s32 $0x1BFF;
	s21 =	sshll.u32 s7, $0x1;
	s5 =	sadd.s32 s5, s20  }
0xa2: {  	s22 =	simm.s32 $0x0;
	s6 =	sshll.u32 s6, $0x1;
	s7 =	sadd.s32 s21, s5  }
0xa3: {  	[timem:s22], [sflag:s8] =	dma.local [hbm:s7], s6  }
0xa4: {  	_ =	swait.ge [sflag:s8], s6  }
0xa5: {  	s6 =	ssub.s32 $0x0, s6;
	[sflag:s8] =	ssyncset.done $0x0  }
0xa6: {  	[sflag:s8] =	ssyncadd.s32 s6;
	_ =	sdelay $0x1  }
0xa7: {  	s23 =	simm.s32 $0x1B8B  }
0xa8: {  	_ =	swait.ge [sflag:s23], $0x1  }
0xa9: {  	[sflag:s23] =	ssyncset.done $0x0  }
0xaa: {  	[sflag:s23] =	ssyncadd.s32 $0xFFFFFFFF  }
0xab: {  	s6 =	sld [smem:$0x0]  }
0xac: {  	s7 =	sand.u32 $0xFFFFFFFE, s1  }
0xad: {  	p0 =	sne.s32 s1, s7  }
0xae: {  	s7 =	sshll.u32 @p0 s7, $0xE  }
0xaf: {  	s7 =	sadd.s32 @p0 $0x11B8D, s7;
	s8 =	sshll.u32 @p0 s6, $0x11  }
0xb0: {  	s7 =	sor.u32 @p0 s8, s7  }
0xb1: {  	[sflag:s7] =	ssyncadd.remote.s32 @p0 $0x1;
	_ =	sdelay $0x1  }
0xb2: {  	s7 =	simm.s32 @p0 $0x1B8D  }
0xb3: {  	_ =	swait.eq @p0 [sflag:s7], $0x1  }
0xb4: {  	[sflag:s7] =	ssyncadd.s32 @p0 $0xFFFFFFFF  }
0xb5: {  	s8 =	sshll.u32 @!p0 s1, $0xE  }
0xb6: {  	s8 =	sor.u32 @!p0 $0x4000, s8;
	s7 =	simm.s32 @!p0 $0x1B8D  }
0xb7: {  	s6 =	sshll.u32 @!p0 s6, $0x11;
	s8 =	sadd.s32 @!p0 $0x11B8D, s8;
	_ =	swait.eq @!p0 [sflag:s7], $0x1  }
0xb8: {  	s6 =	sor.u32 @!p0 s6, s8;
	[sflag:s7] =	ssyncadd.s32 @!p0 $0xFFFFFFFF  }
0xb9: {  	s25 =	simm.s32 $0x1B8E;
	s24 =	sld [smem:$0x3FFE];
	[sflag:s6] =	ssyncadd.remote.s32 @!p0 $0x1  }
0xba: {  	s26 =	simm.s32 $execute0_lowered;
	[smem:$0x3FD2] =	sst s25  }
0xbb: {  	s7 =	sshll.u32 s26, $0x1;
	_ =	strace $0x80000049;
	[dreg:$0x1] =	wrdreg $0xFFFFFFFF  }
0xbc: {  	s28 =	simm.s32 $_size_execute0_lowered;
	s5 =	sadd.s32 s5, s7;
	[dreg:$0x0] =	wrdreg $0x0  }
0xbd: {  	s7 =	sshll.u32 s28, $0x1;
	[dreg:$0x2] =	wrdreg s5  }
0xbe: {  	[dreg:$0x3] =	wrdreg s7  }
0xbf: {  	[dreg:$0x4] =	wrdreg $0xC0  }
0xc0: {  	_ =	task [dreg:s22], $0x5FFFF  }
0xc1: {  	[dreg:$0x1] =	wrdreg $0xFFFFFFFF  }
0xc2: {  	[dreg:$0x0] =	wrdreg $0x60  }
0xc3: {  	[dreg:$0x2] =	wrdreg s24  }
0xc4: {  	[dreg:$0x3] =	wrdreg s17  }
0xc5: {  	[dreg:$0x4] =	wrdreg s18  }
0xc6: {  	[dreg:$0x5] =	wrdreg $0x0  }
0xc7: {  	[dreg:$0x6] =	wrdreg $0xA  }
0xc8: {  	_ =	task.clear_ibuf [dreg:s22], $0x7FFFF;
	_ =	strace $0x90000049  }
0xc9: {  	s29 =	simm.s32 $0xA;
	_ =	strace $0x8000004B  }
0xca: {  	_ =	swait.ge [sflag:s29], $0x1  }
0xcb: {  	[sflag:s29] =	ssyncadd.s32 $0xFFFFFFFF  }
0xcc: {  	_ =	strace $0x9000004B  }
0xcd: {  	_ =	sfence  }
0xce: {  	s30 =	sld [smem:$0x0];
	_ =	sdelay $0x2  }
0xcf: {  	s31 =	sshll.u32 s1, $0xD;
	s1 =	sshrl.u32 s1, $0x2  }
0xd0: {  	s4 =	sand.u32 $0x4000, s31;
	s1 =	sadd.s32 s1, s30  }
0xd1: {  	s0 =	sor.u32 s4, s0;
	s1 =	sshll.u32 s1, $0x11  }
0xd2: {  	s0 =	sor.u32 s1, s0  }
0xd3: {  	s0 =	sadd.s32 $0x8F2B, s0  }
0xd4: {  	[sflag:s0] =	ssyncadd.remote.s32 $0x1  }
0xd5: {  	_ =	sfence.sel $0xFFFF  }
0xd6: {  	[dreg:$0x0] =	wrdreg $0xFFFFFFFF;
	(pc) =	sbr.abs _section_cstart, $3  }
0xd7: {  	[dreg:$0x1] =	wrdreg $0xFFFFFFFF  }
0xd8: {  	_ =	task.clear_ibuf [dreg:s22], $0x2FFFF;
	_ =	strace $0x9FFFFFFF  }
0xd9: {  	(tm) =	ssettm $0x7FFFFFFF  }
tec
execute0_lowered:
.L_overlay_start_1:
0x0: {  	(tag) =	ssettag $0x1  }
0x1: {  	s0 =	rddreg [dreg:$0x0]  }
0x2: {  	s1 =	rddreg [dreg:$0x1]  }
0x3: {  	s3 =	rddreg [dreg:$0x2]  }
0x4: {  	s2 =	rddreg [dreg:$0x3];
	s4 =	simm.s32 $0x0;
	s5 =	srdreg.scid  }
0x5: {  	s15 =	stileid.u32;
	s16 =	simm.s32 $0x7;
	s28 =	simm.s32 $0x1AC00  }
0x6: {  	s29 =	simm.s32 $0x1;
	s30 =	simm.s32 $0x5;
	s8 =	smul.u32 $0x14000, s15  }
0x7: {  	s31 =	simm.s32 $0x2;
	[smem:$0x7FF] =	sst s4;
	s18 =	smul.u32 $0x2C00, s15  }
0x8: {  	s6 =	sand.u32 $0x1, s5;
	s5 =	sadd.s32 $0xD000, s0;
	s11 =	smul.u32 $0x50000, s15  }
0x9: {  	s9 =	sadd.s32 $0x5D000, s0;
	s26 =	sshll.u32 s15, $0x6;
	s7 =	smul.u32 $0x140000, s6  }
0xa: {  	_ =	strace $0x8000004A;
	[dreg:$0x5] =	wrdreg s9;
	s19 =	ssub.s32 $0x2, s6  }
0xb: {  	s6 =	smul.u32 $0x2C000, s6;
	s17 =	sor.u32 $0x1C07, s26;
	s26 =	simm.s32 $0x4  }
0xc: {  	s10 =	sshrl.u32 s19, $0x1;
	s20 =	sshrl.u32 s18, $0x3;
	s21 =	sshrl.u32 s11, $0x2  }
0xd: {  	s7 =	sadd.s32 s8, s7;
	s8 =	ssub.s32 s19, s10;
	s3 =	sadd.s32 s3, s20  }
0xe: {  	s23 =	sadd.s32 s21, s2;
	s19 =	simm.s32 $0x1EC00;
	s20 =	simm.s32 $0x1EC80  }
0xf: {  	s21 =	simm.s32 $0x1ED00;
	s7 =	sshrl.u32 s7, $0x3;
	[dreg:$0x6] =	wrdreg s3  }
0x10: {  	s14 =	smax.u32 s8, $0x1;
	s0 =	sadd.s32 s7, s0;
	s7 =	sadd.s32 s18, s6  }
0x11: {  	s3 =	simm.s32 $0x0;
	s18 =	sshrl.u32 s23, $0x3;
	s22 =	sshrl.u32 s7, $0x3  }
0x12: {  	s23 =	simm.s32 $0x3;
	s13 =	sadd.s32 $0x5F800, s0;
	s9 =	sadd.s32 s1, s22  }
0x13: {  	s0 =	simm.s32 $0x6;
	s22 =	simm.s32 $0x1ED80;
	s24 =	sadd.s32 $0x10, s9  }
0x14: {  	s25 =	sadd.s32 $0x20, s9;
	s12 =	sadd.s32 $0x30, s9;
	[dreg:$0x7] =	wrdreg s24  }
0x15: {  	[dreg:$0x8] =	wrdreg s25;
	s24 =	simm.s32 $0x80;
	s25 =	simm.s32 $0x16C00  }
.LBB2_1:
0x16: {  	s6 =	rddreg [dreg:$0x6];
	s8 =	simm.s32 $0x14000  }
0x17: {  	[tilespmem:s8], [sflag:$0x7] =	stream.linear.gather [hbm4b:s6+s4], $0x2A00, $0x38;
	[tilespmem:$0x1EE00] =	vst v63  }
0x18: {  	_ =	swait.ge [sflag:s16], $0x2A00  }
0x19: {  	[sflag:s16] =	ssyncset.done $0x0  }
0x1a: {  	s11 =	rddreg [dreg:$0x5];
	[sflag:s16] =	ssyncadd.s32 $0xFFFFD600  }
0x1b: {  	[spmem:s18], [sflag:s17] =	dma.local [hbm:s11], $0x2800  }
0x1c: {  	_ =	swait.ge [sflag:s16], $0x2800  }
0x1d: {  	[sflag:s16] =	ssyncset.done $0x0  }
0x1e: {  	[sflag:s16] =	ssyncadd.s32 $0xFFFFD800  }
0x1f: {  	[bflag:$0x0] =	sbarrier.arrive $0xFFFF  }
0x20: {  	[tilespmem:s19], [sflag:$0x3] =	stream.linear.gather [hbm4b:s9+s4], $0x80, $0x38;
	[tilespmem:$0x1EE00] =	vst v63  }
0x21: {  	s15 =	rddreg [dreg:$0x7]  }
0x22: {  	[tilespmem:s20], [sflag:$0x4] =	stream.linear.gather [hbm4b:s15+s4], $0x80, $0x38;
	[tilespmem:$0x1EE00] =	vst v63  }
0x23: {  	s8 =	rddreg [dreg:$0x8]  }
0x24: {  	[tilespmem:s21], [sflag:$0x5] =	stream.linear.gather [hbm4b:s8+s4], $0x80, $0x38;
	[tilespmem:$0x1EE00] =	vst v63  }
0x25: {  	_ = 	snop  }
0x26: {  	[tilespmem:s22], [sflag:$0x6] =	stream.linear.gather [hbm4b:s12+s4], $0x80, $0x38;
	[tilespmem:$0x1EE00] =	vst v63  }
0x27: {  	_ =	swait.ge [sflag:s23], $0x80  }
0x28: {  	[sflag:s23] =	ssyncset.done $0x0  }
0x29: {  	[sflag:s23] =	ssyncadd.s32 $0xFFFFFF80  }
0x2a: {  	[tilespmem:s25], [sflag:$0x1] =	stream.indirect.gather [hbm4b:s5+s24], $0x80, s19, s24, $0xb8;
	[tilespmem:$0x1EE00] =	vst v63  }
0x2b: {  	_ =	swait.ge [sflag:s26], $0x80  }
0x2c: {  	[sflag:s26] =	ssyncset.done $0x0  }
0x2d: {  	[sflag:s26] =	ssyncadd.s32 $0xFFFFFF80  }
0x2e: {  	[tilespmem:s28], [sflag:$0x2] =	stream.indirect.gather [hbm4b:s5+s24], $0x80, s20, s24, $0xb8;
	[tilespmem:$0x1EE00] =	vst v63  }
0x2f: {  	_ =	swait.ge [sflag:s29], $0x4000  }
0x30: {  	[sflag:s29] =	ssyncset.done $0x0  }
0x31: {  	s10 =	simm.s32 $0x14000;
	[sflag:s29] =	ssyncadd.s32 $0xFFFFC000  }
0x32: {  	[spmem:s2] =	stream.indirect.scatter.add.f32 [tilespmem:s25], [sflag:$0x7], $0x80, s10, s24, $0xb8;
	[tilespmem:$0x1EE00] =	vst v63  }
0x33: {  	_ =	swait.ge [sflag:s16], $0x4000  }
0x34: {  	s11 =	simm.s32 $0x200;
	[sflag:s16] =	ssyncset.done $0x0  }
0x35: {  	s15 =	sand.u32 $0x7C00, s11;
	[sflag:s16] =	ssyncadd.s32 $0xFFFFC000  }
0x36: {  	s6 =	sand.u32 $0x200, s11;
	s8 =	sadd.s32 s7, s15;
	_ =	swait.ge [sflag:s30], $0x80  }
0x37: {  	s6 =	sor.u32 s6, s8;
	[sflag:s30] =	ssyncset.done $0x0  }
0x38: {  	s6 =	sshrl.u32 s6, $0x3;
	[sflag:s30] =	ssyncadd.s32 $0xFFFFFF80  }
0x39: {  	[tilespmem:s25], [sflag:$0x1] =	stream.indirect.gather [hbm4b:s5+s24], $0x80, s21, s24, $0xb8;
	[tilespmem:$0x1EE00] =	vst v63  }
0x3a: {  	s6 =	sadd.s32 s1, s6  }
0x3b: {  	[tilespmem:s19], [sflag:$0x3] =	stream.linear.gather [hbm4b:s6+s4], $0x80, $0x38;
	[tilespmem:$0x1EE00] =	vst v63  }
0x3c: {  	_ =	swait.ge [sflag:s31], $0x4000  }
0x3d: {  	[sflag:s31] =	ssyncset.done $0x0  }
0x3e: {  	s10 =	simm.s32 $0x14080;
	[sflag:s31] =	ssyncadd.s32 $0xFFFFC000  }
0x3f: {  	[spmem:s2] =	stream.indirect.scatter.add.f32 [tilespmem:s28], [sflag:$0x7], $0x80, s10, s24, $0xb8;
	[tilespmem:$0x1EE00] =	vst v63  }
0x40: {  	_ =	swait.ge [sflag:s16], $0x4000  }
0x41: {  	s11 =	simm.s32 $0x280;
	[sflag:s16] =	ssyncset.done $0x0  }
0x42: {  	s15 =	sand.u32 $0x7C00, s11;
	[sflag:s16] =	ssyncadd.s32 $0xFFFFC000  }
0x43: {  	s8 =	sadd.s32 s7, s15;
	s6 =	sand.u32 $0x280, s11;
	_ =	swait.ge [sflag:s0], $0x80  }
0x44: {  	s6 =	sor.u32 s6, s8;
	[sflag:s0] =	ssyncset.done $0x0  }
0x45: {  	s6 =	sshrl.u32 s6, $0x3;
	[sflag:s0] =	ssyncadd.s32 $0xFFFFFF80  }
0x46: {  	[tilespmem:s28], [sflag:$0x2] =	stream.indirect.gather [hbm4b:s5+s24], $0x80, s22, s24, $0xb8;
	[tilespmem:$0x1EE00] =	vst v63  }
0x47: {  	s6 =	sadd.s32 s1, s6  }
0x48: {  	[tilespmem:s20], [sflag:$0x4] =	stream.linear.gather [hbm4b:s6+s4], $0x80, $0x38;
	[tilespmem:$0x1EE00] =	vst v63  }
0x49: {  	_ =	swait.ge [sflag:s29], $0x4000  }
0x4a: {  	[sflag:s29] =	ssyncset.done $0x0  }
0x4b: {  	s10 =	simm.s32 $0x14100;
	[sflag:s29] =	ssyncadd.s32 $0xFFFFC000  }
0x4c: {  	[spmem:s2] =	stream.indirect.scatter.add.f32 [tilespmem:s25], [sflag:$0x7], $0x80, s10, s24, $0xb8;
	[tilespmem:$0x1EE00] =	vst v63  }
0x4d: {  	_ =	swait.ge [sflag:s16], $0x4000  }
0x4e: {  	s11 =	simm.s32 $0x300;
	[sflag:s16] =	ssyncset.done $0x0  }
0x4f: {  	s15 =	sand.u32 $0x7C00, s11;
	[sflag:s16] =	ssyncadd.s32 $0xFFFFC000  }
0x50: {  	s8 =	sadd.s32 s7, s15;
	s6 =	sand.u32 $0x300, s11;
	_ =	swait.ge [sflag:s23], $0x80  }
0x51: {  	s6 =	sor.u32 s6, s8;
	[sflag:s23] =	ssyncset.done $0x0  }
0x52: {  	s6 =	sshrl.u32 s6, $0x3;
	[sflag:s23] =	ssyncadd.s32 $0xFFFFFF80  }
0x53: {  	[tilespmem:s25], [sflag:$0x1] =	stream.indirect.gather [hbm4b:s5+s24], $0x80, s19, s24, $0xb8;
	[tilespmem:$0x1EE00] =	vst v63  }
0x54: {  	s6 =	sadd.s32 s1, s6  }
0x55: {  	[tilespmem:s21], [sflag:$0x5] =	stream.linear.gather [hbm4b:s6+s4], $0x80, $0x38;
	[tilespmem:$0x1EE00] =	vst v63  }
0x56: {  	_ =	swait.ge [sflag:s31], $0x4000  }
0x57: {  	[sflag:s31] =	ssyncset.done $0x0  }
0x58: {  	s15 =	simm.s32 $0x14180;
	[sflag:s31] =	ssyncadd.s32 $0xFFFFC000  }
0x59: {  	[spmem:s2] =	stream.indirect.scatter.add.f32 [tilespmem:s28], [sflag:$0x7], $0x80, s15, s24, $0xb8;
	[tilespmem:$0x1EE00] =	vst v63  }
0x5a: {  	_ =	swait.ge [sflag:s16], $0x4000  }
0x5b: {  	s10 =	simm.s32 $0x380;
	[sflag:s16] =	ssyncset.done $0x0  }
0x5c: {  	s11 =	sand.u32 $0x7C00, s10;
	[sflag:s16] =	ssyncadd.s32 $0xFFFFC000  }
0x5d: {  	s8 =	sadd.s32 s7, s11;
	s6 =	sand.u32 $0x380, s10;
	_ =	swait.ge [sflag:s26], $0x80  }
0x5e: {  	s8 =	sor.u32 s6, s8;
	[sflag:s26] =	ssyncset.done $0x0  }
0x5f: {  	s6 =	simm.s32 $0x580;
	s8 =	sshrl.u32 s8, $0x3;
	[sflag:s26] =	ssyncadd.s32 $0xFFFFFF80  }
0x60: {  	[tilespmem:s28], [sflag:$0x2] =	stream.indirect.gather [hbm4b:s5+s24], $0x80, s20, s24, $0xb8;
	[tilespmem:$0x1EE00] =	vst v63  }
.LBB2_2:
0x61: {  	p0 =	sne.s32 s6, $0x2980;
	s8 =	sadd.s32 s1, s8;
	s15 =	sadd.s32 $0x200, s15  }
0x62: {  	[tilespmem:s22], [sflag:$0x6] =	stream.linear.gather [hbm4b:s8+s4], $0x80, $0x38;
	[tilespmem:$0x1EE00] =	vst v63  }
0x63: {  	s8 =	smov.u32 s6;
	s6 =	sadd.s32 $0x200, s6;
	_ =	swait.ge [sflag:s29], $0x4000  }
0x64: {  	s10 =	sadd.s32 $0xFFFFFE80, s15;
	[sflag:s29] =	ssyncset.done $0x0  }
0x65: {  	[sflag:s29] =	ssyncadd.s32 $0xFFFFC000  }
0x66: {  	[spmem:s2] =	stream.indirect.scatter.add.f32 [tilespmem:s25], [sflag:$0x7], $0x80, s10, s24, $0xb8;
	[tilespmem:$0x1EE00] =	vst v63  }
0x67: {  	_ =	swait.ge [sflag:s16], $0x4000  }
0x68: {  	s10 =	sadd.s32 $0xFFFFFE80, s8;
	[sflag:s16] =	ssyncset.done $0x0  }
0x69: {  	s11 =	sand.u32 $0x7C00, s10;
	s10 =	sand.u32 $0x200, s10;
	[sflag:s16] =	ssyncadd.s32 $0xFFFFC000  }
0x6a: {  	s11 =	sadd.s32 s7, s11;
	_ =	swait.ge [sflag:s30], $0x80  }
0x6b: {  	s10 =	sor.u32 s10, s11;
	[sflag:s30] =	ssyncset.done $0x0  }
0x6c: {  	s10 =	sshrl.u32 s10, $0x3;
	[sflag:s30] =	ssyncadd.s32 $0xFFFFFF80  }
0x6d: {  	[tilespmem:s25], [sflag:$0x1] =	stream.indirect.gather [hbm4b:s5+s24], $0x80, s21, s24, $0xb8;
	[tilespmem:$0x1EE00] =	vst v63  }
0x6e: {  	s10 =	sadd.s32 s1, s10  }
0x6f: {  	[tilespmem:s19], [sflag:$0x3] =	stream.linear.gather [hbm4b:s10+s4], $0x80, $0x38;
	[tilespmem:$0x1EE00] =	vst v63  }
0x70: {  	_ =	swait.ge [sflag:s31], $0x4000  }
0x71: {  	s10 =	sadd.s32 $0xFFFFFF00, s15;
	[sflag:s31] =	ssyncset.done $0x0  }
0x72: {  	[sflag:s31] =	ssyncadd.s32 $0xFFFFC000  }
0x73: {  	[spmem:s2] =	stream.indirect.scatter.add.f32 [tilespmem:s28], [sflag:$0x7], $0x80, s10, s24, $0xb8;
	[tilespmem:$0x1EE00] =	vst v63  }
0x74: {  	_ =	swait.ge [sflag:s16], $0x4000  }
0x75: {  	s10 =	sadd.s32 $0xFFFFFF00, s8;
	[sflag:s16] =	ssyncset.done $0x0  }
0x76: {  	s11 =	sand.u32 $0x7C00, s10;
	s10 =	sand.u32 $0x280, s10;
	[sflag:s16] =	ssyncadd.s32 $0xFFFFC000  }
0x77: {  	s11 =	sadd.s32 s7, s11;
	_ =	swait.ge [sflag:s0], $0x80  }
0x78: {  	s10 =	sor.u32 s10, s11;
	[sflag:s0] =	ssyncset.done $0x0  }
0x79: {  	s10 =	sshrl.u32 s10, $0x3;
	[sflag:s0] =	ssyncadd.s32 $0xFFFFFF80  }
0x7a: {  	[tilespmem:s28], [sflag:$0x2] =	stream.indirect.gather [hbm4b:s5+s24], $0x80, s22, s24, $0xb8;
	[tilespmem:$0x1EE00] =	vst v63  }
0x7b: {  	s10 =	sadd.s32 s1, s10  }
0x7c: {  	[tilespmem:s20], [sflag:$0x4] =	stream.linear.gather [hbm4b:s10+s4], $0x80, $0x38;
	[tilespmem:$0x1EE00] =	vst v63  }
0x7d: {  	_ =	swait.ge [sflag:s29], $0x4000  }
0x7e: {  	s10 =	sadd.s32 $0xFFFFFF80, s15;
	[sflag:s29] =	ssyncset.done $0x0  }
0x7f: {  	[sflag:s29] =	ssyncadd.s32 $0xFFFFC000  }
0x80: {  	[spmem:s2] =	stream.indirect.scatter.add.f32 [tilespmem:s25], [sflag:$0x7], $0x80, s10, s24, $0xb8;
	[tilespmem:$0x1EE00] =	vst v63  }
0x81: {  	_ =	swait.ge [sflag:s16], $0x4000  }
0x82: {  	s10 =	sadd.s32 $0xFFFFFF80, s8;
	[sflag:s16] =	ssyncset.done $0x0  }
0x83: {  	s11 =	sand.u32 $0x7C00, s10;
	[sflag:s16] =	ssyncadd.s32 $0xFFFFC000  }
0x84: {  	s10 =	sand.u32 $0x300, s10;
	s11 =	sadd.s32 s7, s11;
	_ =	swait.ge [sflag:s23], $0x80  }
0x85: {  	s10 =	sor.u32 s10, s11;
	[sflag:s23] =	ssyncset.done $0x0  }
0x86: {  	s10 =	sshrl.u32 s10, $0x3;
	[sflag:s23] =	ssyncadd.s32 $0xFFFFFF80  }
0x87: {  	[tilespmem:s25], [sflag:$0x1] =	stream.indirect.gather [hbm4b:s5+s24], $0x80, s19, s24, $0xb8;
	[tilespmem:$0x1EE00] =	vst v63  }
0x88: {  	s10 =	sadd.s32 s1, s10  }
0x89: {  	[tilespmem:s21], [sflag:$0x5] =	stream.linear.gather [hbm4b:s10+s4], $0x80, $0x38;
	[tilespmem:$0x1EE00] =	vst v63  }
0x8a: {  	_ =	swait.ge [sflag:s31], $0x4000  }
0x8b: {  	[sflag:s31] =	ssyncset.done $0x0  }
0x8c: {  	[sflag:s31] =	ssyncadd.s32 $0xFFFFC000  }
0x8d: {  	[spmem:s2] =	stream.indirect.scatter.add.f32 [tilespmem:s28], [sflag:$0x7], $0x80, s15, s24, $0xb8;
	[tilespmem:$0x1EE00] =	vst v63  }
0x8e: {  	_ =	swait.ge [sflag:s16], $0x4000  }
0x8f: {  	[sflag:s16] =	ssyncset.done $0x0  }
.Ltmp0:
0x90: {  	s10 =	sand.u32 $0x7C00, s8;
	[sflag:s16] =	ssyncadd.s32 $0xFFFFC000;
	(pc) =	sbr.rel @p0 .LBB2_2-.Ltmp0, $4  }
0x91: {  	s8 =	sand.u32 $0x380, s8;
	s10 =	sadd.s32 s7, s10;
	_ =	swait.ge [sflag:s26], $0x80  }
0x92: {  	s8 =	sor.u32 s8, s10;
	[sflag:s26] =	ssyncset.done $0x0  }
0x93: {  	s8 =	sshrl.u32 s8, $0x3;
	[sflag:s26] =	ssyncadd.s32 $0xFFFFFF80  }
0x94: {  	[tilespmem:s28], [sflag:$0x2] =	stream.indirect.gather [hbm4b:s5+s24], $0x80, s20, s24, $0xb8;
	[tilespmem:$0x1EE00] =	vst v63  }
0x95: {  	s6 =	sadd.s32 s1, s8  }
0x96: {  	[tilespmem:s22], [sflag:$0x6] =	stream.linear.gather [hbm4b:s6+s4], $0x80, $0x38;
	[tilespmem:$0x1EE00] =	vst v63  }
0x97: {  	_ =	swait.ge [sflag:s29], $0x4000  }
0x98: {  	[sflag:s29] =	ssyncset.done $0x0  }
0x99: {  	[sflag:s29] =	ssyncadd.s32 $0xFFFFC000  }
0x9a: {  	_ =	swait.ge [sflag:s31], $0x4000  }
0x9b: {  	[sflag:s31] =	ssyncset.done $0x0  }
0x9c: {  	[sflag:s31] =	ssyncadd.s32 $0xFFFFC000  }
0x9d: {  	_ =	swait.ge [sflag:s30], $0x80  }
0x9e: {  	[sflag:s30] =	ssyncset.done $0x0  }
0x9f: {  	[sflag:s30] =	ssyncadd.s32 $0xFFFFFF80  }
0xa0: {  	_ =	swait.ge [sflag:s0], $0x80  }
0xa1: {  	s3 =	sadd.s32 $0x1, s3;
	[sflag:s0] =	ssyncset.done $0x0  }
0xa2: {  	p0 =	sne.s32 s3, s14;
	[sflag:s0] =	ssyncadd.s32 $0xFFFFFF80  }
.Ltmp1:
0xa3: {  	[bflag:$0x0] =	sbarrier.arrive $0xFFFF;
	(pc) =	sbr.rel @p0 .LBB2_1-.Ltmp1, $4  }
0xa4: {  	[hbm:s13], [sflag:s17] =	dma.local [spmem:s18], $0x2800  }
0xa5: {  	_ =	swait.ge [sflag:s16], $0x2800  }
0xa6: {  	[sflag:s16] =	ssyncset.done $0x0  }
0xa7: {  	[sflag:s16] =	ssyncadd.s32 $0xFFFFD800  }
0xa8: {  	_ =	sfence.sel $0x180000  }
0xa9: {  	[bflag:$0x0] =	sbarrier.arrive $0xFFFF  }
0xaa: {  	_ =	strace $0x9000004A  }
0xab: {  	s0 =	stileid.u32;
	[bflag:$0x2] =	sbarrier.arrive $0xFFFF  }
0xac: {  	p0 =	sne.s32 s0, $0x0;
	s0 =	rddreg [dreg:$0x4]  }
0xad: {  	s0 =	sadd.s32 @!p0 $0x100000, s0  }
0xae: {  	[sflag:s0] =	ssyncadd.tile.s32 @!p0 $0x1;
	_ =	shalt  }
.Lfunc_end2:
_tile_overlayer_lowered:
.L_overlay_start_2:
0xaf: {  	(tag) =	ssettag $0x2  }
0xb0: {  	s0 =	rddreg [dreg:$0x0];
	s2 =	stileid.u32  }
0xb1: {  	s1 =	rddreg [dreg:$0x1];
	p0 =	sne.s32 s2, $0x0  }
0xb2: {  	s3 =	rddreg [dreg:$0x2];
	[bflag:$0x3] =	sbarrier.arrive $0xFFFF;
	s2 =	simm.s32 @!p0 $0x1C07  }
0xb3: {  	[timem:s3], [sflag:s2] =	dma.local @!p0 [hbm:s0], s1  }
0xb4: {  	s0 =	simm.s32 @!p0 $0x7  }
0xb5: {  	_ =	swait.ge @!p0 [sflag:s0], s1  }
0xb6: {  	s1 =	ssub.s32 @!p0 $0x0, s1;
	[sflag:s0] =	ssyncset.done @!p0 $0x0  }
0xb7: {  	[sflag:s0] =	ssyncadd.s32 @!p0 s1  }
0xb8: {  	[bflag:$0x3] =	sbarrier.arrive $0xFFFF  }
0xb9: {  	_ =	shalt  }

// kernel: kernel.15.cloned.1.call-start
scs
__scs_entry_jumppad:
0x0: {  	(pc) =	sbr.rel $0x88, $3  }
0x1: {  	(tag) =	ssettag $0x0;
	lr =	simm.s32 $0x1  }
0x2: {  	[smem:$0x3F94] =	sst lr;
	_ =	strace $0xD0000000  }
0x3: {  	_ = 	snop  }
0x4: {  	_ = 	snop  }
0x5: {  	_ = 	snop  }
0x6: {  	_ = 	snop  }
0x7: {  	_ = 	snop  }
__scs_overlays_trampoline_lowered:
0x8: {  	[smem:$0x3FA3] =	sst s0  }
0x9: {  	[smem:$0x3FA4] =	sst s1  }
0xa: {  	[smem:$0x3FA5] =	sst s2  }
0xb: {  	[smem:$0x3FA6] =	sst s3  }
0xc: {  	[smem:$0x3FA7] =	sst s4  }
0xd: {  	[smem:$0x3FA8] =	sst s5  }
0xe: {  	[smem:$0x3FA9] =	sst s6  }
0xf: {  	[smem:$0x3FAA] =	sst s7  }
0x10: {  	[smem:$0x3FAB] =	sst s8  }
0x11: {  	[smem:$0x3FAC] =	sst s9;
	s0 =	simm.s32 @!p0 $0x0  }
0x12: {  	s1 =	sld [smem:$0x3F92];
	s0 =	simm.s32 @p0 $0x1  }
0x13: {  	[smem:$0x3FAD] =	sst s0;
	s0 =	simm.s32 @!p1 $0x0  }
0x14: {  	s2 =	sld [smem:$0x3F91];
	s0 =	simm.s32 @p1 $0x1  }
0x15: {  	[smem:$0x3FAE] =	sst s0;
	s0 =	simm.s32 @!p2 $0x0  }
0x16: {  	s3 =	sld [smem:$0x3FDB];
	s0 =	simm.s32 @p2 $0x1  }
0x17: {  	s4 =	simm.s32 $0x1BF5;
	[smem:$0x3FB0] =	sst s0  }
0x18: {  	s0 =	sld [smem:$0x3F93];
	_ =	swait.ge [sflag:s4], $0x0  }
0x19: {  	s7 =	sld [smem:$0x3F94]  }
0x1a: {  	s8 =	sadd.s32 $0xFFFFE003, lr  }
0x1b: {  	s9 =	sadd.s32 $0xFFFFFEF7, lr;
	s5 =	simm.s32 $0xFFFFFFFF;
	p2 =	slt.u32 s8, $0xFFFFF086  }
0x1c: {  	p1 =	slt.u32 s9, $0xF7A;
	s5 =	simm.s32 @!p2 $0x0  }
0x1d: {  	s5 =	simm.s32 @p1 $0x1;
	p0 =	seq.s32 s7, s2  }
0x1e: {  	s7 =	smul.u32 @!p0 $0xF7A, s2;
	p2 =	seq.s32 @!p0 s5, $0x0  }
0x1f: {  	s9 =	smul.u32 $0xF7A, s1;
	s8 =	simm.s32 @!p0 $0x1BF5;
	p2 =	por !p2, p0  }
0x20: {  	[sflag:s8] =	ssyncset.s32 @!p0 $0xFFFFF086;
	s6 =	sadd.s32 @!p0 s3, s7;
	s7 =	simm.s32 @!p0 $0x108  }
0x21: {  	s3 =	sadd.s32 s3, s9;
	s6 =	sadd.s32 @!p0 $0x88, s6;
	s7 =	simm.s32 @p2 $0x1082  }
0x22: {  	[simem:s7], [sflag:s8] =	dma.local @!p0 [hbm:s6], $0xF7A  }
0x23: {  	s9 =	sor.u32 $0xD0000000, s2;
	s6 =	simm.s32 $0x108;
	_ =	swait.ge @!p0 [sflag:s8], $0x0  }
0x24: {  	s3 =	sadd.s32 $0x88, s3;
	s6 =	simm.s32 @!p1 $0x1082;
	[sflag:s4] =	ssyncset.s32 $0xFFFFF086  }
0x25: {  	[simem:s6], [sflag:s4] =	dma.local [hbm:s3], $0xF7A  }
0x26: {  	[smem:$0x3F94] =	sst s1;
	(tag) =	ssettag s2;
	_ =	strace s9  }
0x27: {  	s1 =	sld [smem:$0x3FA4]  }
0x28: {  	s2 =	sld [smem:$0x3FA5]  }
0x29: {  	s4 =	sld [smem:$0x3FA7]  }
0x2a: {  	p0 =	seq.s32 s5, $0x0;
	s5 =	sld [smem:$0x3FA8]  }
0x2b: {  	s6 =	sld [smem:$0x3FA9]  }
0x2c: {  	s7 =	sld [smem:$0x3FAA]  }
0x2d: {  	s3 =	simm.s32 $0x108;
	s8 =	sld [smem:$0x3FAB]  }
0x2e: {  	s3 =	simm.s32 @!p0 $0x1082;
	s9 =	sld [smem:$0x3FAC]  }
0x2f: {  	lr =	sadd.s32 s0, s3;
	s0 =	sld [smem:$0x3FA3]  }
0x30: {  	s3 =	sld [smem:$0x3FA6]  }
0x31: {  	[smem:$0x3FAF] =	sst s10  }
0x32: {  	s10 =	sld [smem:$0x3FAD];
	_ =	sdelay $0x3  }
0x33: {  	p0 =	seq.s32 s10, $0x1;
	s10 =	sld [smem:$0x3FAF];
	_ =	sdelay $0x3  }
0x34: {  	[smem:$0x3FAF] =	sst s10  }
0x35: {  	s10 =	sld [smem:$0x3FAE];
	_ =	sdelay $0x3  }
0x36: {  	p1 =	seq.s32 s10, $0x1;
	s10 =	sld [smem:$0x3FAF];
	_ =	sdelay $0x3  }
0x37: {  	[smem:$0x3FAF] =	sst s10  }
0x38: {  	s10 =	sld [smem:$0x3FB0]  }
0x39: {  	_ = 	snop;
	(pc) =	sbr.ind lr, $3  }
0x3a: {  	_ = 	snop  }
0x3b: {  	_ = 	snop  }
0x3c: {  	p2 =	seq.s32 s10, $0x1;
	s10 =	sld [smem:$0x3FAF]  }
0x3d: {  	_ =	shalt  }
0x3e: {  	_ =	shalt  }
0x3f: {  	_ =	shalt  }
0x40: {  	_ =	shalt  }
0x41: {  	_ =	shalt  }
0x42: {  	_ =	shalt  }
0x43: {  	_ =	shalt  }
0x44: {  	_ =	shalt  }
0x45: {  	_ =	shalt  }
0x46: {  	_ =	shalt  }
0x47: {  	_ =	shalt  }
0x48: {  	_ =	shalt  }
0x49: {  	_ =	shalt  }
0x4a: {  	_ =	shalt  }
0x4b: {  	_ =	shalt  }
0x4c: {  	_ =	shalt  }
0x4d: {  	_ =	shalt  }
0x4e: {  	_ =	shalt  }
0x4f: {  	_ =	shalt  }
0x50: {  	_ =	shalt  }
0x51: {  	_ =	shalt  }
0x52: {  	_ =	shalt  }
0x53: {  	_ =	shalt  }
0x54: {  	_ =	shalt  }
0x55: {  	_ =	shalt  }
0x56: {  	_ =	shalt  }
0x57: {  	_ =	shalt  }
0x58: {  	_ =	shalt  }
0x59: {  	_ =	shalt  }
0x5a: {  	_ =	shalt  }
0x5b: {  	_ =	shalt  }
0x5c: {  	_ =	shalt  }
0x5d: {  	_ =	shalt  }
0x5e: {  	_ =	shalt  }
0x5f: {  	_ =	shalt  }
0x60: {  	_ =	shalt  }
0x61: {  	_ =	shalt  }
0x62: {  	_ =	shalt  }
0x63: {  	_ =	shalt  }
0x64: {  	_ =	shalt  }
0x65: {  	_ =	shalt  }
0x66: {  	_ =	shalt  }
0x67: {  	_ =	shalt  }
0x68: {  	_ =	shalt  }
0x69: {  	_ =	shalt  }
0x6a: {  	_ =	shalt  }
0x6b: {  	_ =	shalt  }
0x6c: {  	_ =	shalt  }
0x6d: {  	_ =	shalt  }
0x6e: {  	_ =	shalt  }
0x6f: {  	_ =	shalt  }
0x70: {  	_ =	shalt  }
0x71: {  	_ =	shalt  }
0x72: {  	_ =	shalt  }
0x73: {  	_ =	shalt  }
0x74: {  	_ =	shalt  }
0x75: {  	_ =	shalt  }
0x76: {  	_ =	shalt  }
0x77: {  	_ =	shalt  }
0x78: {  	_ =	shalt  }
0x79: {  	_ =	shalt  }
0x7a: {  	_ =	shalt  }
0x7b: {  	_ =	shalt  }
0x7c: {  	_ =	shalt  }
0x7d: {  	_ =	shalt  }
0x7e: {  	_ =	shalt  }
0x7f: {  	_ =	shalt  }
0x80: {  	_ =	shalt  }
0x81: {  	_ =	shalt  }
0x82: {  	_ =	shalt  }
0x83: {  	_ =	shalt  }
0x84: {  	_ =	shalt  }
0x85: {  	_ =	shalt  }
0x86: {  	_ =	shalt  }
0x87: {  	_ =	shalt  }
.Lfunc_end0:
.L_simem_size_0:
called_computation.2_lowered:
.L_overlay_start_0:
0x88: {  	s2 =	sld [smem:$0x3FD9]  }
0x89: {  	s3 =	sld [smem:$0x3FFE];
	_ =	sdelay $0x1  }
0x8a: {  	s1 =	srdreg.scid  }
0x8b: {  	s0 =	sand.u32 $0x1, s1  }
0x8c: {  	s14 =	sshll.u32 s0, $0xA;
	s2 =	sadd.s32 s3, s2  }
0x8d: {  	s2 =	sadd.s32 s2, s14  }
0x8e: {  	[smem:$0x3FBB] =	sst s2  }
0x8f: {  	_ = 	snop  }
0x90: {  	s2 =	sld [smem:$0x3FD0];
	_ =	sdelay $0x2  }
0x91: {  	s15 =	simm.s32 $0xB;
	s4 =	simm.s32 $0x10  }
0x92: {  	[smem:s4], [sflag:s15] =	dma.local [hbm:s2], $0x1  }
0x93: {  	_ =	swait.eq [sflag:s15], $0x1  }
0x94: {  	[sflag:s15] =	ssyncset.done $0x0  }
0x95: {  	s16 =	sld [smem:$0x10];
	[sflag:s15] =	ssyncadd.s32 $0xFFFFFFFF  }
0x96: {  	s17 =	sld [smem:$0x11];
	(tm) =	ssettm $0x1  }
0x97: {  	s18 =	sld [smem:$0x3FFB];
	_ =	sdelay $0x3  }
0x98: {  	_ =	strace s18  }
0x99: {  	s4 =	sld [smem:$0x3FFC];
	_ =	sdelay $0x3  }
0x9a: {  	_ =	strace s4  }
0x9b: {  	s4 =	sld [smem:$0x3FFD];
	_ =	sdelay $0x3  }
0x9c: {  	_ =	strace s4  }
0x9d: {  	_ =	strace $0x8FFFFFFF  }
0x9e: {  	s19 =	sld [smem:$0x3FDB];
	_ =	sdelay $0x1  }
0x9f: {  	s5 =	simm.s32 $_scs_section_size  }
0xa0: {  	s6 =	simm.s32 $_size__tile_overlayer_lowered;
	s7 =	simm.s32 $_tile_overlayer_lowered  }
0xa1: {  	s22 =	simm.s32 $0x1BFF;
	s21 =	sshll.u32 s7, $0x1;
	s4 =	sadd.s32 s5, s19  }
0xa2: {  	s8 =	simm.s32 $0x0;
	s20 =	sshll.u32 s6, $0x1;
	s6 =	sadd.s32 s21, s4  }
0xa3: {  	[timem:s8], [sflag:s22] =	dma.local [hbm:s6], s20  }
0xa4: {  	_ =	swait.ge [sflag:s22], s20  }
0xa5: {  	s5 =	ssub.s32 $0x0, s20;
	[sflag:s22] =	ssyncset.done $0x0  }
0xa6: {  	[sflag:s22] =	ssyncadd.s32 s5;
	_ =	sdelay $0x1  }
0xa7: {  	s23 =	simm.s32 $0x1B8B  }
0xa8: {  	_ =	swait.ge [sflag:s23], $0x1  }
0xa9: {  	[sflag:s23] =	ssyncset.done $0x0  }
0xaa: {  	s25 =	simm.s32 $0x1B8E;
	s24 =	sld [smem:$0x3FFE];
	[sflag:s23] =	ssyncadd.s32 $0xFFFFFFFF  }
0xab: {  	s26 =	simm.s32 $execute0_lowered;
	[smem:$0x3FD2] =	sst s25  }
0xac: {  	s6 =	sshll.u32 s26, $0x1;
	_ =	strace $0x8000004C;
	[dreg:$0x1] =	wrdreg $0xFFFFFFFF  }
0xad: {  	s28 =	simm.s32 $_size_execute0_lowered;
	s4 =	sadd.s32 s4, s6;
	[dreg:$0x0] =	wrdreg $0x0  }
0xae: {  	s6 =	sshll.u32 s28, $0x1;
	[dreg:$0x2] =	wrdreg s4  }
0xaf: {  	[dreg:$0x3] =	wrdreg s6  }
0xb0: {  	[dreg:$0x4] =	wrdreg $0xC0  }
0xb1: {  	_ =	task [dreg:s8], $0x5FFFF  }
0xb2: {  	[dreg:$0x1] =	wrdreg $0xFFFFFFFF  }
0xb3: {  	[dreg:$0x0] =	wrdreg $0x60  }
0xb4: {  	[dreg:$0x2] =	wrdreg s24  }
0xb5: {  	[dreg:$0x3] =	wrdreg s16  }
0xb6: {  	[dreg:$0x4] =	wrdreg s17  }
0xb7: {  	[dreg:$0x5] =	wrdreg $0x0  }
0xb8: {  	[dreg:$0x6] =	wrdreg $0x9  }
0xb9: {  	_ =	task.clear_ibuf [dreg:s8], $0x7FFFF;
	_ =	strace $0x9000004C  }
0xba: {  	s29 =	simm.s32 $0x9;
	_ =	strace $0x8000004E  }
0xbb: {  	_ =	swait.ge [sflag:s29], $0x1  }
0xbc: {  	[sflag:s29] =	ssyncadd.s32 $0xFFFFFFFF  }
0xbd: {  	_ =	strace $0x9000004E  }
0xbe: {  	_ =	sfence  }
0xbf: {  	s30 =	sld [smem:$0x0];
	_ =	sdelay $0x2  }
0xc0: {  	s31 =	sshll.u32 s1, $0xD;
	s1 =	sshrl.u32 s1, $0x2  }
0xc1: {  	s3 =	sand.u32 $0x4000, s31;
	s1 =	sadd.s32 s1, s30  }
0xc2: {  	s0 =	sor.u32 s3, s0;
	s1 =	sshll.u32 s1, $0x11  }
0xc3: {  	s0 =	sor.u32 s1, s0  }
0xc4: {  	s0 =	sadd.s32 $0x8F2B, s0  }
0xc5: {  	[sflag:s0] =	ssyncadd.remote.s32 $0x1  }
0xc6: {  	_ =	sfence.sel $0xFFFF  }
0xc7: {  	[dreg:$0x0] =	wrdreg $0xFFFFFFFF;
	(pc) =	sbr.abs _section_cstart, $3  }
0xc8: {  	[dreg:$0x1] =	wrdreg $0xFFFFFFFF  }
0xc9: {  	_ =	task.clear_ibuf [dreg:s8], $0x2FFFF;
	_ =	strace $0x9FFFFFFF  }
0xca: {  	(tm) =	ssettm $0x7FFFFFFF  }
0xcb: {  	_ =	shalt  }
tec
execute0_lowered:
.L_overlay_start_1:
0x0: {  	(tag) =	ssettag $0x1  }
0x1: {  	s0 =	rddreg [dreg:$0x0]  }
0x2: {  	s1 =	rddreg [dreg:$0x1]  }
0x3: {  	s3 =	rddreg [dreg:$0x2]  }
0x4: {  	s2 =	rddreg [dreg:$0x3];
	s4 =	simm.s32 $0x0;
	s5 =	srdreg.scid  }
0x5: {  	s15 =	stileid.u32;
	s16 =	simm.s32 $0x7;
	s28 =	simm.s32 $0x1AC00  }
0x6: {  	s29 =	simm.s32 $0x1;
	s30 =	simm.s32 $0x5;
	s8 =	smul.u32 $0x14000, s15  }
0x7: {  	s31 =	simm.s32 $0x2;
	[smem:$0x7FF] =	sst s4;
	s18 =	smul.u32 $0x2C00, s15  }
0x8: {  	s6 =	sand.u32 $0x1, s5;
	s5 =	sadd.s32 $0x3000, s0;
	s11 =	smul.u32 $0x50000, s15  }
0x9: {  	s9 =	sadd.s32 $0x5D000, s0;
	s26 =	sshll.u32 s15, $0x6;
	s7 =	smul.u32 $0x140000, s6  }
0xa: {  	_ =	strace $0x8000004D;
	[dreg:$0x5] =	wrdreg s9;
	s19 =	ssub.s32 $0x2, s6  }
0xb: {  	s6 =	smul.u32 $0x2C000, s6;
	s17 =	sor.u32 $0x1C07, s26;
	s26 =	simm.s32 $0x4  }
0xc: {  	s10 =	sshrl.u32 s19, $0x1;
	s20 =	sshrl.u32 s18, $0x3;
	s21 =	sshrl.u32 s11, $0x2  }
0xd: {  	s7 =	sadd.s32 s8, s7;
	s8 =	ssub.s32 s19, s10;
	s3 =	sadd.s32 s3, s20  }
0xe: {  	s23 =	sadd.s32 s21, s2;
	s19 =	simm.s32 $0x1EC00;
	s20 =	simm.s32 $0x1EC80  }
0xf: {  	s21 =	simm.s32 $0x1ED00;
	s7 =	sshrl.u32 s7, $0x3;
	[dreg:$0x6] =	wrdreg s3  }
0x10: {  	s14 =	smax.u32 s8, $0x1;
	s0 =	sadd.s32 s7, s0;
	s7 =	sadd.s32 s18, s6  }
0x11: {  	s3 =	simm.s32 $0x0;
	s18 =	sshrl.u32 s23, $0x3;
	s22 =	sshrl.u32 s7, $0x3  }
0x12: {  	s23 =	simm.s32 $0x3;
	s13 =	sadd.s32 $0x5F800, s0;
	s9 =	sadd.s32 s1, s22  }
0x13: {  	s0 =	simm.s32 $0x6;
	s22 =	simm.s32 $0x1ED80;
	s24 =	sadd.s32 $0x10, s9  }
0x14: {  	s25 =	sadd.s32 $0x20, s9;
	s12 =	sadd.s32 $0x30, s9;
	[dreg:$0x7] =	wrdreg s24  }
0x15: {  	[dreg:$0x8] =	wrdreg s25;
	s24 =	simm.s32 $0x80;
	s25 =	simm.s32 $0x16C00  }
.LBB2_1:
0x16: {  	s6 =	rddreg [dreg:$0x6];
	s8 =	simm.s32 $0x14000  }
0x17: {  	[tilespmem:s8], [sflag:$0x7] =	stream.linear.gather [hbm4b:s6+s4], $0x2A00, $0x38;
	[tilespmem:$0x1EE00] =	vst v63  }
0x18: {  	_ =	swait.ge [sflag:s16], $0x2A00  }
0x19: {  	[sflag:s16] =	ssyncset.done $0x0  }
0x1a: {  	s11 =	rddreg [dreg:$0x5];
	[sflag:s16] =	ssyncadd.s32 $0xFFFFD600  }
0x1b: {  	[spmem:s18], [sflag:s17] =	dma.local [hbm:s11], $0x2800  }
0x1c: {  	_ =	swait.ge [sflag:s16], $0x2800  }
0x1d: {  	[sflag:s16] =	ssyncset.done $0x0  }
0x1e: {  	[sflag:s16] =	ssyncadd.s32 $0xFFFFD800  }
0x1f: {  	[bflag:$0x0] =	sbarrier.arrive $0xFFFF  }
0x20: {  	[tilespmem:s19], [sflag:$0x3] =	stream.linear.gather [hbm4b:s9+s4], $0x80, $0x38;
	[tilespmem:$0x1EE00] =	vst v63  }
0x21: {  	s15 =	rddreg [dreg:$0x7]  }
0x22: {  	[tilespmem:s20], [sflag:$0x4] =	stream.linear.gather [hbm4b:s15+s4], $0x80, $0x38;
	[tilespmem:$0x1EE00] =	vst v63  }
0x23: {  	s8 =	rddreg [dreg:$0x8]  }
0x24: {  	[tilespmem:s21], [sflag:$0x5] =	stream.linear.gather [hbm4b:s8+s4], $0x80, $0x38;
	[tilespmem:$0x1EE00] =	vst v63  }
0x25: {  	_ = 	snop  }
0x26: {  	[tilespmem:s22], [sflag:$0x6] =	stream.linear.gather [hbm4b:s12+s4], $0x80, $0x38;
	[tilespmem:$0x1EE00] =	vst v63  }
0x27: {  	_ =	swait.ge [sflag:s23], $0x80  }
0x28: {  	[sflag:s23] =	ssyncset.done $0x0  }
0x29: {  	[sflag:s23] =	ssyncadd.s32 $0xFFFFFF80  }
0x2a: {  	[tilespmem:s25], [sflag:$0x1] =	stream.indirect.gather [hbm4b:s5+s24], $0x80, s19, s24, $0xb8;
	[tilespmem:$0x1EE00] =	vst v63  }
0x2b: {  	_ =	swait.ge [sflag:s26], $0x80  }
0x2c: {  	[sflag:s26] =	ssyncset.done $0x0  }
0x2d: {  	[sflag:s26] =	ssyncadd.s32 $0xFFFFFF80  }
0x2e: {  	[tilespmem:s28], [sflag:$0x2] =	stream.indirect.gather [hbm4b:s5+s24], $0x80, s20, s24, $0xb8;
	[tilespmem:$0x1EE00] =	vst v63  }
0x2f: {  	_ =	swait.ge [sflag:s29], $0x4000  }
0x30: {  	[sflag:s29] =	ssyncset.done $0x0  }
0x31: {  	s10 =	simm.s32 $0x14000;
	[sflag:s29] =	ssyncadd.s32 $0xFFFFC000  }
0x32: {  	[spmem:s2] =	stream.indirect.scatter.add.f32 [tilespmem:s25], [sflag:$0x7], $0x80, s10, s24, $0xb8;
	[tilespmem:$0x1EE00] =	vst v63  }
0x33: {  	_ =	swait.ge [sflag:s16], $0x4000  }
0x34: {  	s11 =	simm.s32 $0x200;
	[sflag:s16] =	ssyncset.done $0x0  }
0x35: {  	s15 =	sand.u32 $0x7C00, s11;
	[sflag:s16] =	ssyncadd.s32 $0xFFFFC000  }
0x36: {  	s6 =	sand.u32 $0x200, s11;
	s8 =	sadd.s32 s7, s15;
	_ =	swait.ge [sflag:s30], $0x80  }
0x37: {  	s6 =	sor.u32 s6, s8;
	[sflag:s30] =	ssyncset.done $0x0  }
0x38: {  	s6 =	sshrl.u32 s6, $0x3;
	[sflag:s30] =	ssyncadd.s32 $0xFFFFFF80  }
0x39: {  	[tilespmem:s25], [sflag:$0x1] =	stream.indirect.gather [hbm4b:s5+s24], $0x80, s21, s24, $0xb8;
	[tilespmem:$0x1EE00] =	vst v63  }
0x3a: {  	s6 =	sadd.s32 s1, s6  }
0x3b: {  	[tilespmem:s19], [sflag:$0x3] =	stream.linear.gather [hbm4b:s6+s4], $0x80, $0x38;
	[tilespmem:$0x1EE00] =	vst v63  }
0x3c: {  	_ =	swait.ge [sflag:s31], $0x4000  }
0x3d: {  	[sflag:s31] =	ssyncset.done $0x0  }
0x3e: {  	s10 =	simm.s32 $0x14080;
	[sflag:s31] =	ssyncadd.s32 $0xFFFFC000  }
0x3f: {  	[spmem:s2] =	stream.indirect.scatter.add.f32 [tilespmem:s28], [sflag:$0x7], $0x80, s10, s24, $0xb8;
	[tilespmem:$0x1EE00] =	vst v63  }
0x40: {  	_ =	swait.ge [sflag:s16], $0x4000  }
0x41: {  	s11 =	simm.s32 $0x280;
	[sflag:s16] =	ssyncset.done $0x0  }
0x42: {  	s15 =	sand.u32 $0x7C00, s11;
	[sflag:s16] =	ssyncadd.s32 $0xFFFFC000  }
0x43: {  	s8 =	sadd.s32 s7, s15;
	s6 =	sand.u32 $0x280, s11;
	_ =	swait.ge [sflag:s0], $0x80  }
0x44: {  	s6 =	sor.u32 s6, s8;
	[sflag:s0] =	ssyncset.done $0x0  }
0x45: {  	s6 =	sshrl.u32 s6, $0x3;
	[sflag:s0] =	ssyncadd.s32 $0xFFFFFF80  }
0x46: {  	[tilespmem:s28], [sflag:$0x2] =	stream.indirect.gather [hbm4b:s5+s24], $0x80, s22, s24, $0xb8;
	[tilespmem:$0x1EE00] =	vst v63  }
0x47: {  	s6 =	sadd.s32 s1, s6  }
0x48: {  	[tilespmem:s20], [sflag:$0x4] =	stream.linear.gather [hbm4b:s6+s4], $0x80, $0x38;
	[tilespmem:$0x1EE00] =	vst v63  }
0x49: {  	_ =	swait.ge [sflag:s29], $0x4000  }
0x4a: {  	[sflag:s29] =	ssyncset.done $0x0  }
0x4b: {  	s10 =	simm.s32 $0x14100;
	[sflag:s29] =	ssyncadd.s32 $0xFFFFC000  }
0x4c: {  	[spmem:s2] =	stream.indirect.scatter.add.f32 [tilespmem:s25], [sflag:$0x7], $0x80, s10, s24, $0xb8;
	[tilespmem:$0x1EE00] =	vst v63  }
0x4d: {  	_ =	swait.ge [sflag:s16], $0x4000  }
0x4e: {  	s11 =	simm.s32 $0x300;
	[sflag:s16] =	ssyncset.done $0x0  }
0x4f: {  	s15 =	sand.u32 $0x7C00, s11;
	[sflag:s16] =	ssyncadd.s32 $0xFFFFC000  }
0x50: {  	s8 =	sadd.s32 s7, s15;
	s6 =	sand.u32 $0x300, s11;
	_ =	swait.ge [sflag:s23], $0x80  }
0x51: {  	s6 =	sor.u32 s6, s8;
	[sflag:s23] =	ssyncset.done $0x0  }
0x52: {  	s6 =	sshrl.u32 s6, $0x3;
	[sflag:s23] =	ssyncadd.s32 $0xFFFFFF80  }
0x53: {  	[tilespmem:s25], [sflag:$0x1] =	stream.indirect.gather [hbm4b:s5+s24], $0x80, s19, s24, $0xb8;
	[tilespmem:$0x1EE00] =	vst v63  }
0x54: {  	s6 =	sadd.s32 s1, s6  }
0x55: {  	[tilespmem:s21], [sflag:$0x5] =	stream.linear.gather [hbm4b:s6+s4], $0x80, $0x38;
	[tilespmem:$0x1EE00] =	vst v63  }
0x56: {  	_ =	swait.ge [sflag:s31], $0x4000  }
0x57: {  	[sflag:s31] =	ssyncset.done $0x0  }
0x58: {  	s15 =	simm.s32 $0x14180;
	[sflag:s31] =	ssyncadd.s32 $0xFFFFC000  }
0x59: {  	[spmem:s2] =	stream.indirect.scatter.add.f32 [tilespmem:s28], [sflag:$0x7], $0x80, s15, s24, $0xb8;
	[tilespmem:$0x1EE00] =	vst v63  }
0x5a: {  	_ =	swait.ge [sflag:s16], $0x4000  }
0x5b: {  	s10 =	simm.s32 $0x380;
	[sflag:s16] =	ssyncset.done $0x0  }
0x5c: {  	s11 =	sand.u32 $0x7C00, s10;
	[sflag:s16] =	ssyncadd.s32 $0xFFFFC000  }
0x5d: {  	s8 =	sadd.s32 s7, s11;
	s6 =	sand.u32 $0x380, s10;
	_ =	swait.ge [sflag:s26], $0x80  }
0x5e: {  	s8 =	sor.u32 s6, s8;
	[sflag:s26] =	ssyncset.done $0x0  }
0x5f: {  	s6 =	simm.s32 $0x580;
	s8 =	sshrl.u32 s8, $0x3;
	[sflag:s26] =	ssyncadd.s32 $0xFFFFFF80  }
0x60: {  	[tilespmem:s28], [sflag:$0x2] =	stream.indirect.gather [hbm4b:s5+s24], $0x80, s20, s24, $0xb8;
	[tilespmem:$0x1EE00] =	vst v63  }
.LBB2_2:
0x61: {  	p0 =	sne.s32 s6, $0x2980;
	s8 =	sadd.s32 s1, s8;
	s15 =	sadd.s32 $0x200, s15  }
0x62: {  	[tilespmem:s22], [sflag:$0x6] =	stream.linear.gather [hbm4b:s8+s4], $0x80, $0x38;
	[tilespmem:$0x1EE00] =	vst v63  }
0x63: {  	s8 =	smov.u32 s6;
	s6 =	sadd.s32 $0x200, s6;
	_ =	swait.ge [sflag:s29], $0x4000  }
0x64: {  	s10 =	sadd.s32 $0xFFFFFE80, s15;
	[sflag:s29] =	ssyncset.done $0x0  }
0x65: {  	[sflag:s29] =	ssyncadd.s32 $0xFFFFC000  }
0x66: {  	[spmem:s2] =	stream.indirect.scatter.add.f32 [tilespmem:s25], [sflag:$0x7], $0x80, s10, s24, $0xb8;
	[tilespmem:$0x1EE00] =	vst v63  }
0x67: {  	_ =	swait.ge [sflag:s16], $0x4000  }
0x68: {  	s10 =	sadd.s32 $0xFFFFFE80, s8;
	[sflag:s16] =	ssyncset.done $0x0  }
0x69: {  	s11 =	sand.u32 $0x7C00, s10;
	s10 =	sand.u32 $0x200, s10;
	[sflag:s16] =	ssyncadd.s32 $0xFFFFC000  }
0x6a: {  	s11 =	sadd.s32 s7, s11;
	_ =	swait.ge [sflag:s30], $0x80  }
0x6b: {  	s10 =	sor.u32 s10, s11;
	[sflag:s30] =	ssyncset.done $0x0  }
0x6c: {  	s10 =	sshrl.u32 s10, $0x3;
	[sflag:s30] =	ssyncadd.s32 $0xFFFFFF80  }
0x6d: {  	[tilespmem:s25], [sflag:$0x1] =	stream.indirect.gather [hbm4b:s5+s24], $0x80, s21, s24, $0xb8;
	[tilespmem:$0x1EE00] =	vst v63  }
0x6e: {  	s10 =	sadd.s32 s1, s10  }
0x6f: {  	[tilespmem:s19], [sflag:$0x3] =	stream.linear.gather [hbm4b:s10+s4], $0x80, $0x38;
	[tilespmem:$0x1EE00] =	vst v63  }
0x70: {  	_ =	swait.ge [sflag:s31], $0x4000  }
0x71: {  	s10 =	sadd.s32 $0xFFFFFF00, s15;
	[sflag:s31] =	ssyncset.done $0x0  }
0x72: {  	[sflag:s31] =	ssyncadd.s32 $0xFFFFC000  }
0x73: {  	[spmem:s2] =	stream.indirect.scatter.add.f32 [tilespmem:s28], [sflag:$0x7], $0x80, s10, s24, $0xb8;
	[tilespmem:$0x1EE00] =	vst v63  }
0x74: {  	_ =	swait.ge [sflag:s16], $0x4000  }
0x75: {  	s10 =	sadd.s32 $0xFFFFFF00, s8;
	[sflag:s16] =	ssyncset.done $0x0  }
0x76: {  	s11 =	sand.u32 $0x7C00, s10;
	s10 =	sand.u32 $0x280, s10;
	[sflag:s16] =	ssyncadd.s32 $0xFFFFC000  }
0x77: {  	s11 =	sadd.s32 s7, s11;
	_ =	swait.ge [sflag:s0], $0x80  }
0x78: {  	s10 =	sor.u32 s10, s11;
	[sflag:s0] =	ssyncset.done $0x0  }
0x79: {  	s10 =	sshrl.u32 s10, $0x3;
	[sflag:s0] =	ssyncadd.s32 $0xFFFFFF80  }
0x7a: {  	[tilespmem:s28], [sflag:$0x2] =	stream.indirect.gather [hbm4b:s5+s24], $0x80, s22, s24, $0xb8;
	[tilespmem:$0x1EE00] =	vst v63  }
0x7b: {  	s10 =	sadd.s32 s1, s10  }
0x7c: {  	[tilespmem:s20], [sflag:$0x4] =	stream.linear.gather [hbm4b:s10+s4], $0x80, $0x38;
	[tilespmem:$0x1EE00] =	vst v63  }
0x7d: {  	_ =	swait.ge [sflag:s29], $0x4000  }
0x7e: {  	s10 =	sadd.s32 $0xFFFFFF80, s15;
	[sflag:s29] =	ssyncset.done $0x0  }
0x7f: {  	[sflag:s29] =	ssyncadd.s32 $0xFFFFC000  }
0x80: {  	[spmem:s2] =	stream.indirect.scatter.add.f32 [tilespmem:s25], [sflag:$0x7], $0x80, s10, s24, $0xb8;
	[tilespmem:$0x1EE00] =	vst v63  }
0x81: {  	_ =	swait.ge [sflag:s16], $0x4000  }
0x82: {  	s10 =	sadd.s32 $0xFFFFFF80, s8;
	[sflag:s16] =	ssyncset.done $0x0  }
0x83: {  	s11 =	sand.u32 $0x7C00, s10;
	[sflag:s16] =	ssyncadd.s32 $0xFFFFC000  }
0x84: {  	s10 =	sand.u32 $0x300, s10;
	s11 =	sadd.s32 s7, s11;
	_ =	swait.ge [sflag:s23], $0x80  }
0x85: {  	s10 =	sor.u32 s10, s11;
	[sflag:s23] =	ssyncset.done $0x0  }
0x86: {  	s10 =	sshrl.u32 s10, $0x3;
	[sflag:s23] =	ssyncadd.s32 $0xFFFFFF80  }
0x87: {  	[tilespmem:s25], [sflag:$0x1] =	stream.indirect.gather [hbm4b:s5+s24], $0x80, s19, s24, $0xb8;
	[tilespmem:$0x1EE00] =	vst v63  }
0x88: {  	s10 =	sadd.s32 s1, s10  }
0x89: {  	[tilespmem:s21], [sflag:$0x5] =	stream.linear.gather [hbm4b:s10+s4], $0x80, $0x38;
	[tilespmem:$0x1EE00] =	vst v63  }
0x8a: {  	_ =	swait.ge [sflag:s31], $0x4000  }
0x8b: {  	[sflag:s31] =	ssyncset.done $0x0  }
0x8c: {  	[sflag:s31] =	ssyncadd.s32 $0xFFFFC000  }
0x8d: {  	[spmem:s2] =	stream.indirect.scatter.add.f32 [tilespmem:s28], [sflag:$0x7], $0x80, s15, s24, $0xb8;
	[tilespmem:$0x1EE00] =	vst v63  }
0x8e: {  	_ =	swait.ge [sflag:s16], $0x4000  }
0x8f: {  	[sflag:s16] =	ssyncset.done $0x0  }
.Ltmp0:
0x90: {  	s10 =	sand.u32 $0x7C00, s8;
	[sflag:s16] =	ssyncadd.s32 $0xFFFFC000;
	(pc) =	sbr.rel @p0 .LBB2_2-.Ltmp0, $4  }
0x91: {  	s8 =	sand.u32 $0x380, s8;
	s10 =	sadd.s32 s7, s10;
	_ =	swait.ge [sflag:s26], $0x80  }
0x92: {  	s8 =	sor.u32 s8, s10;
	[sflag:s26] =	ssyncset.done $0x0  }
0x93: {  	s8 =	sshrl.u32 s8, $0x3;
	[sflag:s26] =	ssyncadd.s32 $0xFFFFFF80  }
0x94: {  	[tilespmem:s28], [sflag:$0x2] =	stream.indirect.gather [hbm4b:s5+s24], $0x80, s20, s24, $0xb8;
	[tilespmem:$0x1EE00] =	vst v63  }
0x95: {  	s6 =	sadd.s32 s1, s8  }
0x96: {  	[tilespmem:s22], [sflag:$0x6] =	stream.linear.gather [hbm4b:s6+s4], $0x80, $0x38;
	[tilespmem:$0x1EE00] =	vst v63  }
0x97: {  	_ =	swait.ge [sflag:s29], $0x4000  }
0x98: {  	[sflag:s29] =	ssyncset.done $0x0  }
0x99: {  	[sflag:s29] =	ssyncadd.s32 $0xFFFFC000  }
0x9a: {  	_ =	swait.ge [sflag:s31], $0x4000  }
0x9b: {  	[sflag:s31] =	ssyncset.done $0x0  }
0x9c: {  	[sflag:s31] =	ssyncadd.s32 $0xFFFFC000  }
0x9d: {  	_ =	swait.ge [sflag:s30], $0x80  }
0x9e: {  	[sflag:s30] =	ssyncset.done $0x0  }
0x9f: {  	[sflag:s30] =	ssyncadd.s32 $0xFFFFFF80  }
0xa0: {  	_ =	swait.ge [sflag:s0], $0x80  }
0xa1: {  	s3 =	sadd.s32 $0x1, s3;
	[sflag:s0] =	ssyncset.done $0x0  }
0xa2: {  	p0 =	sne.s32 s3, s14;
	[sflag:s0] =	ssyncadd.s32 $0xFFFFFF80  }
.Ltmp1:
0xa3: {  	[bflag:$0x0] =	sbarrier.arrive $0xFFFF;
	(pc) =	sbr.rel @p0 .LBB2_1-.Ltmp1, $4  }
0xa4: {  	[hbm:s13], [sflag:s17] =	dma.local [spmem:s18], $0x2800  }
0xa5: {  	_ =	swait.ge [sflag:s16], $0x2800  }
0xa6: {  	[sflag:s16] =	ssyncset.done $0x0  }
0xa7: {  	[sflag:s16] =	ssyncadd.s32 $0xFFFFD800  }
0xa8: {  	_ =	sfence.sel $0x180000  }
0xa9: {  	[bflag:$0x0] =	sbarrier.arrive $0xFFFF  }
0xaa: {  	_ =	strace $0x9000004D  }
0xab: {  	s0 =	stileid.u32;
	[bflag:$0x2] =	sbarrier.arrive $0xFFFF  }
0xac: {  	p0 =	sne.s32 s0, $0x0;
	s0 =	rddreg [dreg:$0x4]  }
0xad: {  	s0 =	sadd.s32 @!p0 $0x100000, s0  }
0xae: {  	[sflag:s0] =	ssyncadd.tile.s32 @!p0 $0x1;
	_ =	shalt  }
.Lfunc_end2:
_tile_overlayer_lowered:
.L_overlay_start_2:
0xaf: {  	(tag) =	ssettag $0x2  }
0xb0: {  	s0 =	rddreg [dreg:$0x0];
	s2 =	stileid.u32  }
0xb1: {  	s1 =	rddreg [dreg:$0x1];
	p0 =	sne.s32 s2, $0x0  }
0xb2: {  	s3 =	rddreg [dreg:$0x2];
	[bflag:$0x3] =	sbarrier.arrive $0xFFFF;
	s2 =	simm.s32 @!p0 $0x1C07  }
0xb3: {  	[timem:s3], [sflag:s2] =	dma.local @!p0 [hbm:s0], s1  }
0xb4: {  	s0 =	simm.s32 @!p0 $0x7  }
0xb5: {  	_ =	swait.ge @!p0 [sflag:s0], s1  }
0xb6: {  	s1 =	ssub.s32 @!p0 $0x0, s1;
	[sflag:s0] =	ssyncset.done @!p0 $0x0  }
0xb7: {  	[sflag:s0] =	ssyncadd.s32 @!p0 s1  }
0xb8: {  	[bflag:$0x3] =	sbarrier.arrive $0xFFFF  }
0xb9: {  	_ =	shalt  }

// kernel: kernel.18.cloned.1.call-start
scs
__scs_entry_jumppad:
0x0: {  	(pc) =	sbr.rel $0x88, $3  }
0x1: {  	(tag) =	ssettag $0x0;
	lr =	simm.s32 $0x1  }
0x2: {  	[smem:$0x3F94] =	sst lr;
	_ =	strace $0xD0000000  }
0x3: {  	_ = 	snop  }
0x4: {  	_ = 	snop  }
0x5: {  	_ = 	snop  }
0x6: {  	_ = 	snop  }
0x7: {  	_ = 	snop  }
__scs_overlays_trampoline_lowered:
0x8: {  	[smem:$0x3FA3] =	sst s0  }
0x9: {  	[smem:$0x3FA4] =	sst s1  }
0xa: {  	[smem:$0x3FA5] =	sst s2  }
0xb: {  	[smem:$0x3FA6] =	sst s3  }
0xc: {  	[smem:$0x3FA7] =	sst s4  }
0xd: {  	[smem:$0x3FA8] =	sst s5  }
0xe: {  	[smem:$0x3FA9] =	sst s6  }
0xf: {  	[smem:$0x3FAA] =	sst s7  }
0x10: {  	[smem:$0x3FAB] =	sst s8  }
0x11: {  	[smem:$0x3FAC] =	sst s9;
	s0 =	simm.s32 @!p0 $0x0  }
0x12: {  	s1 =	sld [smem:$0x3F92];
	s0 =	simm.s32 @p0 $0x1  }
0x13: {  	[smem:$0x3FAD] =	sst s0;
	s0 =	simm.s32 @!p1 $0x0  }
0x14: {  	s2 =	sld [smem:$0x3F91];
	s0 =	simm.s32 @p1 $0x1  }
0x15: {  	[smem:$0x3FAE] =	sst s0;
	s0 =	simm.s32 @!p2 $0x0  }
0x16: {  	s3 =	sld [smem:$0x3FDB];
	s0 =	simm.s32 @p2 $0x1  }
0x17: {  	s4 =	simm.s32 $0x1BF5;
	[smem:$0x3FB0] =	sst s0  }
0x18: {  	s0 =	sld [smem:$0x3F93];
	_ =	swait.ge [sflag:s4], $0x0  }
0x19: {  	s7 =	sld [smem:$0x3F94]  }
0x1a: {  	s8 =	sadd.s32 $0xFFFFE003, lr  }
0x1b: {  	s9 =	sadd.s32 $0xFFFFFEF7, lr;
	s5 =	simm.s32 $0xFFFFFFFF;
	p2 =	slt.u32 s8, $0xFFFFF086  }
0x1c: {  	p1 =	slt.u32 s9, $0xF7A;
	s5 =	simm.s32 @!p2 $0x0  }
0x1d: {  	s5 =	simm.s32 @p1 $0x1;
	p0 =	seq.s32 s7, s2  }
0x1e: {  	s7 =	smul.u32 @!p0 $0xF7A, s2;
	p2 =	seq.s32 @!p0 s5, $0x0  }
0x1f: {  	s9 =	smul.u32 $0xF7A, s1;
	s8 =	simm.s32 @!p0 $0x1BF5;
	p2 =	por !p2, p0  }
0x20: {  	[sflag:s8] =	ssyncset.s32 @!p0 $0xFFFFF086;
	s6 =	sadd.s32 @!p0 s3, s7;
	s7 =	simm.s32 @!p0 $0x108  }
0x21: {  	s3 =	sadd.s32 s3, s9;
	s6 =	sadd.s32 @!p0 $0x88, s6;
	s7 =	simm.s32 @p2 $0x1082  }
0x22: {  	[simem:s7], [sflag:s8] =	dma.local @!p0 [hbm:s6], $0xF7A  }
0x23: {  	s9 =	sor.u32 $0xD0000000, s2;
	s6 =	simm.s32 $0x108;
	_ =	swait.ge @!p0 [sflag:s8], $0x0  }
0x24: {  	s3 =	sadd.s32 $0x88, s3;
	s6 =	simm.s32 @!p1 $0x1082;
	[sflag:s4] =	ssyncset.s32 $0xFFFFF086  }
0x25: {  	[simem:s6], [sflag:s4] =	dma.local [hbm:s3], $0xF7A  }
0x26: {  	[smem:$0x3F94] =	sst s1;
	(tag) =	ssettag s2;
	_ =	strace s9  }
0x27: {  	s1 =	sld [smem:$0x3FA4]  }
0x28: {  	s2 =	sld [smem:$0x3FA5]  }
0x29: {  	s4 =	sld [smem:$0x3FA7]  }
0x2a: {  	p0 =	seq.s32 s5, $0x0;
	s5 =	sld [smem:$0x3FA8]  }
0x2b: {  	s6 =	sld [smem:$0x3FA9]  }
0x2c: {  	s7 =	sld [smem:$0x3FAA]  }
0x2d: {  	s3 =	simm.s32 $0x108;
	s8 =	sld [smem:$0x3FAB]  }
0x2e: {  	s3 =	simm.s32 @!p0 $0x1082;
	s9 =	sld [smem:$0x3FAC]  }
0x2f: {  	lr =	sadd.s32 s0, s3;
	s0 =	sld [smem:$0x3FA3]  }
0x30: {  	s3 =	sld [smem:$0x3FA6]  }
0x31: {  	[smem:$0x3FAF] =	sst s10  }
0x32: {  	s10 =	sld [smem:$0x3FAD];
	_ =	sdelay $0x3  }
0x33: {  	p0 =	seq.s32 s10, $0x1;
	s10 =	sld [smem:$0x3FAF];
	_ =	sdelay $0x3  }
0x34: {  	[smem:$0x3FAF] =	sst s10  }
0x35: {  	s10 =	sld [smem:$0x3FAE];
	_ =	sdelay $0x3  }
0x36: {  	p1 =	seq.s32 s10, $0x1;
	s10 =	sld [smem:$0x3FAF];
	_ =	sdelay $0x3  }
0x37: {  	[smem:$0x3FAF] =	sst s10  }
0x38: {  	s10 =	sld [smem:$0x3FB0]  }
0x39: {  	_ = 	snop;
	(pc) =	sbr.ind lr, $3  }
0x3a: {  	_ = 	snop  }
0x3b: {  	_ = 	snop  }
0x3c: {  	p2 =	seq.s32 s10, $0x1;
	s10 =	sld [smem:$0x3FAF]  }
0x3d: {  	_ =	shalt  }
0x3e: {  	_ =	shalt  }
0x3f: {  	_ =	shalt  }
0x40: {  	_ =	shalt  }
0x41: {  	_ =	shalt  }
0x42: {  	_ =	shalt  }
0x43: {  	_ =	shalt  }
0x44: {  	_ =	shalt  }
0x45: {  	_ =	shalt  }
0x46: {  	_ =	shalt  }
0x47: {  	_ =	shalt  }
0x48: {  	_ =	shalt  }
0x49: {  	_ =	shalt  }
0x4a: {  	_ =	shalt  }
0x4b: {  	_ =	shalt  }
0x4c: {  	_ =	shalt  }
0x4d: {  	_ =	shalt  }
0x4e: {  	_ =	shalt  }
0x4f: {  	_ =	shalt  }
0x50: {  	_ =	shalt  }
0x51: {  	_ =	shalt  }
0x52: {  	_ =	shalt  }
0x53: {  	_ =	shalt  }
0x54: {  	_ =	shalt  }
0x55: {  	_ =	shalt  }
0x56: {  	_ =	shalt  }
0x57: {  	_ =	shalt  }
0x58: {  	_ =	shalt  }
0x59: {  	_ =	shalt  }
0x5a: {  	_ =	shalt  }
0x5b: {  	_ =	shalt  }
0x5c: {  	_ =	shalt  }
0x5d: {  	_ =	shalt  }
0x5e: {  	_ =	shalt  }
0x5f: {  	_ =	shalt  }
0x60: {  	_ =	shalt  }
0x61: {  	_ =	shalt  }
0x62: {  	_ =	shalt  }
0x63: {  	_ =	shalt  }
0x64: {  	_ =	shalt  }
0x65: {  	_ =	shalt  }
0x66: {  	_ =	shalt  }
0x67: {  	_ =	shalt  }
0x68: {  	_ =	shalt  }
0x69: {  	_ =	shalt  }
0x6a: {  	_ =	shalt  }
0x6b: {  	_ =	shalt  }
0x6c: {  	_ =	shalt  }
0x6d: {  	_ =	shalt  }
0x6e: {  	_ =	shalt  }
0x6f: {  	_ =	shalt  }
0x70: {  	_ =	shalt  }
0x71: {  	_ =	shalt  }
0x72: {  	_ =	shalt  }
0x73: {  	_ =	shalt  }
0x74: {  	_ =	shalt  }
0x75: {  	_ =	shalt  }
0x76: {  	_ =	shalt  }
0x77: {  	_ =	shalt  }
0x78: {  	_ =	shalt  }
0x79: {  	_ =	shalt  }
0x7a: {  	_ =	shalt  }
0x7b: {  	_ =	shalt  }
0x7c: {  	_ =	shalt  }
0x7d: {  	_ =	shalt  }
0x7e: {  	_ =	shalt  }
0x7f: {  	_ =	shalt  }
0x80: {  	_ =	shalt  }
0x81: {  	_ =	shalt  }
0x82: {  	_ =	shalt  }
0x83: {  	_ =	shalt  }
0x84: {  	_ =	shalt  }
0x85: {  	_ =	shalt  }
0x86: {  	_ =	shalt  }
0x87: {  	_ =	shalt  }
.Lfunc_end0:
.L_simem_size_0:
called_computation.3_lowered:
.L_overlay_start_0:
0x88: {  	s2 =	sld [smem:$0x3FD9]  }
0x89: {  	s3 =	sld [smem:$0x3FFE];
	_ =	sdelay $0x1  }
0x8a: {  	s1 =	srdreg.scid  }
0x8b: {  	s0 =	sand.u32 $0x1, s1  }
0x8c: {  	s14 =	sshll.u32 s0, $0xA;
	s2 =	sadd.s32 s3, s2  }
0x8d: {  	s2 =	sadd.s32 s2, s14  }
0x8e: {  	[smem:$0x3FBB] =	sst s2  }
0x8f: {  	_ = 	snop  }
0x90: {  	s2 =	sld [smem:$0x3FD0];
	_ =	sdelay $0x2  }
0x91: {  	s15 =	simm.s32 $0xB;
	s4 =	simm.s32 $0x10  }
0x92: {  	[smem:s4], [sflag:s15] =	dma.local [hbm:s2], $0x1  }
0x93: {  	_ =	swait.eq [sflag:s15], $0x1  }
0x94: {  	[sflag:s15] =	ssyncset.done $0x0  }
0x95: {  	s16 =	sld [smem:$0x10];
	[sflag:s15] =	ssyncadd.s32 $0xFFFFFFFF  }
0x96: {  	s17 =	sld [smem:$0x11];
	(tm) =	ssettm $0x1  }
0x97: {  	s18 =	sld [smem:$0x3FFB];
	_ =	sdelay $0x3  }
0x98: {  	_ =	strace s18  }
0x99: {  	s4 =	sld [smem:$0x3FFC];
	_ =	sdelay $0x3  }
0x9a: {  	_ =	strace s4  }
0x9b: {  	s4 =	sld [smem:$0x3FFD];
	_ =	sdelay $0x3  }
0x9c: {  	_ =	strace s4  }
0x9d: {  	_ =	strace $0x8FFFFFFF  }
0x9e: {  	s19 =	sld [smem:$0x3FDB];
	_ =	sdelay $0x1  }
0x9f: {  	s5 =	simm.s32 $_scs_section_size  }
0xa0: {  	s6 =	simm.s32 $_size__tile_overlayer_lowered;
	s7 =	simm.s32 $_tile_overlayer_lowered  }
0xa1: {  	s22 =	simm.s32 $0x1BFF;
	s21 =	sshll.u32 s7, $0x1;
	s4 =	sadd.s32 s5, s19  }
0xa2: {  	s8 =	simm.s32 $0x0;
	s20 =	sshll.u32 s6, $0x1;
	s6 =	sadd.s32 s21, s4  }
0xa3: {  	[timem:s8], [sflag:s22] =	dma.local [hbm:s6], s20  }
0xa4: {  	_ =	swait.ge [sflag:s22], s20  }
0xa5: {  	s5 =	ssub.s32 $0x0, s20;
	[sflag:s22] =	ssyncset.done $0x0  }
0xa6: {  	[sflag:s22] =	ssyncadd.s32 s5;
	_ =	sdelay $0x1  }
0xa7: {  	s23 =	simm.s32 $0x1B8B  }
0xa8: {  	_ =	swait.ge [sflag:s23], $0x1  }
0xa9: {  	[sflag:s23] =	ssyncset.done $0x0  }
0xaa: {  	s25 =	simm.s32 $0x1B8E;
	s24 =	sld [smem:$0x3FFE];
	[sflag:s23] =	ssyncadd.s32 $0xFFFFFFFF  }
0xab: {  	s26 =	simm.s32 $execute0_lowered;
	[smem:$0x3FD2] =	sst s25  }
0xac: {  	s6 =	sshll.u32 s26, $0x1;
	_ =	strace $0x8000004F;
	[dreg:$0x1] =	wrdreg $0xFFFFFFFF  }
0xad: {  	s28 =	simm.s32 $_size_execute0_lowered;
	s4 =	sadd.s32 s4, s6;
	[dreg:$0x0] =	wrdreg $0x0  }
0xae: {  	s6 =	sshll.u32 s28, $0x1;
	[dreg:$0x2] =	wrdreg s4  }
0xaf: {  	[dreg:$0x3] =	wrdreg s6  }
0xb0: {  	[dreg:$0x4] =	wrdreg $0xC0  }
0xb1: {  	_ =	task [dreg:s8], $0x5FFFF  }
0xb2: {  	[dreg:$0x1] =	wrdreg $0xFFFFFFFF  }
0xb3: {  	[dreg:$0x0] =	wrdreg $0x60  }
0xb4: {  	[dreg:$0x2] =	wrdreg s24  }
0xb5: {  	[dreg:$0x3] =	wrdreg s16  }
0xb6: {  	[dreg:$0x4] =	wrdreg s17  }
0xb7: {  	[dreg:$0x5] =	wrdreg $0x0  }
0xb8: {  	[dreg:$0x6] =	wrdreg $0x9  }
0xb9: {  	_ =	task.clear_ibuf [dreg:s8], $0x7FFFF;
	_ =	strace $0x9000004F  }
0xba: {  	s29 =	simm.s32 $0x9;
	_ =	strace $0x80000051  }
0xbb: {  	_ =	swait.ge [sflag:s29], $0x1  }
0xbc: {  	[sflag:s29] =	ssyncadd.s32 $0xFFFFFFFF  }
0xbd: {  	_ =	strace $0x90000051  }
0xbe: {  	_ =	sfence  }
0xbf: {  	s30 =	sld [smem:$0x0];
	_ =	sdelay $0x2  }
0xc0: {  	s31 =	sshll.u32 s1, $0xD;
	s1 =	sshrl.u32 s1, $0x2  }
0xc1: {  	s3 =	sand.u32 $0x4000, s31;
	s1 =	sadd.s32 s1, s30  }
0xc2: {  	s0 =	sor.u32 s3, s0;
	s1 =	sshll.u32 s1, $0x11  }
0xc3: {  	s0 =	sor.u32 s1, s0  }
0xc4: {  	s0 =	sadd.s32 $0x8F2B, s0  }
0xc5: {  	[sflag:s0] =	ssyncadd.remote.s32 $0x1  }
0xc6: {  	_ =	sfence.sel $0xFFFF  }
0xc7: {  	[dreg:$0x0] =	wrdreg $0xFFFFFFFF;
	(pc) =	sbr.abs _section_cstart, $3  }
0xc8: {  	[dreg:$0x1] =	wrdreg $0xFFFFFFFF  }
0xc9: {  	_ =	task.clear_ibuf [dreg:s8], $0x2FFFF;
	_ =	strace $0x9FFFFFFF  }
0xca: {  	(tm) =	ssettm $0x7FFFFFFF  }
0xcb: {  	_ =	shalt  }
tec
execute0_lowered:
.L_overlay_start_1:
0x0: {  	(tag) =	ssettag $0x1  }
0x1: {  	s0 =	rddreg [dreg:$0x0]  }
0x2: {  	s1 =	rddreg [dreg:$0x1]  }
0x3: {  	s3 =	rddreg [dreg:$0x2]  }
0x4: {  	s2 =	rddreg [dreg:$0x3];
	s4 =	simm.s32 $0x0;
	s5 =	srdreg.scid  }
0x5: {  	s15 =	stileid.u32;
	s16 =	simm.s32 $0x7;
	s28 =	simm.s32 $0x1AC00  }
0x6: {  	s29 =	simm.s32 $0x1;
	s30 =	simm.s32 $0x5;
	s8 =	smul.u32 $0x14000, s15  }
0x7: {  	s31 =	simm.s32 $0x2;
	[smem:$0x7FF] =	sst s4;
	s18 =	smul.u32 $0x2C00, s15  }
0x8: {  	s6 =	sand.u32 $0x1, s5;
	s5 =	sadd.s32 $0x3000, s0;
	s11 =	smul.u32 $0x50000, s15  }
0x9: {  	s9 =	sadd.s32 $0x5D000, s0;
	s26 =	sshll.u32 s15, $0x6;
	s7 =	smul.u32 $0x140000, s6  }
0xa: {  	_ =	strace $0x80000050;
	[dreg:$0x5] =	wrdreg s9;
	s19 =	ssub.s32 $0x2, s6  }
0xb: {  	s6 =	smul.u32 $0x2C000, s6;
	s17 =	sor.u32 $0x1C07, s26;
	s26 =	simm.s32 $0x4  }
0xc: {  	s10 =	sshrl.u32 s19, $0x1;
	s20 =	sshrl.u32 s18, $0x3;
	s21 =	sshrl.u32 s11, $0x2  }
0xd: {  	s7 =	sadd.s32 s8, s7;
	s8 =	ssub.s32 s19, s10;
	s3 =	sadd.s32 s3, s20  }
0xe: {  	s23 =	sadd.s32 s21, s2;
	s19 =	simm.s32 $0x1EC00;
	s20 =	simm.s32 $0x1EC80  }
0xf: {  	s21 =	simm.s32 $0x1ED00;
	s7 =	sshrl.u32 s7, $0x3;
	[dreg:$0x6] =	wrdreg s3  }
0x10: {  	s14 =	smax.u32 s8, $0x1;
	s0 =	sadd.s32 s7, s0;
	s7 =	sadd.s32 s18, s6  }
0x11: {  	s3 =	simm.s32 $0x0;
	s18 =	sshrl.u32 s23, $0x3;
	s22 =	sshrl.u32 s7, $0x3  }
0x12: {  	s23 =	simm.s32 $0x3;
	s13 =	sadd.s32 $0x5F800, s0;
	s9 =	sadd.s32 s1, s22  }
0x13: {  	s0 =	simm.s32 $0x6;
	s22 =	simm.s32 $0x1ED80;
	s24 =	sadd.s32 $0x10, s9  }
0x14: {  	s25 =	sadd.s32 $0x20, s9;
	s12 =	sadd.s32 $0x30, s9;
	[dreg:$0x7] =	wrdreg s24  }
0x15: {  	[dreg:$0x8] =	wrdreg s25;
	s24 =	simm.s32 $0x80;
	s25 =	simm.s32 $0x16C00  }
.LBB2_1:
0x16: {  	s6 =	rddreg [dreg:$0x6];
	s8 =	simm.s32 $0x14000  }
0x17: {  	[tilespmem:s8], [sflag:$0x7] =	stream.linear.gather [hbm4b:s6+s4], $0x2A00, $0x38;
	[tilespmem:$0x1EE00] =	vst v63  }
0x18: {  	_ =	swait.ge [sflag:s16], $0x2A00  }
0x19: {  	[sflag:s16] =	ssyncset.done $0x0  }
0x1a: {  	s11 =	rddreg [dreg:$0x5];
	[sflag:s16] =	ssyncadd.s32 $0xFFFFD600  }
0x1b: {  	[spmem:s18], [sflag:s17] =	dma.local [hbm:s11], $0x2800  }
0x1c: {  	_ =	swait.ge [sflag:s16], $0x2800  }
0x1d: {  	[sflag:s16] =	ssyncset.done $0x0  }
0x1e: {  	[sflag:s16] =	ssyncadd.s32 $0xFFFFD800  }
0x1f: {  	[bflag:$0x0] =	sbarrier.arrive $0xFFFF  }
0x20: {  	[tilespmem:s19], [sflag:$0x3] =	stream.linear.gather [hbm4b:s9+s4], $0x80, $0x38;
	[tilespmem:$0x1EE00] =	vst v63  }
0x21: {  	s15 =	rddreg [dreg:$0x7]  }
0x22: {  	[tilespmem:s20], [sflag:$0x4] =	stream.linear.gather [hbm4b:s15+s4], $0x80, $0x38;
	[tilespmem:$0x1EE00] =	vst v63  }
0x23: {  	s8 =	rddreg [dreg:$0x8]  }
0x24: {  	[tilespmem:s21], [sflag:$0x5] =	stream.linear.gather [hbm4b:s8+s4], $0x80, $0x38;
	[tilespmem:$0x1EE00] =	vst v63  }
0x25: {  	_ = 	snop  }
0x26: {  	[tilespmem:s22], [sflag:$0x6] =	stream.linear.gather [hbm4b:s12+s4], $0x80, $0x38;
	[tilespmem:$0x1EE00] =	vst v63  }
0x27: {  	_ =	swait.ge [sflag:s23], $0x80  }
0x28: {  	[sflag:s23] =	ssyncset.done $0x0  }
0x29: {  	[sflag:s23] =	ssyncadd.s32 $0xFFFFFF80  }
0x2a: {  	[tilespmem:s25], [sflag:$0x1] =	stream.indirect.gather [hbm4b:s5+s24], $0x80, s19, s24, $0xb8;
	[tilespmem:$0x1EE00] =	vst v63  }
0x2b: {  	_ =	swait.ge [sflag:s26], $0x80  }
0x2c: {  	[sflag:s26] =	ssyncset.done $0x0  }
0x2d: {  	[sflag:s26] =	ssyncadd.s32 $0xFFFFFF80  }
0x2e: {  	[tilespmem:s28], [sflag:$0x2] =	stream.indirect.gather [hbm4b:s5+s24], $0x80, s20, s24, $0xb8;
	[tilespmem:$0x1EE00] =	vst v63  }
0x2f: {  	_ =	swait.ge [sflag:s29], $0x4000  }
0x30: {  	[sflag:s29] =	ssyncset.done $0x0  }
0x31: {  	s10 =	simm.s32 $0x14000;
	[sflag:s29] =	ssyncadd.s32 $0xFFFFC000  }
0x32: {  	[spmem:s2] =	stream.indirect.scatter.add.f32 [tilespmem:s25], [sflag:$0x7], $0x80, s10, s24, $0xb8;
	[tilespmem:$0x1EE00] =	vst v63  }
0x33: {  	_ =	swait.ge [sflag:s16], $0x4000  }
0x34: {  	s11 =	simm.s32 $0x200;
	[sflag:s16] =	ssyncset.done $0x0  }
0x35: {  	s15 =	sand.u32 $0x7C00, s11;
	[sflag:s16] =	ssyncadd.s32 $0xFFFFC000  }
0x36: {  	s6 =	sand.u32 $0x200, s11;
	s8 =	sadd.s32 s7, s15;
	_ =	swait.ge [sflag:s30], $0x80  }
0x37: {  	s6 =	sor.u32 s6, s8;
	[sflag:s30] =	ssyncset.done $0x0  }
0x38: {  	s6 =	sshrl.u32 s6, $0x3;
	[sflag:s30] =	ssyncadd.s32 $0xFFFFFF80  }
0x39: {  	[tilespmem:s25], [sflag:$0x1] =	stream.indirect.gather [hbm4b:s5+s24], $0x80, s21, s24, $0xb8;
	[tilespmem:$0x1EE00] =	vst v63  }
0x3a: {  	s6 =	sadd.s32 s1, s6  }
0x3b: {  	[tilespmem:s19], [sflag:$0x3] =	stream.linear.gather [hbm4b:s6+s4], $0x80, $0x38;
	[tilespmem:$0x1EE00] =	vst v63  }
0x3c: {  	_ =	swait.ge [sflag:s31], $0x4000  }
0x3d: {  	[sflag:s31] =	ssyncset.done $0x0  }
0x3e: {  	s10 =	simm.s32 $0x14080;
	[sflag:s31] =	ssyncadd.s32 $0xFFFFC000  }
0x3f: {  	[spmem:s2] =	stream.indirect.scatter.add.f32 [tilespmem:s28], [sflag:$0x7], $0x80, s10, s24, $0xb8;
	[tilespmem:$0x1EE00] =	vst v63  }
0x40: {  	_ =	swait.ge [sflag:s16], $0x4000  }
0x41: {  	s11 =	simm.s32 $0x280;
	[sflag:s16] =	ssyncset.done $0x0  }
0x42: {  	s15 =	sand.u32 $0x7C00, s11;
	[sflag:s16] =	ssyncadd.s32 $0xFFFFC000  }
0x43: {  	s8 =	sadd.s32 s7, s15;
	s6 =	sand.u32 $0x280, s11;
	_ =	swait.ge [sflag:s0], $0x80  }
0x44: {  	s6 =	sor.u32 s6, s8;
	[sflag:s0] =	ssyncset.done $0x0  }
0x45: {  	s6 =	sshrl.u32 s6, $0x3;
	[sflag:s0] =	ssyncadd.s32 $0xFFFFFF80  }
0x46: {  	[tilespmem:s28], [sflag:$0x2] =	stream.indirect.gather [hbm4b:s5+s24], $0x80, s22, s24, $0xb8;
	[tilespmem:$0x1EE00] =	vst v63  }
0x47: {  	s6 =	sadd.s32 s1, s6  }
0x48: {  	[tilespmem:s20], [sflag:$0x4] =	stream.linear.gather [hbm4b:s6+s4], $0x80, $0x38;
	[tilespmem:$0x1EE00] =	vst v63  }
0x49: {  	_ =	swait.ge [sflag:s29], $0x4000  }
0x4a: {  	[sflag:s29] =	ssyncset.done $0x0  }
0x4b: {  	s10 =	simm.s32 $0x14100;
	[sflag:s29] =	ssyncadd.s32 $0xFFFFC000  }
0x4c: {  	[spmem:s2] =	stream.indirect.scatter.add.f32 [tilespmem:s25], [sflag:$0x7], $0x80, s10, s24, $0xb8;
	[tilespmem:$0x1EE00] =	vst v63  }
0x4d: {  	_ =	swait.ge [sflag:s16], $0x4000  }
0x4e: {  	s11 =	simm.s32 $0x300;
	[sflag:s16] =	ssyncset.done $0x0  }
0x4f: {  	s15 =	sand.u32 $0x7C00, s11;
	[sflag:s16] =	ssyncadd.s32 $0xFFFFC000  }
0x50: {  	s8 =	sadd.s32 s7, s15;
	s6 =	sand.u32 $0x300, s11;
	_ =	swait.ge [sflag:s23], $0x80  }
0x51: {  	s6 =	sor.u32 s6, s8;
	[sflag:s23] =	ssyncset.done $0x0  }
0x52: {  	s6 =	sshrl.u32 s6, $0x3;
	[sflag:s23] =	ssyncadd.s32 $0xFFFFFF80  }
0x53: {  	[tilespmem:s25], [sflag:$0x1] =	stream.indirect.gather [hbm4b:s5+s24], $0x80, s19, s24, $0xb8;
	[tilespmem:$0x1EE00] =	vst v63  }
0x54: {  	s6 =	sadd.s32 s1, s6  }
0x55: {  	[tilespmem:s21], [sflag:$0x5] =	stream.linear.gather [hbm4b:s6+s4], $0x80, $0x38;
	[tilespmem:$0x1EE00] =	vst v63  }
0x56: {  	_ =	swait.ge [sflag:s31], $0x4000  }
0x57: {  	[sflag:s31] =	ssyncset.done $0x0  }
0x58: {  	s15 =	simm.s32 $0x14180;
	[sflag:s31] =	ssyncadd.s32 $0xFFFFC000  }
0x59: {  	[spmem:s2] =	stream.indirect.scatter.add.f32 [tilespmem:s28], [sflag:$0x7], $0x80, s15, s24, $0xb8;
	[tilespmem:$0x1EE00] =	vst v63  }
0x5a: {  	_ =	swait.ge [sflag:s16], $0x4000  }
0x5b: {  	s10 =	simm.s32 $0x380;
	[sflag:s16] =	ssyncset.done $0x0  }
0x5c: {  	s11 =	sand.u32 $0x7C00, s10;
	[sflag:s16] =	ssyncadd.s32 $0xFFFFC000  }
0x5d: {  	s8 =	sadd.s32 s7, s11;
	s6 =	sand.u32 $0x380, s10;
	_ =	swait.ge [sflag:s26], $0x80  }
0x5e: {  	s8 =	sor.u32 s6, s8;
	[sflag:s26] =	ssyncset.done $0x0  }
0x5f: {  	s6 =	simm.s32 $0x580;
	s8 =	sshrl.u32 s8, $0x3;
	[sflag:s26] =	ssyncadd.s32 $0xFFFFFF80  }
0x60: {  	[tilespmem:s28], [sflag:$0x2] =	stream.indirect.gather [hbm4b:s5+s24], $0x80, s20, s24, $0xb8;
	[tilespmem:$0x1EE00] =	vst v63  }
.LBB2_2:
0x61: {  	p0 =	sne.s32 s6, $0x2980;
	s8 =	sadd.s32 s1, s8;
	s15 =	sadd.s32 $0x200, s15  }
0x62: {  	[tilespmem:s22], [sflag:$0x6] =	stream.linear.gather [hbm4b:s8+s4], $0x80, $0x38;
	[tilespmem:$0x1EE00] =	vst v63  }
0x63: {  	s8 =	smov.u32 s6;
	s6 =	sadd.s32 $0x200, s6;
	_ =	swait.ge [sflag:s29], $0x4000  }
0x64: {  	s10 =	sadd.s32 $0xFFFFFE80, s15;
	[sflag:s29] =	ssyncset.done $0x0  }
0x65: {  	[sflag:s29] =	ssyncadd.s32 $0xFFFFC000  }
0x66: {  	[spmem:s2] =	stream.indirect.scatter.add.f32 [tilespmem:s25], [sflag:$0x7], $0x80, s10, s24, $0xb8;
	[tilespmem:$0x1EE00] =	vst v63  }
0x67: {  	_ =	swait.ge [sflag:s16], $0x4000  }
0x68: {  	s10 =	sadd.s32 $0xFFFFFE80, s8;
	[sflag:s16] =	ssyncset.done $0x0  }
0x69: {  	s11 =	sand.u32 $0x7C00, s10;
	s10 =	sand.u32 $0x200, s10;
	[sflag:s16] =	ssyncadd.s32 $0xFFFFC000  }
0x6a: {  	s11 =	sadd.s32 s7, s11;
	_ =	swait.ge [sflag:s30], $0x80  }
0x6b: {  	s10 =	sor.u32 s10, s11;
	[sflag:s30] =	ssyncset.done $0x0  }
0x6c: {  	s10 =	sshrl.u32 s10, $0x3;
	[sflag:s30] =	ssyncadd.s32 $0xFFFFFF80  }
0x6d: {  	[tilespmem:s25], [sflag:$0x1] =	stream.indirect.gather [hbm4b:s5+s24], $0x80, s21, s24, $0xb8;
	[tilespmem:$0x1EE00] =	vst v63  }
0x6e: {  	s10 =	sadd.s32 s1, s10  }
0x6f: {  	[tilespmem:s19], [sflag:$0x3] =	stream.linear.gather [hbm4b:s10+s4], $0x80, $0x38;
	[tilespmem:$0x1EE00] =	vst v63  }
0x70: {  	_ =	swait.ge [sflag:s31], $0x4000  }
0x71: {  	s10 =	sadd.s32 $0xFFFFFF00, s15;
	[sflag:s31] =	ssyncset.done $0x0  }
0x72: {  	[sflag:s31] =	ssyncadd.s32 $0xFFFFC000  }
0x73: {  	[spmem:s2] =	stream.indirect.scatter.add.f32 [tilespmem:s28], [sflag:$0x7], $0x80, s10, s24, $0xb8;
	[tilespmem:$0x1EE00] =	vst v63  }
0x74: {  	_ =	swait.ge [sflag:s16], $0x4000  }
0x75: {  	s10 =	sadd.s32 $0xFFFFFF00, s8;
	[sflag:s16] =	ssyncset.done $0x0  }
0x76: {  	s11 =	sand.u32 $0x7C00, s10;
	s10 =	sand.u32 $0x280, s10;
	[sflag:s16] =	ssyncadd.s32 $0xFFFFC000  }
0x77: {  	s11 =	sadd.s32 s7, s11;
	_ =	swait.ge [sflag:s0], $0x80  }
0x78: {  	s10 =	sor.u32 s10, s11;
	[sflag:s0] =	ssyncset.done $0x0  }
0x79: {  	s10 =	sshrl.u32 s10, $0x3;
	[sflag:s0] =	ssyncadd.s32 $0xFFFFFF80  }
0x7a: {  	[tilespmem:s28], [sflag:$0x2] =	stream.indirect.gather [hbm4b:s5+s24], $0x80, s22, s24, $0xb8;
	[tilespmem:$0x1EE00] =	vst v63  }
0x7b: {  	s10 =	sadd.s32 s1, s10  }
0x7c: {  	[tilespmem:s20], [sflag:$0x4] =	stream.linear.gather [hbm4b:s10+s4], $0x80, $0x38;
	[tilespmem:$0x1EE00] =	vst v63  }
0x7d: {  	_ =	swait.ge [sflag:s29], $0x4000  }
0x7e: {  	s10 =	sadd.s32 $0xFFFFFF80, s15;
	[sflag:s29] =	ssyncset.done $0x0  }
0x7f: {  	[sflag:s29] =	ssyncadd.s32 $0xFFFFC000  }
0x80: {  	[spmem:s2] =	stream.indirect.scatter.add.f32 [tilespmem:s25], [sflag:$0x7], $0x80, s10, s24, $0xb8;
	[tilespmem:$0x1EE00] =	vst v63  }
0x81: {  	_ =	swait.ge [sflag:s16], $0x4000  }
0x82: {  	s10 =	sadd.s32 $0xFFFFFF80, s8;
	[sflag:s16] =	ssyncset.done $0x0  }
0x83: {  	s11 =	sand.u32 $0x7C00, s10;
	[sflag:s16] =	ssyncadd.s32 $0xFFFFC000  }
0x84: {  	s10 =	sand.u32 $0x300, s10;
	s11 =	sadd.s32 s7, s11;
	_ =	swait.ge [sflag:s23], $0x80  }
0x85: {  	s10 =	sor.u32 s10, s11;
	[sflag:s23] =	ssyncset.done $0x0  }
0x86: {  	s10 =	sshrl.u32 s10, $0x3;
	[sflag:s23] =	ssyncadd.s32 $0xFFFFFF80  }
0x87: {  	[tilespmem:s25], [sflag:$0x1] =	stream.indirect.gather [hbm4b:s5+s24], $0x80, s19, s24, $0xb8;
	[tilespmem:$0x1EE00] =	vst v63  }
0x88: {  	s10 =	sadd.s32 s1, s10  }
0x89: {  	[tilespmem:s21], [sflag:$0x5] =	stream.linear.gather [hbm4b:s10+s4], $0x80, $0x38;
	[tilespmem:$0x1EE00] =	vst v63  }
0x8a: {  	_ =	swait.ge [sflag:s31], $0x4000  }
0x8b: {  	[sflag:s31] =	ssyncset.done $0x0  }
0x8c: {  	[sflag:s31] =	ssyncadd.s32 $0xFFFFC000  }
0x8d: {  	[spmem:s2] =	stream.indirect.scatter.add.f32 [tilespmem:s28], [sflag:$0x7], $0x80, s15, s24, $0xb8;
	[tilespmem:$0x1EE00] =	vst v63  }
0x8e: {  	_ =	swait.ge [sflag:s16], $0x4000  }
0x8f: {  	[sflag:s16] =	ssyncset.done $0x0  }
.Ltmp0:
0x90: {  	s10 =	sand.u32 $0x7C00, s8;
	[sflag:s16] =	ssyncadd.s32 $0xFFFFC000;
	(pc) =	sbr.rel @p0 .LBB2_2-.Ltmp0, $4  }
0x91: {  	s8 =	sand.u32 $0x380, s8;
	s10 =	sadd.s32 s7, s10;
	_ =	swait.ge [sflag:s26], $0x80  }
0x92: {  	s8 =	sor.u32 s8, s10;
	[sflag:s26] =	ssyncset.done $0x0  }
0x93: {  	s8 =	sshrl.u32 s8, $0x3;
	[sflag:s26] =	ssyncadd.s32 $0xFFFFFF80  }
0x94: {  	[tilespmem:s28], [sflag:$0x2] =	stream.indirect.gather [hbm4b:s5+s24], $0x80, s20, s24, $0xb8;
	[tilespmem:$0x1EE00] =	vst v63  }
0x95: {  	s6 =	sadd.s32 s1, s8  }
0x96: {  	[tilespmem:s22], [sflag:$0x6] =	stream.linear.gather [hbm4b:s6+s4], $0x80, $0x38;
	[tilespmem:$0x1EE00] =	vst v63  }
0x97: {  	_ =	swait.ge [sflag:s29], $0x4000  }
0x98: {  	[sflag:s29] =	ssyncset.done $0x0  }
0x99: {  	[sflag:s29] =	ssyncadd.s32 $0xFFFFC000  }
0x9a: {  	_ =	swait.ge [sflag:s31], $0x4000  }
0x9b: {  	[sflag:s31] =	ssyncset.done $0x0  }
0x9c: {  	[sflag:s31] =	ssyncadd.s32 $0xFFFFC000  }
0x9d: {  	_ =	swait.ge [sflag:s30], $0x80  }
0x9e: {  	[sflag:s30] =	ssyncset.done $0x0  }
0x9f: {  	[sflag:s30] =	ssyncadd.s32 $0xFFFFFF80  }
0xa0: {  	_ =	swait.ge [sflag:s0], $0x80  }
0xa1: {  	s3 =	sadd.s32 $0x1, s3;
	[sflag:s0] =	ssyncset.done $0x0  }
0xa2: {  	p0 =	sne.s32 s3, s14;
	[sflag:s0] =	ssyncadd.s32 $0xFFFFFF80  }
.Ltmp1:
0xa3: {  	[bflag:$0x0] =	sbarrier.arrive $0xFFFF;
	(pc) =	sbr.rel @p0 .LBB2_1-.Ltmp1, $4  }
0xa4: {  	[hbm:s13], [sflag:s17] =	dma.local [spmem:s18], $0x2800  }
0xa5: {  	_ =	swait.ge [sflag:s16], $0x2800  }
0xa6: {  	[sflag:s16] =	ssyncset.done $0x0  }
0xa7: {  	[sflag:s16] =	ssyncadd.s32 $0xFFFFD800  }
0xa8: {  	_ =	sfence.sel $0x180000  }
0xa9: {  	[bflag:$0x0] =	sbarrier.arrive $0xFFFF  }
0xaa: {  	_ =	strace $0x90000050  }
0xab: {  	s0 =	stileid.u32;
	[bflag:$0x2] =	sbarrier.arrive $0xFFFF  }
0xac: {  	p0 =	sne.s32 s0, $0x0;
	s0 =	rddreg [dreg:$0x4]  }
0xad: {  	s0 =	sadd.s32 @!p0 $0x100000, s0  }
0xae: {  	[sflag:s0] =	ssyncadd.tile.s32 @!p0 $0x1;
	_ =	shalt  }
.Lfunc_end2:
_tile_overlayer_lowered:
.L_overlay_start_2:
0xaf: {  	(tag) =	ssettag $0x2  }
0xb0: {  	s0 =	rddreg [dreg:$0x0];
	s2 =	stileid.u32  }
0xb1: {  	s1 =	rddreg [dreg:$0x1];
	p0 =	sne.s32 s2, $0x0  }
0xb2: {  	s3 =	rddreg [dreg:$0x2];
	[bflag:$0x3] =	sbarrier.arrive $0xFFFF;
	s2 =	simm.s32 @!p0 $0x1C07  }
0xb3: {  	[timem:s3], [sflag:s2] =	dma.local @!p0 [hbm:s0], s1  }
0xb4: {  	s0 =	simm.s32 @!p0 $0x7  }
0xb5: {  	_ =	swait.ge @!p0 [sflag:s0], s1  }
0xb6: {  	s1 =	ssub.s32 @!p0 $0x0, s1;
	[sflag:s0] =	ssyncset.done @!p0 $0x0  }
0xb7: {  	[sflag:s0] =	ssyncadd.s32 @!p0 s1  }
0xb8: {  	[bflag:$0x3] =	sbarrier.arrive $0xFFFF  }
0xb9: {  	_ =	shalt  }

// kernel: kernel.9.cloned.1.call-start
scs
__scs_entry_jumppad:
0x0: {  	(pc) =	sbr.rel $0x88, $3  }
0x1: {  	(tag) =	ssettag $0x0;
	lr =	simm.s32 $0x1  }
0x2: {  	[smem:$0x3F94] =	sst lr;
	_ =	strace $0xD0000000  }
0x3: {  	_ = 	snop  }
0x4: {  	_ = 	snop  }
0x5: {  	_ = 	snop  }
0x6: {  	_ = 	snop  }
0x7: {  	_ = 	snop  }
__scs_overlays_trampoline_lowered:
0x8: {  	[smem:$0x3FA3] =	sst s0  }
0x9: {  	[smem:$0x3FA4] =	sst s1  }
0xa: {  	[smem:$0x3FA5] =	sst s2  }
0xb: {  	[smem:$0x3FA6] =	sst s3  }
0xc: {  	[smem:$0x3FA7] =	sst s4  }
0xd: {  	[smem:$0x3FA8] =	sst s5  }
0xe: {  	[smem:$0x3FA9] =	sst s6  }
0xf: {  	[smem:$0x3FAA] =	sst s7  }
0x10: {  	[smem:$0x3FAB] =	sst s8  }
0x11: {  	[smem:$0x3FAC] =	sst s9;
	s0 =	simm.s32 @!p0 $0x0  }
0x12: {  	s1 =	sld [smem:$0x3F92];
	s0 =	simm.s32 @p0 $0x1  }
0x13: {  	[smem:$0x3FAD] =	sst s0;
	s0 =	simm.s32 @!p1 $0x0  }
0x14: {  	s2 =	sld [smem:$0x3F91];
	s0 =	simm.s32 @p1 $0x1  }
0x15: {  	[smem:$0x3FAE] =	sst s0;
	s0 =	simm.s32 @!p2 $0x0  }
0x16: {  	s3 =	sld [smem:$0x3FDB];
	s0 =	simm.s32 @p2 $0x1  }
0x17: {  	s4 =	simm.s32 $0x1BF5;
	[smem:$0x3FB0] =	sst s0  }
0x18: {  	s0 =	sld [smem:$0x3F93];
	_ =	swait.ge [sflag:s4], $0x0  }
0x19: {  	s7 =	sld [smem:$0x3F94]  }
0x1a: {  	s8 =	sadd.s32 $0xFFFFE003, lr  }
0x1b: {  	s9 =	sadd.s32 $0xFFFFFEF7, lr;
	s5 =	simm.s32 $0xFFFFFFFF;
	p2 =	slt.u32 s8, $0xFFFFF086  }
0x1c: {  	p1 =	slt.u32 s9, $0xF7A;
	s5 =	simm.s32 @!p2 $0x0  }
0x1d: {  	s5 =	simm.s32 @p1 $0x1;
	p0 =	seq.s32 s7, s2  }
0x1e: {  	s7 =	smul.u32 @!p0 $0xF7A, s2;
	p2 =	seq.s32 @!p0 s5, $0x0  }
0x1f: {  	s9 =	smul.u32 $0xF7A, s1;
	s8 =	simm.s32 @!p0 $0x1BF5;
	p2 =	por !p2, p0  }
0x20: {  	[sflag:s8] =	ssyncset.s32 @!p0 $0xFFFFF086;
	s6 =	sadd.s32 @!p0 s3, s7;
	s7 =	simm.s32 @!p0 $0x108  }
0x21: {  	s3 =	sadd.s32 s3, s9;
	s6 =	sadd.s32 @!p0 $0x88, s6;
	s7 =	simm.s32 @p2 $0x1082  }
0x22: {  	[simem:s7], [sflag:s8] =	dma.local @!p0 [hbm:s6], $0xF7A  }
0x23: {  	s9 =	sor.u32 $0xD0000000, s2;
	s6 =	simm.s32 $0x108;
	_ =	swait.ge @!p0 [sflag:s8], $0x0  }
0x24: {  	s3 =	sadd.s32 $0x88, s3;
	s6 =	simm.s32 @!p1 $0x1082;
	[sflag:s4] =	ssyncset.s32 $0xFFFFF086  }
0x25: {  	[simem:s6], [sflag:s4] =	dma.local [hbm:s3], $0xF7A  }
0x26: {  	[smem:$0x3F94] =	sst s1;
	(tag) =	ssettag s2;
	_ =	strace s9  }
0x27: {  	s1 =	sld [smem:$0x3FA4]  }
0x28: {  	s2 =	sld [smem:$0x3FA5]  }
0x29: {  	s4 =	sld [smem:$0x3FA7]  }
0x2a: {  	p0 =	seq.s32 s5, $0x0;
	s5 =	sld [smem:$0x3FA8]  }
0x2b: {  	s6 =	sld [smem:$0x3FA9]  }
0x2c: {  	s7 =	sld [smem:$0x3FAA]  }
0x2d: {  	s3 =	simm.s32 $0x108;
	s8 =	sld [smem:$0x3FAB]  }
0x2e: {  	s3 =	simm.s32 @!p0 $0x1082;
	s9 =	sld [smem:$0x3FAC]  }
0x2f: {  	lr =	sadd.s32 s0, s3;
	s0 =	sld [smem:$0x3FA3]  }
0x30: {  	s3 =	sld [smem:$0x3FA6]  }
0x31: {  	[smem:$0x3FAF] =	sst s10  }
0x32: {  	s10 =	sld [smem:$0x3FAD];
	_ =	sdelay $0x3  }
0x33: {  	p0 =	seq.s32 s10, $0x1;
	s10 =	sld [smem:$0x3FAF];
	_ =	sdelay $0x3  }
0x34: {  	[smem:$0x3FAF] =	sst s10  }
0x35: {  	s10 =	sld [smem:$0x3FAE];
	_ =	sdelay $0x3  }
0x36: {  	p1 =	seq.s32 s10, $0x1;
	s10 =	sld [smem:$0x3FAF];
	_ =	sdelay $0x3  }
0x37: {  	[smem:$0x3FAF] =	sst s10  }
0x38: {  	s10 =	sld [smem:$0x3FB0]  }
0x39: {  	_ = 	snop;
	(pc) =	sbr.ind lr, $3  }
0x3a: {  	_ = 	snop  }
0x3b: {  	_ = 	snop  }
0x3c: {  	p2 =	seq.s32 s10, $0x1;
	s10 =	sld [smem:$0x3FAF]  }
0x3d: {  	_ =	shalt  }
0x3e: {  	_ =	shalt  }
0x3f: {  	_ =	shalt  }
0x40: {  	_ =	shalt  }
0x41: {  	_ =	shalt  }
0x42: {  	_ =	shalt  }
0x43: {  	_ =	shalt  }
0x44: {  	_ =	shalt  }
0x45: {  	_ =	shalt  }
0x46: {  	_ =	shalt  }
0x47: {  	_ =	shalt  }
0x48: {  	_ =	shalt  }
0x49: {  	_ =	shalt  }
0x4a: {  	_ =	shalt  }
0x4b: {  	_ =	shalt  }
0x4c: {  	_ =	shalt  }
0x4d: {  	_ =	shalt  }
0x4e: {  	_ =	shalt  }
0x4f: {  	_ =	shalt  }
0x50: {  	_ =	shalt  }
0x51: {  	_ =	shalt  }
0x52: {  	_ =	shalt  }
0x53: {  	_ =	shalt  }
0x54: {  	_ =	shalt  }
0x55: {  	_ =	shalt  }
0x56: {  	_ =	shalt  }
0x57: {  	_ =	shalt  }
0x58: {  	_ =	shalt  }
0x59: {  	_ =	shalt  }
0x5a: {  	_ =	shalt  }
0x5b: {  	_ =	shalt  }
0x5c: {  	_ =	shalt  }
0x5d: {  	_ =	shalt  }
0x5e: {  	_ =	shalt  }
0x5f: {  	_ =	shalt  }
0x60: {  	_ =	shalt  }
0x61: {  	_ =	shalt  }
0x62: {  	_ =	shalt  }
0x63: {  	_ =	shalt  }
0x64: {  	_ =	shalt  }
0x65: {  	_ =	shalt  }
0x66: {  	_ =	shalt  }
0x67: {  	_ =	shalt  }
0x68: {  	_ =	shalt  }
0x69: {  	_ =	shalt  }
0x6a: {  	_ =	shalt  }
0x6b: {  	_ =	shalt  }
0x6c: {  	_ =	shalt  }
0x6d: {  	_ =	shalt  }
0x6e: {  	_ =	shalt  }
0x6f: {  	_ =	shalt  }
0x70: {  	_ =	shalt  }
0x71: {  	_ =	shalt  }
0x72: {  	_ =	shalt  }
0x73: {  	_ =	shalt  }
0x74: {  	_ =	shalt  }
0x75: {  	_ =	shalt  }
0x76: {  	_ =	shalt  }
0x77: {  	_ =	shalt  }
0x78: {  	_ =	shalt  }
0x79: {  	_ =	shalt  }
0x7a: {  	_ =	shalt  }
0x7b: {  	_ =	shalt  }
0x7c: {  	_ =	shalt  }
0x7d: {  	_ =	shalt  }
0x7e: {  	_ =	shalt  }
0x7f: {  	_ =	shalt  }
0x80: {  	_ =	shalt  }
0x81: {  	_ =	shalt  }
0x82: {  	_ =	shalt  }
0x83: {  	_ =	shalt  }
0x84: {  	_ =	shalt  }
0x85: {  	_ =	shalt  }
0x86: {  	_ =	shalt  }
0x87: {  	_ =	shalt  }
.Lfunc_end0:
.L_simem_size_0:
called_computation_lowered:
.L_overlay_start_0:
0x88: {  	s2 =	sld [smem:$0x3FD9]  }
0x89: {  	s3 =	sld [smem:$0x3FFE];
	_ =	sdelay $0x1  }
0x8a: {  	s1 =	srdreg.scid  }
0x8b: {  	s0 =	sand.u32 $0x1, s1  }
0x8c: {  	s16 =	sshll.u32 s0, $0xA;
	s2 =	sadd.s32 s3, s2  }
0x8d: {  	s2 =	sadd.s32 s2, s16  }
0x8e: {  	[smem:$0x3FBB] =	sst s2  }
0x8f: {  	_ = 	snop  }
0x90: {  	(tm) =	ssettm $0x1  }
0x91: {  	s17 =	sld [smem:$0x3FFB];
	_ =	sdelay $0x3  }
0x92: {  	_ =	strace s17  }
0x93: {  	s2 =	sld [smem:$0x3FFC];
	_ =	sdelay $0x3  }
0x94: {  	_ =	strace s2  }
0x95: {  	s2 =	sld [smem:$0x3FFD];
	_ =	sdelay $0x3  }
0x96: {  	_ =	strace s2  }
0x97: {  	_ =	strace $0x8FFFFFFF  }
0x98: {  	s18 =	sld [smem:$0x3FDB];
	_ =	sdelay $0x1  }
0x99: {  	s19 =	simm.s32 $_scs_section_size  }
0x9a: {  	s4 =	simm.s32 $_size__tile_overlayer_lowered;
	s5 =	simm.s32 $_tile_overlayer_lowered  }
0x9b: {  	s22 =	simm.s32 $0x1BFF;
	s21 =	sshll.u32 s5, $0x1;
	s2 =	sadd.s32 s19, s18  }
0x9c: {  	s6 =	simm.s32 $0x0;
	s20 =	sshll.u32 s4, $0x1;
	s4 =	sadd.s32 s21, s2  }
0x9d: {  	[timem:s6], [sflag:s22] =	dma.local [hbm:s4], s20  }
0x9e: {  	_ =	swait.ge [sflag:s22], s20  }
0x9f: {  	s3 =	ssub.s32 $0x0, s20;
	[sflag:s22] =	ssyncset.done $0x0  }
0xa0: {  	[sflag:s22] =	ssyncadd.s32 s3;
	_ =	sdelay $0x1  }
0xa1: {  	s23 =	simm.s32 $0x1B8B  }
0xa2: {  	_ =	swait.ge [sflag:s23], $0x1  }
0xa3: {  	[sflag:s23] =	ssyncset.done $0x0  }
0xa4: {  	s25 =	simm.s32 $0x1B8E;
	s24 =	sld [smem:$0x3FFE];
	[sflag:s23] =	ssyncadd.s32 $0xFFFFFFFF  }
0xa5: {  	s26 =	simm.s32 $execute0_lowered;
	[smem:$0x3FD2] =	sst s25  }
0xa6: {  	s4 =	sshll.u32 s26, $0x1;
	_ =	strace $0x80000046;
	[dreg:$0x1] =	wrdreg $0xFFFFFFFF  }
0xa7: {  	s28 =	simm.s32 $_size_execute0_lowered;
	s2 =	sadd.s32 s2, s4;
	[dreg:$0x0] =	wrdreg $0x0  }
0xa8: {  	s4 =	sshll.u32 s28, $0x1;
	[dreg:$0x2] =	wrdreg s2  }
0xa9: {  	[dreg:$0x3] =	wrdreg s4  }
0xaa: {  	[dreg:$0x4] =	wrdreg $0xC0  }
0xab: {  	_ =	task [dreg:s6], $0x5FFFF  }
0xac: {  	[dreg:$0x1] =	wrdreg $0xFFFFFFFF  }
0xad: {  	[dreg:$0x0] =	wrdreg $0x60  }
0xae: {  	[dreg:$0x2] =	wrdreg s24  }
0xaf: {  	[dreg:$0x3] =	wrdreg $0x9  }
0xb0: {  	_ =	task.clear_ibuf [dreg:s6], $0x4FFFF;
	_ =	strace $0x90000046  }
0xb1: {  	s29 =	simm.s32 $0x9;
	_ =	strace $0x80000048  }
0xb2: {  	_ =	swait.ge [sflag:s29], $0x1  }
0xb3: {  	[sflag:s29] =	ssyncadd.s32 $0xFFFFFFFF  }
0xb4: {  	_ =	strace $0x90000048  }
0xb5: {  	_ =	sfence  }
0xb6: {  	s30 =	sld [smem:$0x0];
	_ =	sdelay $0x2  }
0xb7: {  	s31 =	sshll.u32 s1, $0xD;
	s1 =	sshrl.u32 s1, $0x2  }
0xb8: {  	s3 =	sand.u32 $0x4000, s31;
	s1 =	sadd.s32 s1, s30  }
0xb9: {  	s0 =	sor.u32 s3, s0;
	s1 =	sshll.u32 s1, $0x11  }
0xba: {  	s0 =	sor.u32 s1, s0  }
0xbb: {  	s0 =	sadd.s32 $0x8F2B, s0  }
0xbc: {  	[sflag:s0] =	ssyncadd.remote.s32 $0x1  }
0xbd: {  	_ =	sfence.sel $0xFFFF  }
0xbe: {  	[dreg:$0x0] =	wrdreg $0xFFFFFFFF;
	(pc) =	sbr.abs _section_cstart, $3  }
0xbf: {  	[dreg:$0x1] =	wrdreg $0xFFFFFFFF  }
0xc0: {  	_ =	task.clear_ibuf [dreg:s6], $0x2FFFF;
	_ =	strace $0x9FFFFFFF  }
0xc1: {  	(tm) =	ssettm $0x7FFFFFFF  }
tec
execute0_lowered:
.L_overlay_start_1:
0x0: {  	(tag) =	ssettag $0x1  }
0x1: {  	s1 =	srdreg.scid  }
0x2: {  	s1 =	sand.u32 $0x1, s1  }
0x3: {  	p0 =	seq.s32 s1, $0x1  }
.Ltmp0:
0x4: {  	_ = 	snop;
	(pc) =	sbr.rel @p0 .LBB2_6-.Ltmp0, $4  }
0x5: {  	_ = 	snop  }
0x6: {  	s2 =	rddreg [dreg:$0x0];
	s3 =	simm.s32 $0x0  }
0x7: {  	[smem:$0x7FF] =	sst s3  }
0x8: {  	s0 =	rddreg [dreg:$0x1];
	_ =	strace $0x80000047;
	s1 =	stileid.u32  }
0x9: {  	s4 =	sshrl.u32 s1, $0x3  }
0xa: {  	s5 =	sshll.u32 s1, $0x7;
	s4 =	smul.u32 $0x14000, s4  }
0xb: {  	s5 =	sand.u32 $0x380, s5  }
0xc: {  	s4 =	sor.u32 s5, s4  }
0xd: {  	s29 =	sadd.s32 $0x3000, s2;
	s6 =	simm.s32 $0x80;
	s4 =	sshrl.u32 s4, $0x3  }
0xe: {  	s7 =	simm.s32 $0x400;
	s30 =	simm.s32 $0x1;
	s5 =	sadd.s32 s29, s4  }
0xf: {  	[tilespmem:s3], [sflag:$0x1] =	stream.strided.gather [hbm4b:s5+s6], $0x2800, s7, s6, $0x38;
	[tilespmem:$0x5000] =	vst v63  }
0x10: {  	_ =	swait.ge [sflag:s30], $0x2800  }
0x11: {  	s31 =	sadd.s32 s4, s2;
	[sflag:s30] =	ssyncset.done $0x0  }
0x12: {  	v0 =	vimm.f32 $0.0e+00;
	s2 =	sadd.s32 $0x8000, s31;
	[sflag:s30] =	ssyncadd.s32 $0xFFFFD800  }
.LBB2_2:
0x13: {  	p0 =	sne.s32 s3, $0x9FC0  }
.Ltmp1:
0x14: {  	_ = 	snop;
	(pc) =	sbr.rel @p0 .LBB2_2-.Ltmp1, $3  }
0x15: {  	_ =	sdelay $0x1  }
0x16: {  	s4 =	sshra.s32 s3, $0x2  }
0x17: {  	s3 =	sadd.s32 $0x40, s3;
	[tilespmem:s4+$0x2800] =	vst v0  }
0x18: {  	v0 =	vimm.f32 $1.000000000e+00;
	s3 =	simm.s32 $0x2800;
	s5 =	simm.s32 $0x0;
	s4 =	simm.s32 $0x40  }
.LBB2_4:
0x19: {  	p0 =	sne.s32 s4, $0x9FC0;
	v1 =	vld [tilespmem:s5+$0x0];
	_ =	sdelay $0x3  }
.Ltmp2:
0x1a: {  	(pc) =	sbr.rel @p0 .LBB2_4-.Ltmp2, $2  }
0x1b: {  	_ =	sdelay $0x2  }
0x1c: {  	s5 =	sshra.s32 s4, $0x2;
	s4 =	sadd.s32 $0x40, s4;
	[tilespmem:v1+s3+$0x0] =	vst.idx.add.f32.msk $0xffff, v0  }
0x1d: {  	v1 =	vld [tilespmem:s5+$0x0];
	_ =	sdelay $0x6  }
0x1e: {  	s29 =	simm.s32 $0x80  }
0x1f: {  	s4 =	simm.s32 $0x400;
	s30 =	simm.s32 $0x2800;
	s31 =	simm.s32 $0x1;
	[tilespmem:v1+s3+$0x0] =	vst.idx.add.f32.msk $0xffff, v0  }
0x20: {  	[hbm4b:s2+s29] =	stream.strided.scatter [tilespmem:s30], [sflag:$0x1], $0x2800, s4, s29, $0x38;
	[tilespmem:$0x5000] =	vst v63  }
0x21: {  	_ =	swait.ge [sflag:s31], $0x2800  }
0x22: {  	[sflag:s31] =	ssyncset.done $0x0  }
0x23: {  	[sflag:s31] =	ssyncadd.s32 $0xFFFFD800  }
.LBB2_6:
0x24: {  	_ =	sfence.sel $0x180000  }
0x25: {  	[bflag:$0x0] =	sbarrier.arrive $0xFFFF  }
0x26: {  	p0 =	sne.s32 s1, $0x0;
	_ =	strace $0x90000047  }
0x27: {  	s0 =	sadd.s32 @!p0 $0x100000, s0;
	[bflag:$0x2] =	sbarrier.arrive $0xFFFF  }
0x28: {  	[sflag:s0] =	ssyncadd.tile.s32 @!p0 $0x1;
	_ =	shalt  }
.Lfunc_end2:
_tile_overlayer_lowered:
.L_overlay_start_2:
0x29: {  	(tag) =	ssettag $0x2  }
0x2a: {  	s0 =	rddreg [dreg:$0x0];
	s2 =	stileid.u32  }
0x2b: {  	s1 =	rddreg [dreg:$0x1];
	p0 =	sne.s32 s2, $0x0  }
0x2c: {  	s3 =	rddreg [dreg:$0x2];
	[bflag:$0x3] =	sbarrier.arrive $0xFFFF;
	s2 =	simm.s32 @!p0 $0x1C01  }
0x2d: {  	[timem:s3], [sflag:s2] =	dma.local @!p0 [hbm:s0], s1  }
0x2e: {  	s0 =	simm.s32 @!p0 $0x1  }
0x2f: {  	_ =	swait.ge @!p0 [sflag:s0], s1  }
0x30: {  	s1 =	ssub.s32 @!p0 $0x0, s1;
	[sflag:s0] =	ssyncset.done @!p0 $0x0  }
0x31: {  	[sflag:s0] =	ssyncadd.s32 @!p0 s1  }
0x32: {  	[bflag:$0x3] =	sbarrier.arrive $0xFFFF  }
0x33: {  	_ =	shalt  }

</sc_bundles>
